<compile_context>
chip_gen: v7x
topology: tpu7x:2x2x1
jax: 0.10.2.dev20260603
libtpu: 0.0.44.dev20260713+nightly
codegen_flags: <defaults>
</compile_context>

<pallas_src>
import functools

import jax
import jax.numpy as jnp
from jax import lax
from jax.experimental import pallas as pl
from jax.experimental.pallas import tpu as pltpu
from jax.experimental.pallas import tpu_sc as plsc

_D = 128
_DP = _D // 2
_G = 64
_NW = 32
_FPW = _DP // _NW
_ECHUNK = 32768
_LANES = 16

def _pack_rows(b):
    n = b.shape[1]
    rt = b.astype(jnp.bfloat16).astype(jnp.float32)
    bits = lax.bitcast_convert_type(rt, jnp.uint32).reshape(_DP, 2, n)
    pk = (bits[:, 0, :] >> 16) | ((bits[:, 1, :] >> 16) << 16)
    return lax.bitcast_convert_type(pk, jnp.int32)


def _unpack_rows(pk):
    n = pk.shape[1]
    bits = lax.bitcast_convert_type(pk, jnp.uint32)
    lo = lax.bitcast_convert_type(bits << 16, jnp.float32)
    hi = lax.bitcast_convert_type((bits >> 16) << 16, jnp.float32)
    return jnp.concatenate([lo[:, None, :], hi[:, None, :]], axis=1
                           ).reshape(_D, n)



def _bn_rows(z, g, b):
    mu = jnp.mean(z, axis=1, keepdims=True)
    var = jnp.mean((z - mu) ** 2, axis=1, keepdims=True)
    return g * (z - mu) * lax.rsqrt(var + 1e-5) + b


def _onehot(batch2d, n):
    ids = lax.broadcasted_iota(jnp.int32, (n, _G), 1)
    return (batch2d == ids).astype(jnp.float32)


def _head_body(xT_ref, w1a_ref, b1a_ref, g1a_ref, be1a_ref, w1b_ref, b1b_ref,
               t1_ref, t2_ref, batch_ref, bpk_ref, ct_ref, s_ref):
    n = xT_ref.shape[1]
    z = jnp.dot(w1a_ref[:].T, xT_ref[:], preferred_element_type=jnp.float32)
    z = z + b1a_ref[:]
    zn = jnp.maximum(_bn_rows(z, g1a_ref[:], be1a_ref[:]), 0.0)
    h = jnp.dot(w1b_ref[:].T, zn, preferred_element_type=jnp.float32) + b1b_ref[:]
    oh = _onehot(batch_ref[:], n)
    s_ref[:] = lax.dot_general(oh, h, (((0,), (1,)), ((), ())),
                               preferred_element_type=jnp.float32)
    a = jnp.dot(t1_ref[:].T, h, preferred_element_type=jnp.float32)
    b = jnp.dot(t2_ref[:].T, h, preferred_element_type=jnp.float32)
    bpk_ref[:] = _pack_rows(b)
    ct_ref[:] = a - b


def _mid_body(ct_ref, mpk_ref, tee_ref, g_ref, b_ref, t1_ref, t2_ref,
              batch_ref, h_ref, bpk_ref, ctout_ref, s_ref):
    n = ct_ref.shape[1]
    mt = _unpack_rows(mpk_ref[:])
    agg = jnp.maximum(tee_ref[:] * (ct_ref[:] + mt), 0.0)
    h = jnp.maximum(_bn_rows(agg, g_ref[:], b_ref[:]), 0.0)
    h_ref[:] = h
    oh = _onehot(batch_ref[:], n)
    s_ref[:] = lax.dot_general(oh, h, (((0,), (1,)), ((), ())),
                               preferred_element_type=jnp.float32)
    a = jnp.dot(t1_ref[:].T, h, preferred_element_type=jnp.float32)
    b = jnp.dot(t2_ref[:].T, h, preferred_element_type=jnp.float32)
    bpk_ref[:] = _pack_rows(b)
    ctout_ref[:] = a - b


def _final_body(ct_ref, mpk_ref, tee_ref, g_ref, b_ref, h1_ref, h2_ref,
                batch_ref, s0_ref, s1_ref, s2_ref, wp_ref, bp_ref,
                np_ref, gp_ref):
    n = ct_ref.shape[1]
    mt = _unpack_rows(mpk_ref[:])
    agg = jnp.maximum(tee_ref[:] * (ct_ref[:] + mt), 0.0)
    h3 = jnp.maximum(_bn_rows(agg, g_ref[:], b_ref[:]), 0.0)
    np_ref[:] = h1_ref[:] + h2_ref[:] + h3
    oh = _onehot(batch_ref[:], n)
    s3 = lax.dot_general(oh, h3, (((0,), (1,)), ((), ())),
                         preferred_element_type=jnp.float32)
    ones = jnp.ones((1, n), dtype=jnp.float32)
    cnt = lax.dot_general(oh, ones, (((0,), (1,)), ((), ())),
                          preferred_element_type=jnp.float32)
    inv = 1.0 / jnp.maximum(cnt, 1.0)
    gp = jnp.zeros((_G, _D), dtype=jnp.float32)
    for l, s in enumerate((s0_ref[:], s1_ref[:], s2_ref[:], s3)):
        gp = gp + jnp.dot(s * inv, wp_ref[l],
                          preferred_element_type=jnp.float32) + bp_ref[l]
    gp_ref[:] = gp


def _tc_head(xT, w1a, b1a, g1a, be1a, w1b, b1b, t1, t2, batch2d):
    n = xT.shape[1]
    return pl.pallas_call(
        _head_body,
        out_shape=(
            jax.ShapeDtypeStruct((_DP, n), jnp.int32),
            jax.ShapeDtypeStruct((_D, n), jnp.float32),
            jax.ShapeDtypeStruct((_G, _D), jnp.float32),
        ),
    )(xT, w1a, b1a, g1a, be1a, w1b, b1b, t1, t2, batch2d)


def _tc_mid(ct, mpk, tee, g, b, t1, t2, batch2d):
    n = ct.shape[1]
    return pl.pallas_call(
        _mid_body,
        out_shape=(
            jax.ShapeDtypeStruct((_D, n), jnp.float32),
            jax.ShapeDtypeStruct((_DP, n), jnp.int32),
            jax.ShapeDtypeStruct((_D, n), jnp.float32),
            jax.ShapeDtypeStruct((_G, _D), jnp.float32),
        ),
    )(ct, mpk, tee, g, b, t1, t2, batch2d)


def _tc_final(ct, mpk, tee, g, b, h1, h2, batch2d, s0, s1, s2, wp, bp):
    n = ct.shape[1]
    return pl.pallas_call(
        _final_body,
        out_shape=(
            jax.ShapeDtypeStruct((_D, n), jnp.float32),
            jax.ShapeDtypeStruct((_G, _D), jnp.float32),
        ),
    )(ct, mpk, tee, g, b, h1, h2, batch2d, s0, s1, s2, wp, bp)



def _sc_segmax(bpk, src_p, dst_p):
    n = bpk.shape[1]
    epad = src_p.shape[0]
    nchunks = epad // _ECHUNK
    slab = _FPW * n
    mesh = plsc.VectorSubcoreMesh(core_axis_name="c", subcore_axis_name="s")
    unroll = 4

    @functools.partial(
        pl.kernel,
        out_type=jax.ShapeDtypeStruct((_DP * n,), jnp.int32),
        mesh=mesh,
        scratch_types=(
            [pltpu.VMEM((n,), jnp.int32) for _ in range(_FPW)]
            + [pltpu.VMEM((n,), jnp.int32) for _ in range(_FPW)]
            + [
                pltpu.VMEM((_ECHUNK,), jnp.int32),
                pltpu.VMEM((_ECHUNK,), jnp.int32),
                pltpu.VMEM((n,), jnp.int32),
            ]
        ),
        compiler_params=pltpu.CompilerParams(needs_layout_passes=False),
    )
    def k(bpk_hbm, src_hbm, dst_hbm, out_hbm, *refs):
        bt_v = refs[:_FPW]
        mt_v = refs[_FPW:2 * _FPW]
        src_v, dst_v, dup_v = refs[2 * _FPW:]
        wid = lax.axis_index("s") * 2 + lax.axis_index("c")
        fbase = wid * slab
        for f in range(_FPW):
            pltpu.sync_copy(bpk_hbm.at[pl.ds(fbase + f * n, n)], bt_v[f])
            pltpu.sync_copy(bpk_hbm.at[pl.ds(fbase + f * n, n)], mt_v[f])

        lanes_iota = lax.iota(jnp.int32, _LANES)

        def pmax(a_i32, b_i32):
            a = plsc.bitcast(a_i32, jnp.bfloat16)
            b = plsc.bitcast(b_i32, jnp.bfloat16)
            return plsc.bitcast(jnp.maximum(a, b), jnp.int32)

        def slow_vec(s16, d16):
            for f in range(_FPW):
                vals = plsc.load_gather(bt_v[f], [s16])

                def need(cur):
                    return pmax(vals, cur) != cur

                def wcond(nd):
                    return jnp.any(nd)

                def wbody(nd):
                    cur = plsc.load_gather(mt_v[f], [d16])
                    plsc.store_scatter(mt_v[f], [d16], pmax(vals, cur),
                                       mask=nd)
                    return need(plsc.load_gather(mt_v[f], [d16]))

                lax.while_loop(wcond, wbody,
                               need(plsc.load_gather(mt_v[f], [d16])))

        def chunk_body(cix, carry):
            pltpu.sync_copy(src_hbm.at[pl.ds(cix * _ECHUNK, _ECHUNK)], src_v)
            pltpu.sync_copy(dst_hbm.at[pl.ds(cix * _ECHUNK, _ECHUNK)], dst_v)

            def vec_body(vix, c2):
                mism = jnp.zeros((_LANES,), jnp.bool_)
                for u in range(unroll):
                    off = (vix * unroll + u) * _LANES
                    s16 = src_v[pl.ds(off, _LANES)]
                    d16 = dst_v[pl.ds(off, _LANES)]
                    plsc.store_scatter(dup_v, [d16], lanes_iota)
                    back = plsc.load_gather(dup_v, [d16])
                    mism = mism | (back != lanes_iota)
                    for f in range(_FPW):
                        vals = plsc.load_gather(bt_v[f], [s16])
                        cur = plsc.load_gather(mt_v[f], [d16])
                        plsc.store_scatter(mt_v[f], [d16], pmax(vals, cur))

                @pl.when(jnp.any(mism))
                def _slow():
                    for u in range(unroll):
                        off = (vix * unroll + u) * _LANES
                        slow_vec(src_v[pl.ds(off, _LANES)],
                                 dst_v[pl.ds(off, _LANES)])
                return c2

            return lax.fori_loop(0, _ECHUNK // (_LANES * unroll), vec_body,
                                 carry)

        lax.fori_loop(0, nchunks, chunk_body, 0)
        for f in range(_FPW):
            pltpu.sync_copy(mt_v[f], out_hbm.at[pl.ds(fbase + f * n, n)])

    return k(bpk.reshape(_DP * n), src_p, dst_p).reshape(_DP, n)



def kernel(x, edge_index, batch, W1a, b1a, g1a, be1a, W1b, b1b,
           theta1, theta2, theta_ee, gbn, bbn, Wp, bp):
    n, d = x.shape
    e = edge_index.shape[1]
    epad = ((e + _ECHUNK - 1) // _ECHUNK) * _ECHUNK

    xT = x.T
    src_p = jnp.concatenate(
        [edge_index[0], jnp.zeros((epad - e,), edge_index.dtype)])
    dst_p = jnp.concatenate(
        [edge_index[1], jnp.zeros((epad - e,), edge_index.dtype)])
    batch2d = batch.reshape(n, 1)

    col = lambda v: v.reshape(d, 1)
    bp4 = bp.reshape(4, 1, d)

    bpk0, ct0, s0 = _tc_head(xT, W1a, col(b1a), col(g1a), col(be1a),
                             W1b, col(b1b), theta1[0], theta2[0], batch2d)
    mpk0 = _sc_segmax(bpk0, src_p, dst_p)
    h1, bpk1, ct1, s1 = _tc_mid(ct0, mpk0, col(theta_ee[0]), col(gbn[0]),
                                col(bbn[0]), theta1[1], theta2[1], batch2d)
    mpk1 = _sc_segmax(bpk1, src_p, dst_p)
    h2, bpk2, ct2, s2 = _tc_mid(ct1, mpk1, col(theta_ee[1]), col(gbn[1]),
                                col(bbn[1]), theta1[2], theta2[2], batch2d)
    mpk2 = _sc_segmax(bpk2, src_p, dst_p)
    node_poolT, gpool = _tc_final(ct2, mpk2, col(theta_ee[2]), col(gbn[2]),
                                  col(bbn[2]), h1, h2, batch2d,
                                  s0, s1, s2, Wp, bp4)
    return node_poolT.T, gpool

# --- scband reference (transcript-rebuilt; emitter-appended) ---
"""Pipeline reference for scband-net-81372450390621 (READ-ONLY COPY).

The authoritative reference and input builder live on the scoring server;
editing this copy changes nothing except your own understanding.
"""

import jax, jax.numpy as jnp
import numpy as np

N = 10000
E = 320000
D = 128
G = 64

def _bn(x, g, b):
    mu = jnp.mean(x, axis=0, keepdims=True)
    var = jnp.var(x, axis=0, keepdims=True)
    return g * (x - mu) / jnp.sqrt(var + 1e-5) + b

def _cmpnn(h, src, dst, t1, t2, tee, n):
    A = h @ t1
    B = h @ t2
    msg = tee * (A[dst] + B[src] - B[dst])
    agg = jax.ops.segment_max(msg, dst, num_segments=n)
    return jax.nn.relu(agg)

def setup_inputs(seed: int = 0):
    key = jax.random.key(seed)
    ks = jax.random.split(key, 24)
    inp = {}
    inp['x'] = jax.random.normal(ks[0], (N, D), dtype=jnp.float32)
    inp['edge_index'] = jax.random.randint(ks[1], (2, E), 0, N, dtype=jnp.int32)
    inp['batch'] = jnp.sort(jax.random.randint(ks[2], (N,), 0, G, dtype=jnp.int32))
    inp['W1a'] = jax.random.normal(ks[3], (D, D), dtype=jnp.float32) * 0.05
    inp['b1a'] = jnp.zeros((D,), dtype=jnp.float32)
    inp['g1a'] = jnp.ones((D,), dtype=jnp.float32)
    inp['be1a'] = jnp.zeros((D,), dtype=jnp.float32)
    inp['W1b'] = jax.random.normal(ks[4], (D, D), dtype=jnp.float32) * 0.05
    inp['b1b'] = jnp.zeros((D,), dtype=jnp.float32)
    inp['theta1'] = jax.random.normal(ks[5], (3, D, D), dtype=jnp.float32) * 0.05
    inp['theta2'] = jax.random.normal(ks[6], (3, D, D), dtype=jnp.float32) * 0.05
    inp['theta_ee'] = jnp.ones((3, D), dtype=jnp.float32)
    inp['gbn'] = jnp.ones((3, D), dtype=jnp.float32)
    inp['bbn'] = jnp.zeros((3, D), dtype=jnp.float32)
    inp['Wp'] = jax.random.normal(ks[7], (4, D, D), dtype=jnp.float32) * 0.05
    inp['bp'] = jnp.zeros((4, D), dtype=jnp.float32)
    return inp

def reference(x, edge_index, batch, W1a, b1a, g1a, be1a, W1b, b1b, theta1, theta2, theta_ee, gbn, bbn, Wp, bp):
    n = x.shape[0]
    loops = jnp.arange(n, dtype=edge_index.dtype)
    ei = jnp.concatenate([edge_index, jnp.stack([loops, loops])], axis=1)
    src, dst = ei[0], ei[1]
    h = jax.nn.relu(_bn(x @ W1a + b1a, g1a, be1a)) @ W1b + b1b
    hidden = [h]
    node_pool = None
    for i in range(3):
        h = jax.nn.relu(_bn(_cmpnn(h, src, dst, theta1[i], theta2[i], theta_ee[i], n), gbn[i], bbn[i]))
        node_pool = h if node_pool is None else node_pool + h
        hidden.append(h)
    counts = jax.ops.segment_sum(jnp.ones((n,), dtype=x.dtype), batch, num_segments=G)
    counts = jnp.maximum(counts, 1.0)[:, None]
    gpool = jnp.zeros((G, h.shape[1]), dtype=x.dtype)
    for layer, lh in enumerate(hidden):
        gp = jax.ops.segment_sum(lh, batch, num_segments=G) / counts
        gpool = gpool + (gp @ Wp[layer] + bp[layer])
    return (node_pool, gpool)

if __name__ == "__main__":
    import jax
    _d = setup_inputs()
    print(jax.jit(kernel)(*tuple(_d.values())))

</pallas_src>

<mosaic_0001>
#map = affine_map<(d0, d1) -> (0)>
module attributes {stable_mosaic.version = 14 : i64} {
  func.func @k(%arg0: i32, %arg1: i32, %arg2: memref<640000xi32, #tpu.memory_space<hbm>>, %arg3: memref<327680xi32, #tpu.memory_space<hbm>>, %arg4: memref<327680xi32, #tpu.memory_space<hbm>>, %arg5: memref<640000xi32, #tpu.memory_space<hbm>>, %arg6: memref<10000xi32, #tpu.memory_space<vmem>>, %arg7: memref<10000xi32, #tpu.memory_space<vmem>>, %arg8: memref<10000xi32, #tpu.memory_space<vmem>>, %arg9: memref<10000xi32, #tpu.memory_space<vmem>>, %arg10: memref<32768xi32, #tpu.memory_space<vmem>>, %arg11: memref<32768xi32, #tpu.memory_space<vmem>>, %arg12: memref<10000xi32, #tpu.memory_space<vmem>>) attributes {dimension_semantics = [#tpu.dimension_semantics<core_parallel>, #tpu.dimension_semantics<subcore_parallel>], iteration_bounds = array<i64: 2, 16>, scalar_prefetch = 0 : i64, scratch_operands = 7 : i64, tpu.core_type = #tpu.core_type<sc_vector_subcore>, window_params = [{transform_indices = #map}, {transform_indices = #map}, {transform_indices = #map}, {transform_indices = #map}]} {
    %mul3A = arith.constant 2 : i32
    %mul3A_0 = arith.muli %arg1, %mul3A : i32
    %add3A = arith.addi %mul3A_0, %arg0 : i32
    %mul3A_1 = arith.constant 20000 : i32
    %mul3A_2 = arith.muli %add3A, %mul3A_1 : i32
    %add3A_3 = arith.constant 0 : i32
    %add3A_4 = arith.addi %mul3A_2, %add3A_3 : i32
    "tpu.region"() ({
      %run_scoped3A = tpu.sem_alloc : memref<!tpu.dma_semaphore, #tpu.memory_space<semaphore_mem>>
      %dma_start3A = tpu.memref_slice %arg2[%add3A_4] : memref<640000xi32, #tpu.memory_space<hbm>> -> memref<10000xi32, #tpu.memory_space<hbm>>
      %dma_start3A_20 = tpu.memref_slice %arg2[%add3A_4] : memref<640000xi32, #tpu.memory_space<hbm>> -> memref<10000xi32, #tpu.memory_space<hbm>>
      tpu.enqueue_dma source(%dma_start3A_20 : memref<10000xi32, #tpu.memory_space<hbm>>) target(%arg6 : memref<10000xi32, #tpu.memory_space<vmem>>) target_semaphore(%run_scoped3A : memref<!tpu.dma_semaphore, #tpu.memory_space<semaphore_mem>>)
      %dma_wait3A = tpu.memref_slice %arg2[%add3A_4] : memref<640000xi32, #tpu.memory_space<hbm>> -> memref<10000xi32, #tpu.memory_space<hbm>>
      %dma_wait3A_21 = tpu.memref_slice %arg2[%add3A_4] : memref<640000xi32, #tpu.memory_space<hbm>> -> memref<10000xi32, #tpu.memory_space<hbm>>
      tpu.wait_dma2 semaphore(%run_scoped3A : memref<!tpu.dma_semaphore, #tpu.memory_space<semaphore_mem>>) src(%dma_wait3A_21 : memref<10000xi32, #tpu.memory_space<hbm>>) dst(%arg6 : memref<10000xi32, #tpu.memory_space<vmem>>)
      tpu.yield
    }) : () -> ()
    %add3A_5 = arith.constant 0 : i32
    %add3A_6 = arith.addi %mul3A_2, %add3A_5 : i32
    "tpu.region"() ({
      %run_scoped3A = tpu.sem_alloc : memref<!tpu.dma_semaphore, #tpu.memory_space<semaphore_mem>>
      %dma_start3A = tpu.memref_slice %arg2[%add3A_6] : memref<640000xi32, #tpu.memory_space<hbm>> -> memref<10000xi32, #tpu.memory_space<hbm>>
      %dma_start3A_20 = tpu.memref_slice %arg2[%add3A_6] : memref<640000xi32, #tpu.memory_space<hbm>> -> memref<10000xi32, #tpu.memory_space<hbm>>
      tpu.enqueue_dma source(%dma_start3A_20 : memref<10000xi32, #tpu.memory_space<hbm>>) target(%arg8 : memref<10000xi32, #tpu.memory_space<vmem>>) target_semaphore(%run_scoped3A : memref<!tpu.dma_semaphore, #tpu.memory_space<semaphore_mem>>)
      %dma_wait3A = tpu.memref_slice %arg2[%add3A_6] : memref<640000xi32, #tpu.memory_space<hbm>> -> memref<10000xi32, #tpu.memory_space<hbm>>
      %dma_wait3A_21 = tpu.memref_slice %arg2[%add3A_6] : memref<640000xi32, #tpu.memory_space<hbm>> -> memref<10000xi32, #tpu.memory_space<hbm>>
      tpu.wait_dma2 semaphore(%run_scoped3A : memref<!tpu.dma_semaphore, #tpu.memory_space<semaphore_mem>>) src(%dma_wait3A_21 : memref<10000xi32, #tpu.memory_space<hbm>>) dst(%arg8 : memref<10000xi32, #tpu.memory_space<vmem>>)
      tpu.yield
    }) : () -> ()
    %add3A_7 = arith.constant 10000 : i32
    %add3A_8 = arith.addi %mul3A_2, %add3A_7 : i32
    "tpu.region"() ({
      %run_scoped3A = tpu.sem_alloc : memref<!tpu.dma_semaphore, #tpu.memory_space<semaphore_mem>>
      %dma_start3A = tpu.memref_slice %arg2[%add3A_8] : memref<640000xi32, #tpu.memory_space<hbm>> -> memref<10000xi32, #tpu.memory_space<hbm>>
      %dma_start3A_20 = tpu.memref_slice %arg2[%add3A_8] : memref<640000xi32, #tpu.memory_space<hbm>> -> memref<10000xi32, #tpu.memory_space<hbm>>
      tpu.enqueue_dma source(%dma_start3A_20 : memref<10000xi32, #tpu.memory_space<hbm>>) target(%arg7 : memref<10000xi32, #tpu.memory_space<vmem>>) target_semaphore(%run_scoped3A : memref<!tpu.dma_semaphore, #tpu.memory_space<semaphore_mem>>)
      %dma_wait3A = tpu.memref_slice %arg2[%add3A_8] : memref<640000xi32, #tpu.memory_space<hbm>> -> memref<10000xi32, #tpu.memory_space<hbm>>
      %dma_wait3A_21 = tpu.memref_slice %arg2[%add3A_8] : memref<640000xi32, #tpu.memory_space<hbm>> -> memref<10000xi32, #tpu.memory_space<hbm>>
      tpu.wait_dma2 semaphore(%run_scoped3A : memref<!tpu.dma_semaphore, #tpu.memory_space<semaphore_mem>>) src(%dma_wait3A_21 : memref<10000xi32, #tpu.memory_space<hbm>>) dst(%arg7 : memref<10000xi32, #tpu.memory_space<vmem>>)
      tpu.yield
    }) : () -> ()
    %add3A_9 = arith.constant 10000 : i32
    %add3A_10 = arith.addi %mul3A_2, %add3A_9 : i32
    "tpu.region"() ({
      %run_scoped3A = tpu.sem_alloc : memref<!tpu.dma_semaphore, #tpu.memory_space<semaphore_mem>>
      %dma_start3A = tpu.memref_slice %arg2[%add3A_10] : memref<640000xi32, #tpu.memory_space<hbm>> -> memref<10000xi32, #tpu.memory_space<hbm>>
      %dma_start3A_20 = tpu.memref_slice %arg2[%add3A_10] : memref<640000xi32, #tpu.memory_space<hbm>> -> memref<10000xi32, #tpu.memory_space<hbm>>
      tpu.enqueue_dma source(%dma_start3A_20 : memref<10000xi32, #tpu.memory_space<hbm>>) target(%arg9 : memref<10000xi32, #tpu.memory_space<vmem>>) target_semaphore(%run_scoped3A : memref<!tpu.dma_semaphore, #tpu.memory_space<semaphore_mem>>)
      %dma_wait3A = tpu.memref_slice %arg2[%add3A_10] : memref<640000xi32, #tpu.memory_space<hbm>> -> memref<10000xi32, #tpu.memory_space<hbm>>
      %dma_wait3A_21 = tpu.memref_slice %arg2[%add3A_10] : memref<640000xi32, #tpu.memory_space<hbm>> -> memref<10000xi32, #tpu.memory_space<hbm>>
      tpu.wait_dma2 semaphore(%run_scoped3A : memref<!tpu.dma_semaphore, #tpu.memory_space<semaphore_mem>>) src(%dma_wait3A_21 : memref<10000xi32, #tpu.memory_space<hbm>>) dst(%arg9 : memref<10000xi32, #tpu.memory_space<vmem>>)
      tpu.yield
    }) : () -> ()
    %iota3A = tpu.iota {dimensions = array<i32: 0>} : vector<16xi32>
    %scan3A = arith.constant 0 : i32
    %scan3A_11 = arith.constant 0 : i32
    %scan3A_12 = arith.constant 10 : i32
    %scan3A_13 = arith.addi %scan3A_11, %scan3A_12 : i32
    %scan3A_14 = arith.constant 1 : i32
    scf.for %scan3A_20 = %scan3A_11 to %scan3A_13 step %scan3A_14  : i32 {
      %mul3A_21 = arith.constant 32768 : i32
      %mul3A_22 = arith.muli %scan3A_20, %mul3A_21 : i32
      "tpu.region"() ({
        %run_scoped3A = tpu.sem_alloc : memref<!tpu.dma_semaphore, #tpu.memory_space<semaphore_mem>>
        %dma_start3A = tpu.memref_slice %arg3[%mul3A_22] : memref<327680xi32, #tpu.memory_space<hbm>> -> memref<32768xi32, #tpu.memory_space<hbm>>
        %dma_start3A_30 = tpu.memref_slice %arg3[%mul3A_22] : memref<327680xi32, #tpu.memory_space<hbm>> -> memref<32768xi32, #tpu.memory_space<hbm>>
        tpu.enqueue_dma source(%dma_start3A_30 : memref<32768xi32, #tpu.memory_space<hbm>>) target(%arg10 : memref<32768xi32, #tpu.memory_space<vmem>>) target_semaphore(%run_scoped3A : memref<!tpu.dma_semaphore, #tpu.memory_space<semaphore_mem>>)
        %dma_wait3A = tpu.memref_slice %arg3[%mul3A_22] : memref<327680xi32, #tpu.memory_space<hbm>> -> memref<32768xi32, #tpu.memory_space<hbm>>
        %dma_wait3A_31 = tpu.memref_slice %arg3[%mul3A_22] : memref<327680xi32, #tpu.memory_space<hbm>> -> memref<32768xi32, #tpu.memory_space<hbm>>
        tpu.wait_dma2 semaphore(%run_scoped3A : memref<!tpu.dma_semaphore, #tpu.memory_space<semaphore_mem>>) src(%dma_wait3A_31 : memref<32768xi32, #tpu.memory_space<hbm>>) dst(%arg10 : memref<32768xi32, #tpu.memory_space<vmem>>)
        tpu.yield
      }) : () -> ()
      %mul3A_23 = arith.constant 32768 : i32
      %mul3A_24 = arith.muli %scan3A_20, %mul3A_23 : i32
      "tpu.region"() ({
        %run_scoped3A = tpu.sem_alloc : memref<!tpu.dma_semaphore, #tpu.memory_space<semaphore_mem>>
        %dma_start3A = tpu.memref_slice %arg4[%mul3A_24] : memref<327680xi32, #tpu.memory_space<hbm>> -> memref<32768xi32, #tpu.memory_space<hbm>>
        %dma_start3A_30 = tpu.memref_slice %arg4[%mul3A_24] : memref<327680xi32, #tpu.memory_space<hbm>> -> memref<32768xi32, #tpu.memory_space<hbm>>
        tpu.enqueue_dma source(%dma_start3A_30 : memref<32768xi32, #tpu.memory_space<hbm>>) target(%arg11 : memref<32768xi32, #tpu.memory_space<vmem>>) target_semaphore(%run_scoped3A : memref<!tpu.dma_semaphore, #tpu.memory_space<semaphore_mem>>)
        %dma_wait3A = tpu.memref_slice %arg4[%mul3A_24] : memref<327680xi32, #tpu.memory_space<hbm>> -> memref<32768xi32, #tpu.memory_space<hbm>>
        %dma_wait3A_31 = tpu.memref_slice %arg4[%mul3A_24] : memref<327680xi32, #tpu.memory_space<hbm>> -> memref<32768xi32, #tpu.memory_space<hbm>>
        tpu.wait_dma2 semaphore(%run_scoped3A : memref<!tpu.dma_semaphore, #tpu.memory_space<semaphore_mem>>) src(%dma_wait3A_31 : memref<32768xi32, #tpu.memory_space<hbm>>) dst(%arg11 : memref<32768xi32, #tpu.memory_space<vmem>>)
        tpu.yield
      }) : () -> ()
      %scan3A_25 = arith.constant 0 : i32
      %scan3A_26 = arith.constant 512 : i32
      %scan3A_27 = arith.addi %scan3A_25, %scan3A_26 : i32
      %scan3A_28 = arith.constant 1 : i32
      scf.for %scan3A_30 = %scan3A_25 to %scan3A_27 step %scan3A_28  : i32 {
        %broadcast_in_dim3A = arith.constant false
        %broadcast_in_dim3A_31 = vector.broadcast %broadcast_in_dim3A : i1 to vector<16xi1>
        %mul3A_32 = arith.constant 4 : i32
        %mul3A_33 = arith.muli %scan3A_30, %mul3A_32 : i32
        %add3A_34 = arith.constant 0 : i32
        %add3A_35 = arith.addi %mul3A_33, %add3A_34 : i32
        %mul3A_36 = arith.constant 16 : i32
        %mul3A_37 = arith.muli %add3A_35, %mul3A_36 : i32
        %get3A = arith.index_cast %mul3A_37 : i32 to index
        %get3A_38 = tpu.vector_load %arg10[%get3A] {strides = array<i32>} : memref<32768xi32, #tpu.memory_space<vmem>>, vector<16xi32>,
        %get3A_39 = arith.index_cast %mul3A_37 : i32 to index
        %get3A_40 = tpu.vector_load %arg11[%get3A_39] {strides = array<i32>} : memref<32768xi32, #tpu.memory_space<vmem>>, vector<16xi32>,
        tpu.vector_store_idx %arg12[%get3A_40], %iota3A : memref<10000xi32, #tpu.memory_space<vmem>>[vector<16xi32>], vector<16xi32>,
        %gather3A = tpu.vector_load_idx %arg12[%get3A_40] : memref<10000xi32, #tpu.memory_space<vmem>>[vector<16xi32>], vector<16xi32>,
        %ne3A = arith.cmpi ne, %gather3A, %iota3A : vector<16xi32>
        %or3A = arith.ori %broadcast_in_dim3A_31, %ne3A : vector<16xi1>
        %gather3A_41 = tpu.vector_load_idx %arg6[%get3A_38] : memref<10000xi32, #tpu.memory_space<vmem>>[vector<16xi32>], vector<16xi32>,
        %gather3A_42 = tpu.vector_load_idx %arg8[%get3A_40] : memref<10000xi32, #tpu.memory_space<vmem>>[vector<16xi32>], vector<16xi32>,
        %bitcast3A = vector.bitcast %gather3A_41 : vector<16xi32> to vector<32xbf16>
        %bitcast3A_43 = vector.bitcast %gather3A_42 : vector<16xi32> to vector<32xbf16>
        %max3A = arith.maximumf %bitcast3A, %bitcast3A_43 : vector<32xbf16>
        %bitcast3A_44 = vector.bitcast %max3A : vector<32xbf16> to vector<16xi32>
        tpu.vector_store_idx %arg8[%get3A_40], %bitcast3A_44 : memref<10000xi32, #tpu.memory_space<vmem>>[vector<16xi32>], vector<16xi32>,
        %gather3A_45 = tpu.vector_load_idx %arg7[%get3A_38] : memref<10000xi32, #tpu.memory_space<vmem>>[vector<16xi32>], vector<16xi32>,
        %gather3A_46 = tpu.vector_load_idx %arg9[%get3A_40] : memref<10000xi32, #tpu.memory_space<vmem>>[vector<16xi32>], vector<16xi32>,
        %bitcast3A_47 = vector.bitcast %gather3A_45 : vector<16xi32> to vector<32xbf16>
        %bitcast3A_48 = vector.bitcast %gather3A_46 : vector<16xi32> to vector<32xbf16>
        %max3A_49 = arith.maximumf %bitcast3A_47, %bitcast3A_48 : vector<32xbf16>
        %bitcast3A_50 = vector.bitcast %max3A_49 : vector<32xbf16> to vector<16xi32>
        tpu.vector_store_idx %arg9[%get3A_40], %bitcast3A_50 : memref<10000xi32, #tpu.memory_space<vmem>>[vector<16xi32>], vector<16xi32>,
        %mul3A_51 = arith.constant 4 : i32
        %mul3A_52 = arith.muli %scan3A_30, %mul3A_51 : i32
        %add3A_53 = arith.constant 1 : i32
        %add3A_54 = arith.addi %mul3A_52, %add3A_53 : i32
        %mul3A_55 = arith.constant 16 : i32
        %mul3A_56 = arith.muli %add3A_54, %mul3A_55 : i32
        %get3A_57 = arith.index_cast %mul3A_56 : i32 to index
        %get3A_58 = tpu.vector_load %arg10[%get3A_57] {strides = array<i32>} : memref<32768xi32, #tpu.memory_space<vmem>>, vector<16xi32>,
        %get3A_59 = arith.index_cast %mul3A_56 : i32 to index
        %get3A_60 = tpu.vector_load %arg11[%get3A_59] {strides = array<i32>} : memref<32768xi32, #tpu.memory_space<vmem>>, vector<16xi32>,
        tpu.vector_store_idx %arg12[%get3A_60], %iota3A : memref<10000xi32, #tpu.memory_space<vmem>>[vector<16xi32>], vector<16xi32>,
        %gather3A_61 = tpu.vector_load_idx %arg12[%get3A_60] : memref<10000xi32, #tpu.memory_space<vmem>>[vector<16xi32>], vector<16xi32>,
        %ne3A_62 = arith.cmpi ne, %gather3A_61, %iota3A : vector<16xi32>
        %or3A_63 = arith.ori %or3A, %ne3A_62 : vector<16xi1>
        %gather3A_64 = tpu.vector_load_idx %arg6[%get3A_58] : memref<10000xi32, #tpu.memory_space<vmem>>[vector<16xi32>], vector<16xi32>,
        %gather3A_65 = tpu.vector_load_idx %arg8[%get3A_60] : memref<10000xi32, #tpu.memory_space<vmem>>[vector<16xi32>], vector<16xi32>,
        %bitcast3A_66 = vector.bitcast %gather3A_64 : vector<16xi32> to vector<32xbf16>
        %bitcast3A_67 = vector.bitcast %gather3A_65 : vector<16xi32> to vector<32xbf16>
        %max3A_68 = arith.maximumf %bitcast3A_66, %bitcast3A_67 : vector<32xbf16>
        %bitcast3A_69 = vector.bitcast %max3A_68 : vector<32xbf16> to vector<16xi32>
        tpu.vector_store_idx %arg8[%get3A_60], %bitcast3A_69 : memref<10000xi32, #tpu.memory_space<vmem>>[vector<16xi32>], vector<16xi32>,
        %gather3A_70 = tpu.vector_load_idx %arg7[%get3A_58] : memref<10000xi32, #tpu.memory_space<vmem>>[vector<16xi32>], vector<16xi32>,
        %gather3A_71 = tpu.vector_load_idx %arg9[%get3A_60] : memref<10000xi32, #tpu.memory_space<vmem>>[vector<16xi32>], vector<16xi32>,
        %bitcast3A_72 = vector.bitcast %gather3A_70 : vector<16xi32> to vector<32xbf16>
        %bitcast3A_73 = vector.bitcast %gather3A_71 : vector<16xi32> to vector<32xbf16>
        %max3A_74 = arith.maximumf %bitcast3A_72, %bitcast3A_73 : vector<32xbf16>
        %bitcast3A_75 = vector.bitcast %max3A_74 : vector<32xbf16> to vector<16xi32>
        tpu.vector_store_idx %arg9[%get3A_60], %bitcast3A_75 : memref<10000xi32, #tpu.memory_space<vmem>>[vector<16xi32>], vector<16xi32>,
        %mul3A_76 = arith.constant 4 : i32
        %mul3A_77 = arith.muli %scan3A_30, %mul3A_76 : i32
        %add3A_78 = arith.constant 2 : i32
        %add3A_79 = arith.addi %mul3A_77, %add3A_78 : i32
        %mul3A_80 = arith.constant 16 : i32
        %mul3A_81 = arith.muli %add3A_79, %mul3A_80 : i32
        %get3A_82 = arith.index_cast %mul3A_81 : i32 to index
        %get3A_83 = tpu.vector_load %arg10[%get3A_82] {strides = array<i32>} : memref<32768xi32, #tpu.memory_space<vmem>>, vector<16xi32>,
        %get3A_84 = arith.index_cast %mul3A_81 : i32 to index
        %get3A_85 = tpu.vector_load %arg11[%get3A_84] {strides = array<i32>} : memref<32768xi32, #tpu.memory_space<vmem>>, vector<16xi32>,
        tpu.vector_store_idx %arg12[%get3A_85], %iota3A : memref<10000xi32, #tpu.memory_space<vmem>>[vector<16xi32>], vector<16xi32>,
        %gather3A_86 = tpu.vector_load_idx %arg12[%get3A_85] : memref<10000xi32, #tpu.memory_space<vmem>>[vector<16xi32>], vector<16xi32>,
        %ne3A_87 = arith.cmpi ne, %gather3A_86, %iota3A : vector<16xi32>
        %or3A_88 = arith.ori %or3A_63, %ne3A_87 : vector<16xi1>
        %gather3A_89 = tpu.vector_load_idx %arg6[%get3A_83] : memref<10000xi32, #tpu.memory_space<vmem>>[vector<16xi32>], vector<16xi32>,
        %gather3A_90 = tpu.vector_load_idx %arg8[%get3A_85] : memref<10000xi32, #tpu.memory_space<vmem>>[vector<16xi32>], vector<16xi32>,
        %bitcast3A_91 = vector.bitcast %gather3A_89 : vector<16xi32> to vector<32xbf16>
        %bitcast3A_92 = vector.bitcast %gather3A_90 : vector<16xi32> to vector<32xbf16>
        %max3A_93 = arith.maximumf %bitcast3A_91, %bitcast3A_92 : vector<32xbf16>
        %bitcast3A_94 = vector.bitcast %max3A_93 : vector<32xbf16> to vector<16xi32>
        tpu.vector_store_idx %arg8[%get3A_85], %bitcast3A_94 : memref<10000xi32, #tpu.memory_space<vmem>>[vector<16xi32>], vector<16xi32>,
        %gather3A_95 = tpu.vector_load_idx %arg7[%get3A_83] : memref<10000xi32, #tpu.memory_space<vmem>>[vector<16xi32>], vector<16xi32>,
        %gather3A_96 = tpu.vector_load_idx %arg9[%get3A_85] : memref<10000xi32, #tpu.memory_space<vmem>>[vector<16xi32>], vector<16xi32>,
        %bitcast3A_97 = vector.bitcast %gather3A_95 : vector<16xi32> to vector<32xbf16>
        %bitcast3A_98 = vector.bitcast %gather3A_96 : vector<16xi32> to vector<32xbf16>
        %max3A_99 = arith.maximumf %bitcast3A_97, %bitcast3A_98 : vector<32xbf16>
        %bitcast3A_100 = vector.bitcast %max3A_99 : vector<32xbf16> to vector<16xi32>
        tpu.vector_store_idx %arg9[%get3A_85], %bitcast3A_100 : memref<10000xi32, #tpu.memory_space<vmem>>[vector<16xi32>], vector<16xi32>,
        %mul3A_101 = arith.constant 4 : i32
        %mul3A_102 = arith.muli %scan3A_30, %mul3A_101 : i32
        %add3A_103 = arith.constant 3 : i32
        %add3A_104 = arith.addi %mul3A_102, %add3A_103 : i32
        %mul3A_105 = arith.constant 16 : i32
        %mul3A_106 = arith.muli %add3A_104, %mul3A_105 : i32
        %get3A_107 = arith.index_cast %mul3A_106 : i32 to index
        %get3A_108 = tpu.vector_load %arg10[%get3A_107] {strides = array<i32>} : memref<32768xi32, #tpu.memory_space<vmem>>, vector<16xi32>,
        %get3A_109 = arith.index_cast %mul3A_106 : i32 to index
        %get3A_110 = tpu.vector_load %arg11[%get3A_109] {strides = array<i32>} : memref<32768xi32, #tpu.memory_space<vmem>>, vector<16xi32>,
        tpu.vector_store_idx %arg12[%get3A_110], %iota3A : memref<10000xi32, #tpu.memory_space<vmem>>[vector<16xi32>], vector<16xi32>,
        %gather3A_111 = tpu.vector_load_idx %arg12[%get3A_110] : memref<10000xi32, #tpu.memory_space<vmem>>[vector<16xi32>], vector<16xi32>,
        %ne3A_112 = arith.cmpi ne, %gather3A_111, %iota3A : vector<16xi32>
        %or3A_113 = arith.ori %or3A_88, %ne3A_112 : vector<16xi1>
        %gather3A_114 = tpu.vector_load_idx %arg6[%get3A_108] : memref<10000xi32, #tpu.memory_space<vmem>>[vector<16xi32>], vector<16xi32>,
        %gather3A_115 = tpu.vector_load_idx %arg8[%get3A_110] : memref<10000xi32, #tpu.memory_space<vmem>>[vector<16xi32>], vector<16xi32>,
        %bitcast3A_116 = vector.bitcast %gather3A_114 : vector<16xi32> to vector<32xbf16>
        %bitcast3A_117 = vector.bitcast %gather3A_115 : vector<16xi32> to vector<32xbf16>
        %max3A_118 = arith.maximumf %bitcast3A_116, %bitcast3A_117 : vector<32xbf16>
        %bitcast3A_119 = vector.bitcast %max3A_118 : vector<32xbf16> to vector<16xi32>
        tpu.vector_store_idx %arg8[%get3A_110], %bitcast3A_119 : memref<10000xi32, #tpu.memory_space<vmem>>[vector<16xi32>], vector<16xi32>,
        %gather3A_120 = tpu.vector_load_idx %arg7[%get3A_108] : memref<10000xi32, #tpu.memory_space<vmem>>[vector<16xi32>], vector<16xi32>,
        %gather3A_121 = tpu.vector_load_idx %arg9[%get3A_110] : memref<10000xi32, #tpu.memory_space<vmem>>[vector<16xi32>], vector<16xi32>,
        %bitcast3A_122 = vector.bitcast %gather3A_120 : vector<16xi32> to vector<32xbf16>
        %bitcast3A_123 = vector.bitcast %gather3A_121 : vector<16xi32> to vector<32xbf16>
        %max3A_124 = arith.maximumf %bitcast3A_122, %bitcast3A_123 : vector<32xbf16>
        %bitcast3A_125 = vector.bitcast %max3A_124 : vector<32xbf16> to vector<16xi32>
        tpu.vector_store_idx %arg9[%get3A_110], %bitcast3A_125 : memref<10000xi32, #tpu.memory_space<vmem>>[vector<16xi32>], vector<16xi32>,
        %reduce_or3A = arith.constant 1.000000e+00 : f32
        %reduce_or3A_126 = arith.constant 0.000000e+00 : f32
        %reduce_or3A_127 = vector.broadcast %reduce_or3A : f32 to vector<16xf32>
        %reduce_or3A_128 = vector.broadcast %reduce_or3A_126 : f32 to vector<16xf32>
        %reduce_or3A_129 = arith.select %or3A_113, %reduce_or3A_127, %reduce_or3A_128 : vector<16xi1>, vector<16xf32>
        %reduce_or3A_130 = arith.constant true
        %reduce_or3A_131 = vector.broadcast %reduce_or3A_130 : i1 to vector<16xi1>
        %reduce_or3A_132 = tpu.scan <max>, %reduce_or3A_129 masked %reduce_or3A_131 : vector<16xf32>, vector<16xi1> -> vector<16xf32>
        %reduce_or3A_133 = vector.extract %reduce_or3A_132[15] : f32 from vector<16xf32>
        %reduce_or3A_134 = arith.constant 0.000000e+00 : f32
        %reduce_or3A_135 = arith.cmpf ogt, %reduce_or3A_133, %reduce_or3A_134 : f32
        %convert_element_type3A = arith.extui %reduce_or3A_135 : i1 to i32
        %cond3A = arith.constant 0 : i32
        %cond3A_136 = arith.cmpi ne, %convert_element_type3A, %cond3A : i32
        scf.if %cond3A_136 {
          %mul3A_137 = arith.constant 4 : i32
          %mul3A_138 = arith.muli %scan3A_30, %mul3A_137 : i32
          %add3A_139 = arith.constant 0 : i32
          %add3A_140 = arith.addi %mul3A_138, %add3A_139 : i32
          %mul3A_141 = arith.constant 16 : i32
          %mul3A_142 = arith.muli %add3A_140, %mul3A_141 : i32
          %get3A_143 = arith.index_cast %mul3A_142 : i32 to index
          %get3A_144 = tpu.vector_load %arg10[%get3A_143] {strides = array<i32>} : memref<32768xi32, #tpu.memory_space<vmem>>, vector<16xi32>,
          %get3A_145 = arith.index_cast %mul3A_142 : i32 to index
          %get3A_146 = tpu.vector_load %arg11[%get3A_145] {strides = array<i32>} : memref<32768xi32, #tpu.memory_space<vmem>>, vector<16xi32>,
          %gather3A_147 = tpu.vector_load_idx %arg6[%get3A_144] : memref<10000xi32, #tpu.memory_space<vmem>>[vector<16xi32>], vector<16xi32>,
          %gather3A_148 = tpu.vector_load_idx %arg8[%get3A_146] : memref<10000xi32, #tpu.memory_space<vmem>>[vector<16xi32>], vector<16xi32>,
          %bitcast3A_149 = vector.bitcast %gather3A_147 : vector<16xi32> to vector<32xbf16>
          %bitcast3A_150 = vector.bitcast %gather3A_148 : vector<16xi32> to vector<32xbf16>
          %max3A_151 = arith.maximumf %bitcast3A_149, %bitcast3A_150 : vector<32xbf16>
          %bitcast3A_152 = vector.bitcast %max3A_151 : vector<32xbf16> to vector<16xi32>
          %ne3A_153 = arith.cmpi ne, %bitcast3A_152, %gather3A_148 : vector<16xi32>
          %while3A = scf.while (%while3A_240 = %ne3A_153) : (vector<16xi1>) -> vector<16xi1> {
            %reduce_or3A_241 = arith.constant 1.000000e+00 : f32
            %reduce_or3A_242 = arith.constant 0.000000e+00 : f32
            %reduce_or3A_243 = vector.broadcast %reduce_or3A_241 : f32 to vector<16xf32>
            %reduce_or3A_244 = vector.broadcast %reduce_or3A_242 : f32 to vector<16xf32>
            %reduce_or3A_245 = arith.select %while3A_240, %reduce_or3A_243, %reduce_or3A_244 : vector<16xi1>, vector<16xf32>
            %reduce_or3A_246 = arith.constant true
            %reduce_or3A_247 = vector.broadcast %reduce_or3A_246 : i1 to vector<16xi1>
            %reduce_or3A_248 = tpu.scan <max>, %reduce_or3A_245 masked %reduce_or3A_247 : vector<16xf32>, vector<16xi1> -> vector<16xf32>
            %reduce_or3A_249 = vector.extract %reduce_or3A_248[15] : f32 from vector<16xf32>
            %reduce_or3A_250 = arith.constant 0.000000e+00 : f32
            %reduce_or3A_251 = arith.cmpf ogt, %reduce_or3A_249, %reduce_or3A_250 : f32
            scf.condition(%reduce_or3A_251) %while3A_240 : vector<16xi1>
          } do {
          ^bb0(%while3A_240: vector<16xi1>):
            %gather3A_241 = tpu.vector_load_idx %arg8[%get3A_146] : memref<10000xi32, #tpu.memory_space<vmem>>[vector<16xi32>], vector<16xi32>,
            %bitcast3A_242 = vector.bitcast %gather3A_147 : vector<16xi32> to vector<32xbf16>
            %bitcast3A_243 = vector.bitcast %gather3A_241 : vector<16xi32> to vector<32xbf16>
            %max3A_244 = arith.maximumf %bitcast3A_242, %bitcast3A_243 : vector<32xbf16>
            %bitcast3A_245 = vector.bitcast %max3A_244 : vector<32xbf16> to vector<16xi32>
            tpu.vector_store_idx %arg8[%get3A_146], %bitcast3A_245 masked %while3A_240 : memref<10000xi32, #tpu.memory_space<vmem>>[vector<16xi32>], vector<16xi32>, vector<16xi1>
            %gather3A_246 = tpu.vector_load_idx %arg8[%get3A_146] : memref<10000xi32, #tpu.memory_space<vmem>>[vector<16xi32>], vector<16xi32>,
            %bitcast3A_247 = vector.bitcast %gather3A_147 : vector<16xi32> to vector<32xbf16>
            %bitcast3A_248 = vector.bitcast %gather3A_246 : vector<16xi32> to vector<32xbf16>
            %max3A_249 = arith.maximumf %bitcast3A_247, %bitcast3A_248 : vector<32xbf16>
            %bitcast3A_250 = vector.bitcast %max3A_249 : vector<32xbf16> to vector<16xi32>
            %ne3A_251 = arith.cmpi ne, %bitcast3A_250, %gather3A_246 : vector<16xi32>
            scf.yield %ne3A_251 : vector<16xi1>
          }
          %gather3A_154 = tpu.vector_load_idx %arg7[%get3A_144] : memref<10000xi32, #tpu.memory_space<vmem>>[vector<16xi32>], vector<16xi32>,
          %gather3A_155 = tpu.vector_load_idx %arg9[%get3A_146] : memref<10000xi32, #tpu.memory_space<vmem>>[vector<16xi32>], vector<16xi32>,
          %bitcast3A_156 = vector.bitcast %gather3A_154 : vector<16xi32> to vector<32xbf16>
          %bitcast3A_157 = vector.bitcast %gather3A_155 : vector<16xi32> to vector<32xbf16>
          %max3A_158 = arith.maximumf %bitcast3A_156, %bitcast3A_157 : vector<32xbf16>
          %bitcast3A_159 = vector.bitcast %max3A_158 : vector<32xbf16> to vector<16xi32>
          %ne3A_160 = arith.cmpi ne, %bitcast3A_159, %gather3A_155 : vector<16xi32>
          %while3A_161 = scf.while (%while3A_240 = %ne3A_160) : (vector<16xi1>) -> vector<16xi1> {
            %reduce_or3A_241 = arith.constant 1.000000e+00 : f32
            %reduce_or3A_242 = arith.constant 0.000000e+00 : f32
            %reduce_or3A_243 = vector.broadcast %reduce_or3A_241 : f32 to vector<16xf32>
            %reduce_or3A_244 = vector.broadcast %reduce_or3A_242 : f32 to vector<16xf32>
            %reduce_or3A_245 = arith.select %while3A_240, %reduce_or3A_243, %reduce_or3A_244 : vector<16xi1>, vector<16xf32>
            %reduce_or3A_246 = arith.constant true
            %reduce_or3A_247 = vector.broadcast %reduce_or3A_246 : i1 to vector<16xi1>
            %reduce_or3A_248 = tpu.scan <max>, %reduce_or3A_245 masked %reduce_or3A_247 : vector<16xf32>, vector<16xi1> -> vector<16xf32>
            %reduce_or3A_249 = vector.extract %reduce_or3A_248[15] : f32 from vector<16xf32>
            %reduce_or3A_250 = arith.constant 0.000000e+00 : f32
            %reduce_or3A_251 = arith.cmpf ogt, %reduce_or3A_249, %reduce_or3A_250 : f32
            scf.condition(%reduce_or3A_251) %while3A_240 : vector<16xi1>
          } do {
          ^bb0(%while3A_240: vector<16xi1>):
            %gather3A_241 = tpu.vector_load_idx %arg9[%get3A_146] : memref<10000xi32, #tpu.memory_space<vmem>>[vector<16xi32>], vector<16xi32>,
            %bitcast3A_242 = vector.bitcast %gather3A_154 : vector<16xi32> to vector<32xbf16>
            %bitcast3A_243 = vector.bitcast %gather3A_241 : vector<16xi32> to vector<32xbf16>
            %max3A_244 = arith.maximumf %bitcast3A_242, %bitcast3A_243 : vector<32xbf16>
            %bitcast3A_245 = vector.bitcast %max3A_244 : vector<32xbf16> to vector<16xi32>
            tpu.vector_store_idx %arg9[%get3A_146], %bitcast3A_245 masked %while3A_240 : memref<10000xi32, #tpu.memory_space<vmem>>[vector<16xi32>], vector<16xi32>, vector<16xi1>
            %gather3A_246 = tpu.vector_load_idx %arg9[%get3A_146] : memref<10000xi32, #tpu.memory_space<vmem>>[vector<16xi32>], vector<16xi32>,
            %bitcast3A_247 = vector.bitcast %gather3A_154 : vector<16xi32> to vector<32xbf16>
            %bitcast3A_248 = vector.bitcast %gather3A_246 : vector<16xi32> to vector<32xbf16>
            %max3A_249 = arith.maximumf %bitcast3A_247, %bitcast3A_248 : vector<32xbf16>
            %bitcast3A_250 = vector.bitcast %max3A_249 : vector<32xbf16> to vector<16xi32>
            %ne3A_251 = arith.cmpi ne, %bitcast3A_250, %gather3A_246 : vector<16xi32>
            scf.yield %ne3A_251 : vector<16xi1>
          }
          %mul3A_162 = arith.constant 4 : i32
          %mul3A_163 = arith.muli %scan3A_30, %mul3A_162 : i32
          %add3A_164 = arith.constant 1 : i32
          %add3A_165 = arith.addi %mul3A_163, %add3A_164 : i32
          %mul3A_166 = arith.constant 16 : i32
          %mul3A_167 = arith.muli %add3A_165, %mul3A_166 : i32
          %get3A_168 = arith.index_cast %mul3A_167 : i32 to index
          %get3A_169 = tpu.vector_load %arg10[%get3A_168] {strides = array<i32>} : memref<32768xi32, #tpu.memory_space<vmem>>, vector<16xi32>,
          %get3A_170 = arith.index_cast %mul3A_167 : i32 to index
          %get3A_171 = tpu.vector_load %arg11[%get3A_170] {strides = array<i32>} : memref<32768xi32, #tpu.memory_space<vmem>>, vector<16xi32>,
          %gather3A_172 = tpu.vector_load_idx %arg6[%get3A_169] : memref<10000xi32, #tpu.memory_space<vmem>>[vector<16xi32>], vector<16xi32>,
          %gather3A_173 = tpu.vector_load_idx %arg8[%get3A_171] : memref<10000xi32, #tpu.memory_space<vmem>>[vector<16xi32>], vector<16xi32>,
          %bitcast3A_174 = vector.bitcast %gather3A_172 : vector<16xi32> to vector<32xbf16>
          %bitcast3A_175 = vector.bitcast %gather3A_173 : vector<16xi32> to vector<32xbf16>
          %max3A_176 = arith.maximumf %bitcast3A_174, %bitcast3A_175 : vector<32xbf16>
          %bitcast3A_177 = vector.bitcast %max3A_176 : vector<32xbf16> to vector<16xi32>
          %ne3A_178 = arith.cmpi ne, %bitcast3A_177, %gather3A_173 : vector<16xi32>
          %while3A_179 = scf.while (%while3A_240 = %ne3A_178) : (vector<16xi1>) -> vector<16xi1> {
            %reduce_or3A_241 = arith.constant 1.000000e+00 : f32
            %reduce_or3A_242 = arith.constant 0.000000e+00 : f32
            %reduce_or3A_243 = vector.broadcast %reduce_or3A_241 : f32 to vector<16xf32>
            %reduce_or3A_244 = vector.broadcast %reduce_or3A_242 : f32 to vector<16xf32>
            %reduce_or3A_245 = arith.select %while3A_240, %reduce_or3A_243, %reduce_or3A_244 : vector<16xi1>, vector<16xf32>
            %reduce_or3A_246 = arith.constant true
            %reduce_or3A_247 = vector.broadcast %reduce_or3A_246 : i1 to vector<16xi1>
            %reduce_or3A_248 = tpu.scan <max>, %reduce_or3A_245 masked %reduce_or3A_247 : vector<16xf32>, vector<16xi1> -> vector<16xf32>
            %reduce_or3A_249 = vector.extract %reduce_or3A_248[15] : f32 from vector<16xf32>
            %reduce_or3A_250 = arith.constant 0.000000e+00 : f32
            %reduce_or3A_251 = arith.cmpf ogt, %reduce_or3A_249, %reduce_or3A_250 : f32
            scf.condition(%reduce_or3A_251) %while3A_240 : vector<16xi1>
          } do {
          ^bb0(%while3A_240: vector<16xi1>):
            %gather3A_241 = tpu.vector_load_idx %arg8[%get3A_171] : memref<10000xi32, #tpu.memory_space<vmem>>[vector<16xi32>], vector<16xi32>,
            %bitcast3A_242 = vector.bitcast %gather3A_172 : vector<16xi32> to vector<32xbf16>
            %bitcast3A_243 = vector.bitcast %gather3A_241 : vector<16xi32> to vector<32xbf16>
            %max3A_244 = arith.maximumf %bitcast3A_242, %bitcast3A_243 : vector<32xbf16>
            %bitcast3A_245 = vector.bitcast %max3A_244 : vector<32xbf16> to vector<16xi32>
            tpu.vector_store_idx %arg8[%get3A_171], %bitcast3A_245 masked %while3A_240 : memref<10000xi32, #tpu.memory_space<vmem>>[vector<16xi32>], vector<16xi32>, vector<16xi1>
            %gather3A_246 = tpu.vector_load_idx %arg8[%get3A_171] : memref<10000xi32, #tpu.memory_space<vmem>>[vector<16xi32>], vector<16xi32>,
            %bitcast3A_247 = vector.bitcast %gather3A_172 : vector<16xi32> to vector<32xbf16>
            %bitcast3A_248 = vector.bitcast %gather3A_246 : vector<16xi32> to vector<32xbf16>
            %max3A_249 = arith.maximumf %bitcast3A_247, %bitcast3A_248 : vector<32xbf16>
            %bitcast3A_250 = vector.bitcast %max3A_249 : vector<32xbf16> to vector<16xi32>
            %ne3A_251 = arith.cmpi ne, %bitcast3A_250, %gather3A_246 : vector<16xi32>
            scf.yield %ne3A_251 : vector<16xi1>
          }
          %gather3A_180 = tpu.vector_load_idx %arg7[%get3A_169] : memref<10000xi32, #tpu.memory_space<vmem>>[vector<16xi32>], vector<16xi32>,
          %gather3A_181 = tpu.vector_load_idx %arg9[%get3A_171] : memref<10000xi32, #tpu.memory_space<vmem>>[vector<16xi32>], vector<16xi32>,
          %bitcast3A_182 = vector.bitcast %gather3A_180 : vector<16xi32> to vector<32xbf16>
          %bitcast3A_183 = vector.bitcast %gather3A_181 : vector<16xi32> to vector<32xbf16>
          %max3A_184 = arith.maximumf %bitcast3A_182, %bitcast3A_183 : vector<32xbf16>
          %bitcast3A_185 = vector.bitcast %max3A_184 : vector<32xbf16> to vector<16xi32>
          %ne3A_186 = arith.cmpi ne, %bitcast3A_185, %gather3A_181 : vector<16xi32>
          %while3A_187 = scf.while (%while3A_240 = %ne3A_186) : (vector<16xi1>) -> vector<16xi1> {
            %reduce_or3A_241 = arith.constant 1.000000e+00 : f32
            %reduce_or3A_242 = arith.constant 0.000000e+00 : f32
            %reduce_or3A_243 = vector.broadcast %reduce_or3A_241 : f32 to vector<16xf32>
            %reduce_or3A_244 = vector.broadcast %reduce_or3A_242 : f32 to vector<16xf32>
            %reduce_or3A_245 = arith.select %while3A_240, %reduce_or3A_243, %reduce_or3A_244 : vector<16xi1>, vector<16xf32>
            %reduce_or3A_246 = arith.constant true
            %reduce_or3A_247 = vector.broadcast %reduce_or3A_246 : i1 to vector<16xi1>
            %reduce_or3A_248 = tpu.scan <max>, %reduce_or3A_245 masked %reduce_or3A_247 : vector<16xf32>, vector<16xi1> -> vector<16xf32>
            %reduce_or3A_249 = vector.extract %reduce_or3A_248[15] : f32 from vector<16xf32>
            %reduce_or3A_250 = arith.constant 0.000000e+00 : f32
            %reduce_or3A_251 = arith.cmpf ogt, %reduce_or3A_249, %reduce_or3A_250 : f32
            scf.condition(%reduce_or3A_251) %while3A_240 : vector<16xi1>
          } do {
          ^bb0(%while3A_240: vector<16xi1>):
            %gather3A_241 = tpu.vector_load_idx %arg9[%get3A_171] : memref<10000xi32, #tpu.memory_space<vmem>>[vector<16xi32>], vector<16xi32>,
            %bitcast3A_242 = vector.bitcast %gather3A_180 : vector<16xi32> to vector<32xbf16>
            %bitcast3A_243 = vector.bitcast %gather3A_241 : vector<16xi32> to vector<32xbf16>
            %max3A_244 = arith.maximumf %bitcast3A_242, %bitcast3A_243 : vector<32xbf16>
            %bitcast3A_245 = vector.bitcast %max3A_244 : vector<32xbf16> to vector<16xi32>
            tpu.vector_store_idx %arg9[%get3A_171], %bitcast3A_245 masked %while3A_240 : memref<10000xi32, #tpu.memory_space<vmem>>[vector<16xi32>], vector<16xi32>, vector<16xi1>
            %gather3A_246 = tpu.vector_load_idx %arg9[%get3A_171] : memref<10000xi32, #tpu.memory_space<vmem>>[vector<16xi32>], vector<16xi32>,
            %bitcast3A_247 = vector.bitcast %gather3A_180 : vector<16xi32> to vector<32xbf16>
            %bitcast3A_248 = vector.bitcast %gather3A_246 : vector<16xi32> to vector<32xbf16>
            %max3A_249 = arith.maximumf %bitcast3A_247, %bitcast3A_248 : vector<32xbf16>
            %bitcast3A_250 = vector.bitcast %max3A_249 : vector<32xbf16> to vector<16xi32>
            %ne3A_251 = arith.cmpi ne, %bitcast3A_250, %gather3A_246 : vector<16xi32>
            scf.yield %ne3A_251 : vector<16xi1>
          }
          %mul3A_188 = arith.constant 4 : i32
          %mul3A_189 = arith.muli %scan3A_30, %mul3A_188 : i32
          %add3A_190 = arith.constant 2 : i32
          %add3A_191 = arith.addi %mul3A_189, %add3A_190 : i32
          %mul3A_192 = arith.constant 16 : i32
          %mul3A_193 = arith.muli %add3A_191, %mul3A_192 : i32
          %get3A_194 = arith.index_cast %mul3A_193 : i32 to index
          %get3A_195 = tpu.vector_load %arg10[%get3A_194] {strides = array<i32>} : memref<32768xi32, #tpu.memory_space<vmem>>, vector<16xi32>,
          %get3A_196 = arith.index_cast %mul3A_193 : i32 to index
          %get3A_197 = tpu.vector_load %arg11[%get3A_196] {strides = array<i32>} : memref<32768xi32, #tpu.memory_space<vmem>>, vector<16xi32>,
          %gather3A_198 = tpu.vector_load_idx %arg6[%get3A_195] : memref<10000xi32, #tpu.memory_space<vmem>>[vector<16xi32>], vector<16xi32>,
          %gather3A_199 = tpu.vector_load_idx %arg8[%get3A_197] : memref<10000xi32, #tpu.memory_space<vmem>>[vector<16xi32>], vector<16xi32>,
          %bitcast3A_200 = vector.bitcast %gather3A_198 : vector<16xi32> to vector<32xbf16>
          %bitcast3A_201 = vector.bitcast %gather3A_199 : vector<16xi32> to vector<32xbf16>
          %max3A_202 = arith.maximumf %bitcast3A_200, %bitcast3A_201 : vector<32xbf16>
          %bitcast3A_203 = vector.bitcast %max3A_202 : vector<32xbf16> to vector<16xi32>
          %ne3A_204 = arith.cmpi ne, %bitcast3A_203, %gather3A_199 : vector<16xi32>
          %while3A_205 = scf.while (%while3A_240 = %ne3A_204) : (vector<16xi1>) -> vector<16xi1> {
            %reduce_or3A_241 = arith.constant 1.000000e+00 : f32
            %reduce_or3A_242 = arith.constant 0.000000e+00 : f32
            %reduce_or3A_243 = vector.broadcast %reduce_or3A_241 : f32 to vector<16xf32>
            %reduce_or3A_244 = vector.broadcast %reduce_or3A_242 : f32 to vector<16xf32>
            %reduce_or3A_245 = arith.select %while3A_240, %reduce_or3A_243, %reduce_or3A_244 : vector<16xi1>, vector<16xf32>
            %reduce_or3A_246 = arith.constant true
            %reduce_or3A_247 = vector.broadcast %reduce_or3A_246 : i1 to vector<16xi1>
            %reduce_or3A_248 = tpu.scan <max>, %reduce_or3A_245 masked %reduce_or3A_247 : vector<16xf32>, vector<16xi1> -> vector<16xf32>
            %reduce_or3A_249 = vector.extract %reduce_or3A_248[15] : f32 from vector<16xf32>
            %reduce_or3A_250 = arith.constant 0.000000e+00 : f32
            %reduce_or3A_251 = arith.cmpf ogt, %reduce_or3A_249, %reduce_or3A_250 : f32
            scf.condition(%reduce_or3A_251) %while3A_240 : vector<16xi1>
          } do {
          ^bb0(%while3A_240: vector<16xi1>):
            %gather3A_241 = tpu.vector_load_idx %arg8[%get3A_197] : memref<10000xi32, #tpu.memory_space<vmem>>[vector<16xi32>], vector<16xi32>,
            %bitcast3A_242 = vector.bitcast %gather3A_198 : vector<16xi32> to vector<32xbf16>
            %bitcast3A_243 = vector.bitcast %gather3A_241 : vector<16xi32> to vector<32xbf16>
            %max3A_244 = arith.maximumf %bitcast3A_242, %bitcast3A_243 : vector<32xbf16>
            %bitcast3A_245 = vector.bitcast %max3A_244 : vector<32xbf16> to vector<16xi32>
            tpu.vector_store_idx %arg8[%get3A_197], %bitcast3A_245 masked %while3A_240 : memref<10000xi32, #tpu.memory_space<vmem>>[vector<16xi32>], vector<16xi32>, vector<16xi1>
            %gather3A_246 = tpu.vector_load_idx %arg8[%get3A_197] : memref<10000xi32, #tpu.memory_space<vmem>>[vector<16xi32>], vector<16xi32>,
            %bitcast3A_247 = vector.bitcast %gather3A_198 : vector<16xi32> to vector<32xbf16>
            %bitcast3A_248 = vector.bitcast %gather3A_246 : vector<16xi32> to vector<32xbf16>
            %max3A_249 = arith.maximumf %bitcast3A_247, %bitcast3A_248 : vector<32xbf16>
            %bitcast3A_250 = vector.bitcast %max3A_249 : vector<32xbf16> to vector<16xi32>
            %ne3A_251 = arith.cmpi ne, %bitcast3A_250, %gather3A_246 : vector<16xi32>
            scf.yield %ne3A_251 : vector<16xi1>
          }
          %gather3A_206 = tpu.vector_load_idx %arg7[%get3A_195] : memref<10000xi32, #tpu.memory_space<vmem>>[vector<16xi32>], vector<16xi32>,
          %gather3A_207 = tpu.vector_load_idx %arg9[%get3A_197] : memref<10000xi32, #tpu.memory_space<vmem>>[vector<16xi32>], vector<16xi32>,
          %bitcast3A_208 = vector.bitcast %gather3A_206 : vector<16xi32> to vector<32xbf16>
          %bitcast3A_209 = vector.bitcast %gather3A_207 : vector<16xi32> to vector<32xbf16>
          %max3A_210 = arith.maximumf %bitcast3A_208, %bitcast3A_209 : vector<32xbf16>
          %bitcast3A_211 = vector.bitcast %max3A_210 : vector<32xbf16> to vector<16xi32>
          %ne3A_212 = arith.cmpi ne, %bitcast3A_211, %gather3A_207 : vector<16xi32>
          %while3A_213 = scf.while (%while3A_240 = %ne3A_212) : (vector<16xi1>) -> vector<16xi1> {
            %reduce_or3A_241 = arith.constant 1.000000e+00 : f32
            %reduce_or3A_242 = arith.constant 0.000000e+00 : f32
            %reduce_or3A_243 = vector.broadcast %reduce_or3A_241 : f32 to vector<16xf32>
            %reduce_or3A_244 = vector.broadcast %reduce_or3A_242 : f32 to vector<16xf32>
            %reduce_or3A_245 = arith.select %while3A_240, %reduce_or3A_243, %reduce_or3A_244 : vector<16xi1>, vector<16xf32>
            %reduce_or3A_246 = arith.constant true
            %reduce_or3A_247 = vector.broadcast %reduce_or3A_246 : i1 to vector<16xi1>
            %reduce_or3A_248 = tpu.scan <max>, %reduce_or3A_245 masked %reduce_or3A_247 : vector<16xf32>, vector<16xi1> -> vector<16xf32>
            %reduce_or3A_249 = vector.extract %reduce_or3A_248[15] : f32 from vector<16xf32>
            %reduce_or3A_250 = arith.constant 0.000000e+00 : f32
            %reduce_or3A_251 = arith.cmpf ogt, %reduce_or3A_249, %reduce_or3A_250 : f32
            scf.condition(%reduce_or3A_251) %while3A_240 : vector<16xi1>
          } do {
          ^bb0(%while3A_240: vector<16xi1>):
            %gather3A_241 = tpu.vector_load_idx %arg9[%get3A_197] : memref<10000xi32, #tpu.memory_space<vmem>>[vector<16xi32>], vector<16xi32>,
            %bitcast3A_242 = vector.bitcast %gather3A_206 : vector<16xi32> to vector<32xbf16>
            %bitcast3A_243 = vector.bitcast %gather3A_241 : vector<16xi32> to vector<32xbf16>
            %max3A_244 = arith.maximumf %bitcast3A_242, %bitcast3A_243 : vector<32xbf16>
            %bitcast3A_245 = vector.bitcast %max3A_244 : vector<32xbf16> to vector<16xi32>
            tpu.vector_store_idx %arg9[%get3A_197], %bitcast3A_245 masked %while3A_240 : memref<10000xi32, #tpu.memory_space<vmem>>[vector<16xi32>], vector<16xi32>, vector<16xi1>
            %gather3A_246 = tpu.vector_load_idx %arg9[%get3A_197] : memref<10000xi32, #tpu.memory_space<vmem>>[vector<16xi32>], vector<16xi32>,
            %bitcast3A_247 = vector.bitcast %gather3A_206 : vector<16xi32> to vector<32xbf16>
            %bitcast3A_248 = vector.bitcast %gather3A_246 : vector<16xi32> to vector<32xbf16>
            %max3A_249 = arith.maximumf %bitcast3A_247, %bitcast3A_248 : vector<32xbf16>
            %bitcast3A_250 = vector.bitcast %max3A_249 : vector<32xbf16> to vector<16xi32>
            %ne3A_251 = arith.cmpi ne, %bitcast3A_250, %gather3A_246 : vector<16xi32>
            scf.yield %ne3A_251 : vector<16xi1>
          }
          %mul3A_214 = arith.constant 4 : i32
          %mul3A_215 = arith.muli %scan3A_30, %mul3A_214 : i32
          %add3A_216 = arith.constant 3 : i32
          %add3A_217 = arith.addi %mul3A_215, %add3A_216 : i32
          %mul3A_218 = arith.constant 16 : i32
          %mul3A_219 = arith.muli %add3A_217, %mul3A_218 : i32
          %get3A_220 = arith.index_cast %mul3A_219 : i32 to index
          %get3A_221 = tpu.vector_load %arg10[%get3A_220] {strides = array<i32>} : memref<32768xi32, #tpu.memory_space<vmem>>, vector<16xi32>,
          %get3A_222 = arith.index_cast %mul3A_219 : i32 to index
          %get3A_223 = tpu.vector_load %arg11[%get3A_222] {strides = array<i32>} : memref<32768xi32, #tpu.memory_space<vmem>>, vector<16xi32>,
          %gather3A_224 = tpu.vector_load_idx %arg6[%get3A_221] : memref<10000xi32, #tpu.memory_space<vmem>>[vector<16xi32>], vector<16xi32>,
          %gather3A_225 = tpu.vector_load_idx %arg8[%get3A_223] : memref<10000xi32, #tpu.memory_space<vmem>>[vector<16xi32>], vector<16xi32>,
          %bitcast3A_226 = vector.bitcast %gather3A_224 : vector<16xi32> to vector<32xbf16>
          %bitcast3A_227 = vector.bitcast %gather3A_225 : vector<16xi32> to vector<32xbf16>
          %max3A_228 = arith.maximumf %bitcast3A_226, %bitcast3A_227 : vector<32xbf16>
          %bitcast3A_229 = vector.bitcast %max3A_228 : vector<32xbf16> to vector<16xi32>
          %ne3A_230 = arith.cmpi ne, %bitcast3A_229, %gather3A_225 : vector<16xi32>
          %while3A_231 = scf.while (%while3A_240 = %ne3A_230) : (vector<16xi1>) -> vector<16xi1> {
            %reduce_or3A_241 = arith.constant 1.000000e+00 : f32
            %reduce_or3A_242 = arith.constant 0.000000e+00 : f32
            %reduce_or3A_243 = vector.broadcast %reduce_or3A_241 : f32 to vector<16xf32>
            %reduce_or3A_244 = vector.broadcast %reduce_or3A_242 : f32 to vector<16xf32>
            %reduce_or3A_245 = arith.select %while3A_240, %reduce_or3A_243, %reduce_or3A_244 : vector<16xi1>, vector<16xf32>
            %reduce_or3A_246 = arith.constant true
            %reduce_or3A_247 = vector.broadcast %reduce_or3A_246 : i1 to vector<16xi1>
            %reduce_or3A_248 = tpu.scan <max>, %reduce_or3A_245 masked %reduce_or3A_247 : vector<16xf32>, vector<16xi1> -> vector<16xf32>
            %reduce_or3A_249 = vector.extract %reduce_or3A_248[15] : f32 from vector<16xf32>
            %reduce_or3A_250 = arith.constant 0.000000e+00 : f32
            %reduce_or3A_251 = arith.cmpf ogt, %reduce_or3A_249, %reduce_or3A_250 : f32
            scf.condition(%reduce_or3A_251) %while3A_240 : vector<16xi1>
          } do {
          ^bb0(%while3A_240: vector<16xi1>):
            %gather3A_241 = tpu.vector_load_idx %arg8[%get3A_223] : memref<10000xi32, #tpu.memory_space<vmem>>[vector<16xi32>], vector<16xi32>,
            %bitcast3A_242 = vector.bitcast %gather3A_224 : vector<16xi32> to vector<32xbf16>
            %bitcast3A_243 = vector.bitcast %gather3A_241 : vector<16xi32> to vector<32xbf16>
            %max3A_244 = arith.maximumf %bitcast3A_242, %bitcast3A_243 : vector<32xbf16>
            %bitcast3A_245 = vector.bitcast %max3A_244 : vector<32xbf16> to vector<16xi32>
            tpu.vector_store_idx %arg8[%get3A_223], %bitcast3A_245 masked %while3A_240 : memref<10000xi32, #tpu.memory_space<vmem>>[vector<16xi32>], vector<16xi32>, vector<16xi1>
            %gather3A_246 = tpu.vector_load_idx %arg8[%get3A_223] : memref<10000xi32, #tpu.memory_space<vmem>>[vector<16xi32>], vector<16xi32>,
            %bitcast3A_247 = vector.bitcast %gather3A_224 : vector<16xi32> to vector<32xbf16>
            %bitcast3A_248 = vector.bitcast %gather3A_246 : vector<16xi32> to vector<32xbf16>
            %max3A_249 = arith.maximumf %bitcast3A_247, %bitcast3A_248 : vector<32xbf16>
            %bitcast3A_250 = vector.bitcast %max3A_249 : vector<32xbf16> to vector<16xi32>
            %ne3A_251 = arith.cmpi ne, %bitcast3A_250, %gather3A_246 : vector<16xi32>
            scf.yield %ne3A_251 : vector<16xi1>
          }
          %gather3A_232 = tpu.vector_load_idx %arg7[%get3A_221] : memref<10000xi32, #tpu.memory_space<vmem>>[vector<16xi32>], vector<16xi32>,
          %gather3A_233 = tpu.vector_load_idx %arg9[%get3A_223] : memref<10000xi32, #tpu.memory_space<vmem>>[vector<16xi32>], vector<16xi32>,
          %bitcast3A_234 = vector.bitcast %gather3A_232 : vector<16xi32> to vector<32xbf16>
          %bitcast3A_235 = vector.bitcast %gather3A_233 : vector<16xi32> to vector<32xbf16>
          %max3A_236 = arith.maximumf %bitcast3A_234, %bitcast3A_235 : vector<32xbf16>
          %bitcast3A_237 = vector.bitcast %max3A_236 : vector<32xbf16> to vector<16xi32>
          %ne3A_238 = arith.cmpi ne, %bitcast3A_237, %gather3A_233 : vector<16xi32>
          %while3A_239 = scf.while (%while3A_240 = %ne3A_238) : (vector<16xi1>) -> vector<16xi1> {
            %reduce_or3A_241 = arith.constant 1.000000e+00 : f32
            %reduce_or3A_242 = arith.constant 0.000000e+00 : f32
            %reduce_or3A_243 = vector.broadcast %reduce_or3A_241 : f32 to vector<16xf32>
            %reduce_or3A_244 = vector.broadcast %reduce_or3A_242 : f32 to vector<16xf32>
            %reduce_or3A_245 = arith.select %while3A_240, %reduce_or3A_243, %reduce_or3A_244 : vector<16xi1>, vector<16xf32>
            %reduce_or3A_246 = arith.constant true
            %reduce_or3A_247 = vector.broadcast %reduce_or3A_246 : i1 to vector<16xi1>
            %reduce_or3A_248 = tpu.scan <max>, %reduce_or3A_245 masked %reduce_or3A_247 : vector<16xf32>, vector<16xi1> -> vector<16xf32>
            %reduce_or3A_249 = vector.extract %reduce_or3A_248[15] : f32 from vector<16xf32>
            %reduce_or3A_250 = arith.constant 0.000000e+00 : f32
            %reduce_or3A_251 = arith.cmpf ogt, %reduce_or3A_249, %reduce_or3A_250 : f32
            scf.condition(%reduce_or3A_251) %while3A_240 : vector<16xi1>
          } do {
          ^bb0(%while3A_240: vector<16xi1>):
            %gather3A_241 = tpu.vector_load_idx %arg9[%get3A_223] : memref<10000xi32, #tpu.memory_space<vmem>>[vector<16xi32>], vector<16xi32>,
            %bitcast3A_242 = vector.bitcast %gather3A_232 : vector<16xi32> to vector<32xbf16>
            %bitcast3A_243 = vector.bitcast %gather3A_241 : vector<16xi32> to vector<32xbf16>
            %max3A_244 = arith.maximumf %bitcast3A_242, %bitcast3A_243 : vector<32xbf16>
            %bitcast3A_245 = vector.bitcast %max3A_244 : vector<32xbf16> to vector<16xi32>
            tpu.vector_store_idx %arg9[%get3A_223], %bitcast3A_245 masked %while3A_240 : memref<10000xi32, #tpu.memory_space<vmem>>[vector<16xi32>], vector<16xi32>, vector<16xi1>
            %gather3A_246 = tpu.vector_load_idx %arg9[%get3A_223] : memref<10000xi32, #tpu.memory_space<vmem>>[vector<16xi32>], vector<16xi32>,
            %bitcast3A_247 = vector.bitcast %gather3A_232 : vector<16xi32> to vector<32xbf16>
            %bitcast3A_248 = vector.bitcast %gather3A_246 : vector<16xi32> to vector<32xbf16>
            %max3A_249 = arith.maximumf %bitcast3A_247, %bitcast3A_248 : vector<32xbf16>
            %bitcast3A_250 = vector.bitcast %max3A_249 : vector<32xbf16> to vector<16xi32>
            %ne3A_251 = arith.cmpi ne, %bitcast3A_250, %gather3A_246 : vector<16xi32>
            scf.yield %ne3A_251 : vector<16xi1>
          }
        } else {
        }
      }
      %scan3A_29 = arith.constant 512 : i32
    }
    %scan3A_15 = arith.constant 10 : i32
    %add3A_16 = arith.constant 0 : i32
    %add3A_17 = arith.addi %mul3A_2, %add3A_16 : i32
    "tpu.region"() ({
      %run_scoped3A = tpu.sem_alloc : memref<!tpu.dma_semaphore, #tpu.memory_space<semaphore_mem>>
      %dma_start3A = tpu.memref_slice %arg5[%add3A_17] : memref<640000xi32, #tpu.memory_space<hbm>> -> memref<10000xi32, #tpu.memory_space<hbm>>
      %dma_start3A_20 = tpu.memref_slice %arg5[%add3A_17] : memref<640000xi32, #tpu.memory_space<hbm>> -> memref<10000xi32, #tpu.memory_space<hbm>>
      tpu.enqueue_dma source(%arg8 : memref<10000xi32, #tpu.memory_space<vmem>>) target(%dma_start3A_20 : memref<10000xi32, #tpu.memory_space<hbm>>) target_semaphore(%run_scoped3A : memref<!tpu.dma_semaphore, #tpu.memory_space<semaphore_mem>>)
      %dma_wait3A = tpu.memref_slice %arg5[%add3A_17] : memref<640000xi32, #tpu.memory_space<hbm>> -> memref<10000xi32, #tpu.memory_space<hbm>>
      %dma_wait3A_21 = tpu.memref_slice %arg5[%add3A_17] : memref<640000xi32, #tpu.memory_space<hbm>> -> memref<10000xi32, #tpu.memory_space<hbm>>
      tpu.wait_dma2 semaphore(%run_scoped3A : memref<!tpu.dma_semaphore, #tpu.memory_space<semaphore_mem>>) src(%arg8 : memref<10000xi32, #tpu.memory_space<vmem>>) dst(%dma_wait3A_21 : memref<10000xi32, #tpu.memory_space<hbm>>)
      tpu.yield
    }) : () -> ()
    %add3A_18 = arith.constant 10000 : i32
    %add3A_19 = arith.addi %mul3A_2, %add3A_18 : i32
    "tpu.region"() ({
      %run_scoped3A = tpu.sem_alloc : memref<!tpu.dma_semaphore, #tpu.memory_space<semaphore_mem>>
      %dma_start3A = tpu.memref_slice %arg5[%add3A_19] : memref<640000xi32, #tpu.memory_space<hbm>> -> memref<10000xi32, #tpu.memory_space<hbm>>
      %dma_start3A_20 = tpu.memref_slice %arg5[%add3A_19] : memref<640000xi32, #tpu.memory_space<hbm>> -> memref<10000xi32, #tpu.memory_space<hbm>>
      tpu.enqueue_dma source(%arg9 : memref<10000xi32, #tpu.memory_space<vmem>>) target(%dma_start3A_20 : memref<10000xi32, #tpu.memory_space<hbm>>) target_semaphore(%run_scoped3A : memref<!tpu.dma_semaphore, #tpu.memory_space<semaphore_mem>>)
      %dma_wait3A = tpu.memref_slice %arg5[%add3A_19] : memref<640000xi32, #tpu.memory_space<hbm>> -> memref<10000xi32, #tpu.memory_space<hbm>>
      %dma_wait3A_21 = tpu.memref_slice %arg5[%add3A_19] : memref<640000xi32, #tpu.memory_space<hbm>> -> memref<10000xi32, #tpu.memory_space<hbm>>
      tpu.wait_dma2 semaphore(%run_scoped3A : memref<!tpu.dma_semaphore, #tpu.memory_space<semaphore_mem>>) src(%arg9 : memref<10000xi32, #tpu.memory_space<vmem>>) dst(%dma_wait3A_21 : memref<10000xi32, #tpu.memory_space<hbm>>)
      tpu.yield
    }) : () -> ()
    return
  }
}

#map = affine_map<(d0, d1) -> (0)>
module attributes {stable_mosaic.version = 14 : i64} {
  func.func @k(%arg0: i32, %arg1: i32, %arg2: memref<640000xi32, #tpu.memory_space<hbm>>, %arg3: memref<327680xi32, #tpu.memory_space<hbm>>, %arg4: memref<327680xi32, #tpu.memory_space<hbm>>, %arg5: memref<640000xi32, #tpu.memory_space<hbm>>, %arg6: memref<10000xi32, #tpu.memory_space<vmem>>, %arg7: memref<10000xi32, #tpu.memory_space<vmem>>, %arg8: memref<10000xi32, #tpu.memory_space<vmem>>, %arg9: memref<10000xi32, #tpu.memory_space<vmem>>, %arg10: memref<32768xi32, #tpu.memory_space<vmem>>, %arg11: memref<32768xi32, #tpu.memory_space<vmem>>, %arg12: memref<10000xi32, #tpu.memory_space<vmem>>) attributes {dimension_semantics = [#tpu.dimension_semantics<core_parallel>, #tpu.dimension_semantics<subcore_parallel>], iteration_bounds = array<i64: 2, 16>, scalar_prefetch = 0 : i64, scratch_operands = 7 : i64, tpu.core_type = #tpu.core_type<sc_vector_subcore>, window_params = [{transform_indices = #map}, {transform_indices = #map}, {transform_indices = #map}, {transform_indices = #map}]} {
    %mul3A = arith.constant 2 : i32
    %mul3A_0 = arith.muli %arg1, %mul3A : i32
    %add3A = arith.addi %mul3A_0, %arg0 : i32
    %mul3A_1 = arith.constant 20000 : i32
    %mul3A_2 = arith.muli %add3A, %mul3A_1 : i32
    %add3A_3 = arith.constant 0 : i32
    %add3A_4 = arith.addi %mul3A_2, %add3A_3 : i32
    "tpu.region"() ({
      %run_scoped3A = tpu.sem_alloc : memref<!tpu.dma_semaphore, #tpu.memory_space<semaphore_mem>>
      %dma_start3A = tpu.memref_slice %arg2[%add3A_4] : memref<640000xi32, #tpu.memory_space<hbm>> -> memref<10000xi32, #tpu.memory_space<hbm>>
      %dma_start3A_20 = tpu.memref_slice %arg2[%add3A_4] : memref<640000xi32, #tpu.memory_space<hbm>> -> memref<10000xi32, #tpu.memory_space<hbm>>
      tpu.enqueue_dma source(%dma_start3A_20 : memref<10000xi32, #tpu.memory_space<hbm>>) target(%arg6 : memref<10000xi32, #tpu.memory_space<vmem>>) target_semaphore(%run_scoped3A : memref<!tpu.dma_semaphore, #tpu.memory_space<semaphore_mem>>)
      %dma_wait3A = tpu.memref_slice %arg2[%add3A_4] : memref<640000xi32, #tpu.memory_space<hbm>> -> memref<10000xi32, #tpu.memory_space<hbm>>
      %dma_wait3A_21 = tpu.memref_slice %arg2[%add3A_4] : memref<640000xi32, #tpu.memory_space<hbm>> -> memref<10000xi32, #tpu.memory_space<hbm>>
      tpu.wait_dma2 semaphore(%run_scoped3A : memref<!tpu.dma_semaphore, #tpu.memory_space<semaphore_mem>>) src(%dma_wait3A_21 : memref<10000xi32, #tpu.memory_space<hbm>>) dst(%arg6 : memref<10000xi32, #tpu.memory_space<vmem>>)
      tpu.yield
    }) : () -> ()
    %add3A_5 = arith.constant 0 : i32
    %add3A_6 = arith.addi %mul3A_2, %add3A_5 : i32
    "tpu.region"() ({
      %run_scoped3A = tpu.sem_alloc : memref<!tpu.dma_semaphore, #tpu.memory_space<semaphore_mem>>
      %dma_start3A = tpu.memref_slice %arg2[%add3A_6] : memref<640000xi32, #tpu.memory_space<hbm>> -> memref<10000xi32, #tpu.memory_space<hbm>>
      %dma_start3A_20 = tpu.memref_slice %arg2[%add3A_6] : memref<640000xi32, #tpu.memory_space<hbm>> -> memref<10000xi32, #tpu.memory_space<hbm>>
      tpu.enqueue_dma source(%dma_start3A_20 : memref<10000xi32, #tpu.memory_space<hbm>>) target(%arg8 : memref<10000xi32, #tpu.memory_space<vmem>>) target_semaphore(%run_scoped3A : memref<!tpu.dma_semaphore, #tpu.memory_space<semaphore_mem>>)
      %dma_wait3A = tpu.memref_slice %arg2[%add3A_6] : memref<640000xi32, #tpu.memory_space<hbm>> -> memref<10000xi32, #tpu.memory_space<hbm>>
      %dma_wait3A_21 = tpu.memref_slice %arg2[%add3A_6] : memref<640000xi32, #tpu.memory_space<hbm>> -> memref<10000xi32, #tpu.memory_space<hbm>>
      tpu.wait_dma2 semaphore(%run_scoped3A : memref<!tpu.dma_semaphore, #tpu.memory_space<semaphore_mem>>) src(%dma_wait3A_21 : memref<10000xi32, #tpu.memory_space<hbm>>) dst(%arg8 : memref<10000xi32, #tpu.memory_space<vmem>>)
      tpu.yield
    }) : () -> ()
    %add3A_7 = arith.constant 10000 : i32
    %add3A_8 = arith.addi %mul3A_2, %add3A_7 : i32
    "tpu.region"() ({
      %run_scoped3A = tpu.sem_alloc : memref<!tpu.dma_semaphore, #tpu.memory_space<semaphore_mem>>
      %dma_start3A = tpu.memref_slice %arg2[%add3A_8] : memref<640000xi32, #tpu.memory_space<hbm>> -> memref<10000xi32, #tpu.memory_space<hbm>>
      %dma_start3A_20 = tpu.memref_slice %arg2[%add3A_8] : memref<640000xi32, #tpu.memory_space<hbm>> -> memref<10000xi32, #tpu.memory_space<hbm>>
      tpu.enqueue_dma source(%dma_start3A_20 : memref<10000xi32, #tpu.memory_space<hbm>>) target(%arg7 : memref<10000xi32, #tpu.memory_space<vmem>>) target_semaphore(%run_scoped3A : memref<!tpu.dma_semaphore, #tpu.memory_space<semaphore_mem>>)
      %dma_wait3A = tpu.memref_slice %arg2[%add3A_8] : memref<640000xi32, #tpu.memory_space<hbm>> -> memref<10000xi32, #tpu.memory_space<hbm>>
      %dma_wait3A_21 = tpu.memref_slice %arg2[%add3A_8] : memref<640000xi32, #tpu.memory_space<hbm>> -> memref<10000xi32, #tpu.memory_space<hbm>>
      tpu.wait_dma2 semaphore(%run_scoped3A : memref<!tpu.dma_semaphore, #tpu.memory_space<semaphore_mem>>) src(%dma_wait3A_21 : memref<10000xi32, #tpu.memory_space<hbm>>) dst(%arg7 : memref<10000xi32, #tpu.memory_space<vmem>>)
      tpu.yield
    }) : () -> ()
    %add3A_9 = arith.constant 10000 : i32
    %add3A_10 = arith.addi %mul3A_2, %add3A_9 : i32
    "tpu.region"() ({
      %run_scoped3A = tpu.sem_alloc : memref<!tpu.dma_semaphore, #tpu.memory_space<semaphore_mem>>
      %dma_start3A = tpu.memref_slice %arg2[%add3A_10] : memref<640000xi32, #tpu.memory_space<hbm>> -> memref<10000xi32, #tpu.memory_space<hbm>>
      %dma_start3A_20 = tpu.memref_slice %arg2[%add3A_10] : memref<640000xi32, #tpu.memory_space<hbm>> -> memref<10000xi32, #tpu.memory_space<hbm>>
      tpu.enqueue_dma source(%dma_start3A_20 : memref<10000xi32, #tpu.memory_space<hbm>>) target(%arg9 : memref<10000xi32, #tpu.memory_space<vmem>>) target_semaphore(%run_scoped3A : memref<!tpu.dma_semaphore, #tpu.memory_space<semaphore_mem>>)
      %dma_wait3A = tpu.memref_slice %arg2[%add3A_10] : memref<640000xi32, #tpu.memory_space<hbm>> -> memref<10000xi32, #tpu.memory_space<hbm>>
      %dma_wait3A_21 = tpu.memref_slice %arg2[%add3A_10] : memref<640000xi32, #tpu.memory_space<hbm>> -> memref<10000xi32, #tpu.memory_space<hbm>>
      tpu.wait_dma2 semaphore(%run_scoped3A : memref<!tpu.dma_semaphore, #tpu.memory_space<semaphore_mem>>) src(%dma_wait3A_21 : memref<10000xi32, #tpu.memory_space<hbm>>) dst(%arg9 : memref<10000xi32, #tpu.memory_space<vmem>>)
      tpu.yield
    }) : () -> ()
    %iota3A = tpu.iota {dimensions = array<i32: 0>} : vector<16xi32>
    %scan3A = arith.constant 0 : i32
    %scan3A_11 = arith.constant 0 : i32
    %scan3A_12 = arith.constant 10 : i32
    %scan3A_13 = arith.addi %scan3A_11, %scan3A_12 : i32
    %scan3A_14 = arith.constant 1 : i32
    scf.for %scan3A_20 = %scan3A_11 to %scan3A_13 step %scan3A_14  : i32 {
      %mul3A_21 = arith.constant 32768 : i32
      %mul3A_22 = arith.muli %scan3A_20, %mul3A_21 : i32
      "tpu.region"() ({
        %run_scoped3A = tpu.sem_alloc : memref<!tpu.dma_semaphore, #tpu.memory_space<semaphore_mem>>
        %dma_start3A = tpu.memref_slice %arg3[%mul3A_22] : memref<327680xi32, #tpu.memory_space<hbm>> -> memref<32768xi32, #tpu.memory_space<hbm>>
        %dma_start3A_30 = tpu.memref_slice %arg3[%mul3A_22] : memref<327680xi32, #tpu.memory_space<hbm>> -> memref<32768xi32, #tpu.memory_space<hbm>>
        tpu.enqueue_dma source(%dma_start3A_30 : memref<32768xi32, #tpu.memory_space<hbm>>) target(%arg10 : memref<32768xi32, #tpu.memory_space<vmem>>) target_semaphore(%run_scoped3A : memref<!tpu.dma_semaphore, #tpu.memory_space<semaphore_mem>>)
        %dma_wait3A = tpu.memref_slice %arg3[%mul3A_22] : memref<327680xi32, #tpu.memory_space<hbm>> -> memref<32768xi32, #tpu.memory_space<hbm>>
        %dma_wait3A_31 = tpu.memref_slice %arg3[%mul3A_22] : memref<327680xi32, #tpu.memory_space<hbm>> -> memref<32768xi32, #tpu.memory_space<hbm>>
        tpu.wait_dma2 semaphore(%run_scoped3A : memref<!tpu.dma_semaphore, #tpu.memory_space<semaphore_mem>>) src(%dma_wait3A_31 : memref<32768xi32, #tpu.memory_space<hbm>>) dst(%arg10 : memref<32768xi32, #tpu.memory_space<vmem>>)
        tpu.yield
      }) : () -> ()
      %mul3A_23 = arith.constant 32768 : i32
      %mul3A_24 = arith.muli %scan3A_20, %mul3A_23 : i32
      "tpu.region"() ({
        %run_scoped3A = tpu.sem_alloc : memref<!tpu.dma_semaphore, #tpu.memory_space<semaphore_mem>>
        %dma_start3A = tpu.memref_slice %arg4[%mul3A_24] : memref<327680xi32, #tpu.memory_space<hbm>> -> memref<32768xi32, #tpu.memory_space<hbm>>
        %dma_start3A_30 = tpu.memref_slice %arg4[%mul3A_24] : memref<327680xi32, #tpu.memory_space<hbm>> -> memref<32768xi32, #tpu.memory_space<hbm>>
        tpu.enqueue_dma source(%dma_start3A_30 : memref<32768xi32, #tpu.memory_space<hbm>>) target(%arg11 : memref<32768xi32, #tpu.memory_space<vmem>>) target_semaphore(%run_scoped3A : memref<!tpu.dma_semaphore, #tpu.memory_space<semaphore_mem>>)
        %dma_wait3A = tpu.memref_slice %arg4[%mul3A_24] : memref<327680xi32, #tpu.memory_space<hbm>> -> memref<32768xi32, #tpu.memory_space<hbm>>
        %dma_wait3A_31 = tpu.memref_slice %arg4[%mul3A_24] : memref<327680xi32, #tpu.memory_space<hbm>> -> memref<32768xi32, #tpu.memory_space<hbm>>
        tpu.wait_dma2 semaphore(%run_scoped3A : memref<!tpu.dma_semaphore, #tpu.memory_space<semaphore_mem>>) src(%dma_wait3A_31 : memref<32768xi32, #tpu.memory_space<hbm>>) dst(%arg11 : memref<32768xi32, #tpu.memory_space<vmem>>)
        tpu.yield
      }) : () -> ()
      %scan3A_25 = arith.constant 0 : i32
      %scan3A_26 = arith.constant 512 : i32
      %scan3A_27 = arith.addi %scan3A_25, %scan3A_26 : i32
      %scan3A_28 = arith.constant 1 : i32
      scf.for %scan3A_30 = %scan3A_25 to %scan3A_27 step %scan3A_28  : i32 {
        %broadcast_in_dim3A = arith.constant false
        %broadcast_in_dim3A_31 = vector.broadcast %broadcast_in_dim3A : i1 to vector<16xi1>
        %mul3A_32 = arith.constant 4 : i32
        %mul3A_33 = arith.muli %scan3A_30, %mul3A_32 : i32
        %add3A_34 = arith.constant 0 : i32
        %add3A_35 = arith.addi %mul3A_33, %add3A_34 : i32
        %mul3A_36 = arith.constant 16 : i32
        %mul3A_37 = arith.muli %add3A_35, %mul3A_36 : i32
        %get3A = arith.index_cast %mul3A_37 : i32 to index
        %get3A_38 = tpu.vector_load %arg10[%get3A] {strides = array<i32>} : memref<32768xi32, #tpu.memory_space<vmem>>, vector<16xi32>,
        %get3A_39 = arith.index_cast %mul3A_37 : i32 to index
        %get3A_40 = tpu.vector_load %arg11[%get3A_39] {strides = array<i32>} : memref<32768xi32, #tpu.memory_space<vmem>>, vector<16xi32>,
        tpu.vector_store_idx %arg12[%get3A_40], %iota3A : memref<10000xi32, #tpu.memory_space<vmem>>[vector<16xi32>], vector<16xi32>,
        %gather3A = tpu.vector_load_idx %arg12[%get3A_40] : memref<10000xi32, #tpu.memory_space<vmem>>[vector<16xi32>], vector<16xi32>,
        %ne3A = arith.cmpi ne, %gather3A, %iota3A : vector<16xi32>
        %or3A = arith.ori %broadcast_in_dim3A_31, %ne3A : vector<16xi1>
        %gather3A_41 = tpu.vector_load_idx %arg6[%get3A_38] : memref<10000xi32, #tpu.memory_space<vmem>>[vector<16xi32>], vector<16xi32>,
        %gather3A_42 = tpu.vector_load_idx %arg8[%get3A_40] : memref<10000xi32, #tpu.memory_space<vmem>>[vector<16xi32>], vector<16xi32>,
        %bitcast3A = vector.bitcast %gather3A_41 : vector<16xi32> to vector<32xbf16>
        %bitcast3A_43 = vector.bitcast %gather3A_42 : vector<16xi32> to vector<32xbf16>
        %max3A = arith.maximumf %bitcast3A, %bitcast3A_43 : vector<32xbf16>
        %bitcast3A_44 = vector.bitcast %max3A : vector<32xbf16> to vector<16xi32>
        tpu.vector_store_idx %arg8[%get3A_40], %bitcast3A_44 : memref<10000xi32, #tpu.memory_space<vmem>>[vector<16xi32>], vector<16xi32>,
        %gather3A_45 = tpu.vector_load_idx %arg7[%get3A_38] : memref<10000xi32, #tpu.memory_space<vmem>>[vector<16xi32>], vector<16xi32>,
        %gather3A_46 = tpu.vector_load_idx %arg9[%get3A_40] : memref<10000xi32, #tpu.memory_space<vmem>>[vector<16xi32>], vector<16xi32>,
        %bitcast3A_47 = vector.bitcast %gather3A_45 : vector<16xi32> to vector<32xbf16>
        %bitcast3A_48 = vector.bitcast %gather3A_46 : vector<16xi32> to vector<32xbf16>
        %max3A_49 = arith.maximumf %bitcast3A_47, %bitcast3A_48 : vector<32xbf16>
        %bitcast3A_50 = vector.bitcast %max3A_49 : vector<32xbf16> to vector<16xi32>
        tpu.vector_store_idx %arg9[%get3A_40], %bitcast3A_50 : memref<10000xi32, #tpu.memory_space<vmem>>[vector<16xi32>], vector<16xi32>,
        %mul3A_51 = arith.constant 4 : i32
        %mul3A_52 = arith.muli %scan3A_30, %mul3A_51 : i32
        %add3A_53 = arith.constant 1 : i32
        %add3A_54 = arith.addi %mul3A_52, %add3A_53 : i32
        %mul3A_55 = arith.constant 16 : i32
        %mul3A_56 = arith.muli %add3A_54, %mul3A_55 : i32
        %get3A_57 = arith.index_cast %mul3A_56 : i32 to index
        %get3A_58 = tpu.vector_load %arg10[%get3A_57] {strides = array<i32>} : memref<32768xi32, #tpu.memory_space<vmem>>, vector<16xi32>,
        %get3A_59 = arith.index_cast %mul3A_56 : i32 to index
        %get3A_60 = tpu.vector_load %arg11[%get3A_59] {strides = array<i32>} : memref<32768xi32, #tpu.memory_space<vmem>>, vector<16xi32>,
        tpu.vector_store_idx %arg12[%get3A_60], %iota3A : memref<10000xi32, #tpu.memory_space<vmem>>[vector<16xi32>], vector<16xi32>,
        %gather3A_61 = tpu.vector_load_idx %arg12[%get3A_60] : memref<10000xi32, #tpu.memory_space<vmem>>[vector<16xi32>], vector<16xi32>,
        %ne3A_62 = arith.cmpi ne, %gather3A_61, %iota3A : vector<16xi32>
        %or3A_63 = arith.ori %or3A, %ne3A_62 : vector<16xi1>
        %gather3A_64 = tpu.vector_load_idx %arg6[%get3A_58] : memref<10000xi32, #tpu.memory_space<vmem>>[vector<16xi32>], vector<16xi32>,
        %gather3A_65 = tpu.vector_load_idx %arg8[%get3A_60] : memref<10000xi32, #tpu.memory_space<vmem>>[vector<16xi32>], vector<16xi32>,
        %bitcast3A_66 = vector.bitcast %gather3A_64 : vector<16xi32> to vector<32xbf16>
        %bitcast3A_67 = vector.bitcast %gather3A_65 : vector<16xi32> to vector<32xbf16>
        %max3A_68 = arith.maximumf %bitcast3A_66, %bitcast3A_67 : vector<32xbf16>
        %bitcast3A_69 = vector.bitcast %max3A_68 : vector<32xbf16> to vector<16xi32>
        tpu.vector_store_idx %arg8[%get3A_60], %bitcast3A_69 : memref<10000xi32, #tpu.memory_space<vmem>>[vector<16xi32>], vector<16xi32>,
        %gather3A_70 = tpu.vector_load_idx %arg7[%get3A_58] : memref<10000xi32, #tpu.memory_space<vmem>>[vector<16xi32>], vector<16xi32>,
        %gather3A_71 = tpu.vector_load_idx %arg9[%get3A_60] : memref<10000xi32, #tpu.memory_space<vmem>>[vector<16xi32>], vector<16xi32>,
        %bitcast3A_72 = vector.bitcast %gather3A_70 : vector<16xi32> to vector<32xbf16>
        %bitcast3A_73 = vector.bitcast %gather3A_71 : vector<16xi32> to vector<32xbf16>
        %max3A_74 = arith.maximumf %bitcast3A_72, %bitcast3A_73 : vector<32xbf16>
        %bitcast3A_75 = vector.bitcast %max3A_74 : vector<32xbf16> to vector<16xi32>
        tpu.vector_store_idx %arg9[%get3A_60], %bitcast3A_75 : memref<10000xi32, #tpu.memory_space<vmem>>[vector<16xi32>], vector<16xi32>,
        %mul3A_76 = arith.constant 4 : i32
        %mul3A_77 = arith.muli %scan3A_30, %mul3A_76 : i32
        %add3A_78 = arith.constant 2 : i32
        %add3A_79 = arith.addi %mul3A_77, %add3A_78 : i32
        %mul3A_80 = arith.constant 16 : i32
        %mul3A_81 = arith.muli %add3A_79, %mul3A_80 : i32
        %get3A_82 = arith.index_cast %mul3A_81 : i32 to index
        %get3A_83 = tpu.vector_load %arg10[%get3A_82] {strides = array<i32>} : memref<32768xi32, #tpu.memory_space<vmem>>, vector<16xi32>,
        %get3A_84 = arith.index_cast %mul3A_81 : i32 to index
        %get3A_85 = tpu.vector_load %arg11[%get3A_84] {strides = array<i32>} : memref<32768xi32, #tpu.memory_space<vmem>>, vector<16xi32>,
        tpu.vector_store_idx %arg12[%get3A_85], %iota3A : memref<10000xi32, #tpu.memory_space<vmem>>[vector<16xi32>], vector<16xi32>,
        %gather3A_86 = tpu.vector_load_idx %arg12[%get3A_85] : memref<10000xi32, #tpu.memory_space<vmem>>[vector<16xi32>], vector<16xi32>,
        %ne3A_87 = arith.cmpi ne, %gather3A_86, %iota3A : vector<16xi32>
        %or3A_88 = arith.ori %or3A_63, %ne3A_87 : vector<16xi1>
        %gather3A_89 = tpu.vector_load_idx %arg6[%get3A_83] : memref<10000xi32, #tpu.memory_space<vmem>>[vector<16xi32>], vector<16xi32>,
        %gather3A_90 = tpu.vector_load_idx %arg8[%get3A_85] : memref<10000xi32, #tpu.memory_space<vmem>>[vector<16xi32>], vector<16xi32>,
        %bitcast3A_91 = vector.bitcast %gather3A_89 : vector<16xi32> to vector<32xbf16>
        %bitcast3A_92 = vector.bitcast %gather3A_90 : vector<16xi32> to vector<32xbf16>
        %max3A_93 = arith.maximumf %bitcast3A_91, %bitcast3A_92 : vector<32xbf16>
        %bitcast3A_94 = vector.bitcast %max3A_93 : vector<32xbf16> to vector<16xi32>
        tpu.vector_store_idx %arg8[%get3A_85], %bitcast3A_94 : memref<10000xi32, #tpu.memory_space<vmem>>[vector<16xi32>], vector<16xi32>,
        %gather3A_95 = tpu.vector_load_idx %arg7[%get3A_83] : memref<10000xi32, #tpu.memory_space<vmem>>[vector<16xi32>], vector<16xi32>,
        %gather3A_96 = tpu.vector_load_idx %arg9[%get3A_85] : memref<10000xi32, #tpu.memory_space<vmem>>[vector<16xi32>], vector<16xi32>,
        %bitcast3A_97 = vector.bitcast %gather3A_95 : vector<16xi32> to vector<32xbf16>
        %bitcast3A_98 = vector.bitcast %gather3A_96 : vector<16xi32> to vector<32xbf16>
        %max3A_99 = arith.maximumf %bitcast3A_97, %bitcast3A_98 : vector<32xbf16>
        %bitcast3A_100 = vector.bitcast %max3A_99 : vector<32xbf16> to vector<16xi32>
        tpu.vector_store_idx %arg9[%get3A_85], %bitcast3A_100 : memref<10000xi32, #tpu.memory_space<vmem>>[vector<16xi32>], vector<16xi32>,
        %mul3A_101 = arith.constant 4 : i32
        %mul3A_102 = arith.muli %scan3A_30, %mul3A_101 : i32
        %add3A_103 = arith.constant 3 : i32
        %add3A_104 = arith.addi %mul3A_102, %add3A_103 : i32
        %mul3A_105 = arith.constant 16 : i32
        %mul3A_106 = arith.muli %add3A_104, %mul3A_105 : i32
        %get3A_107 = arith.index_cast %mul3A_106 : i32 to index
        %get3A_108 = tpu.vector_load %arg10[%get3A_107] {strides = array<i32>} : memref<32768xi32, #tpu.memory_space<vmem>>, vector<16xi32>,
        %get3A_109 = arith.index_cast %mul3A_106 : i32 to index
        %get3A_110 = tpu.vector_load %arg11[%get3A_109] {strides = array<i32>} : memref<32768xi32, #tpu.memory_space<vmem>>, vector<16xi32>,
        tpu.vector_store_idx %arg12[%get3A_110], %iota3A : memref<10000xi32, #tpu.memory_space<vmem>>[vector<16xi32>], vector<16xi32>,
        %gather3A_111 = tpu.vector_load_idx %arg12[%get3A_110] : memref<10000xi32, #tpu.memory_space<vmem>>[vector<16xi32>], vector<16xi32>,
        %ne3A_112 = arith.cmpi ne, %gather3A_111, %iota3A : vector<16xi32>
        %or3A_113 = arith.ori %or3A_88, %ne3A_112 : vector<16xi1>
        %gather3A_114 = tpu.vector_load_idx %arg6[%get3A_108] : memref<10000xi32, #tpu.memory_space<vmem>>[vector<16xi32>], vector<16xi32>,
        %gather3A_115 = tpu.vector_load_idx %arg8[%get3A_110] : memref<10000xi32, #tpu.memory_space<vmem>>[vector<16xi32>], vector<16xi32>,
        %bitcast3A_116 = vector.bitcast %gather3A_114 : vector<16xi32> to vector<32xbf16>
        %bitcast3A_117 = vector.bitcast %gather3A_115 : vector<16xi32> to vector<32xbf16>
        %max3A_118 = arith.maximumf %bitcast3A_116, %bitcast3A_117 : vector<32xbf16>
        %bitcast3A_119 = vector.bitcast %max3A_118 : vector<32xbf16> to vector<16xi32>
        tpu.vector_store_idx %arg8[%get3A_110], %bitcast3A_119 : memref<10000xi32, #tpu.memory_space<vmem>>[vector<16xi32>], vector<16xi32>,
        %gather3A_120 = tpu.vector_load_idx %arg7[%get3A_108] : memref<10000xi32, #tpu.memory_space<vmem>>[vector<16xi32>], vector<16xi32>,
        %gather3A_121 = tpu.vector_load_idx %arg9[%get3A_110] : memref<10000xi32, #tpu.memory_space<vmem>>[vector<16xi32>], vector<16xi32>,
        %bitcast3A_122 = vector.bitcast %gather3A_120 : vector<16xi32> to vector<32xbf16>
        %bitcast3A_123 = vector.bitcast %gather3A_121 : vector<16xi32> to vector<32xbf16>
        %max3A_124 = arith.maximumf %bitcast3A_122, %bitcast3A_123 : vector<32xbf16>
        %bitcast3A_125 = vector.bitcast %max3A_124 : vector<32xbf16> to vector<16xi32>
        tpu.vector_store_idx %arg9[%get3A_110], %bitcast3A_125 : memref<10000xi32, #tpu.memory_space<vmem>>[vector<16xi32>], vector<16xi32>,
        %reduce_or3A = arith.constant 1.000000e+00 : f32
        %reduce_or3A_126 = arith.constant 0.000000e+00 : f32
        %reduce_or3A_127 = vector.broadcast %reduce_or3A : f32 to vector<16xf32>
        %reduce_or3A_128 = vector.broadcast %reduce_or3A_126 : f32 to vector<16xf32>
        %reduce_or3A_129 = arith.select %or3A_113, %reduce_or3A_127, %reduce_or3A_128 : vector<16xi1>, vector<16xf32>
        %reduce_or3A_130 = arith.constant true
        %reduce_or3A_131 = vector.broadcast %reduce_or3A_130 : i1 to vector<16xi1>
        %reduce_or3A_132 = tpu.scan <max>, %reduce_or3A_129 masked %reduce_or3A_131 : vector<16xf32>, vector<16xi1> -> vector<16xf32>
        %reduce_or3A_133 = vector.extract %reduce_or3A_132[15] : f32 from vector<16xf32>
        %reduce_or3A_134 = arith.constant 0.000000e+00 : f32
        %reduce_or3A_135 = arith.cmpf ogt, %reduce_or3A_133, %reduce_or3A_134 : f32
        %convert_element_type3A = arith.extui %reduce_or3A_135 : i1 to i32
        %cond3A = arith.constant 0 : i32
        %cond3A_136 = arith.cmpi ne, %convert_element_type3A, %cond3A : i32
        scf.if %cond3A_136 {
          %mul3A_137 = arith.constant 4 : i32
          %mul3A_138 = arith.muli %scan3A_30, %mul3A_137 : i32
          %add3A_139 = arith.constant 0 : i32
          %add3A_140 = arith.addi %mul3A_138, %add3A_139 : i32
          %mul3A_141 = arith.constant 16 : i32
          %mul3A_142 = arith.muli %add3A_140, %mul3A_141 : i32
          %get3A_143 = arith.index_cast %mul3A_142 : i32 to index
          %get3A_144 = tpu.vector_load %arg10[%get3A_143] {strides = array<i32>} : memref<32768xi32, #tpu.memory_space<vmem>>, vector<16xi32>,
          %get3A_145 = arith.index_cast %mul3A_142 : i32 to index
          %get3A_146 = tpu.vector_load %arg11[%get3A_145] {strides = array<i32>} : memref<32768xi32, #tpu.memory_space<vmem>>, vector<16xi32>,
          %gather3A_147 = tpu.vector_load_idx %arg6[%get3A_144] : memref<10000xi32, #tpu.memory_space<vmem>>[vector<16xi32>], vector<16xi32>,
          %gather3A_148 = tpu.vector_load_idx %arg8[%get3A_146] : memref<10000xi32, #tpu.memory_space<vmem>>[vector<16xi32>], vector<16xi32>,
          %bitcast3A_149 = vector.bitcast %gather3A_147 : vector<16xi32> to vector<32xbf16>
          %bitcast3A_150 = vector.bitcast %gather3A_148 : vector<16xi32> to vector<32xbf16>
          %max3A_151 = arith.maximumf %bitcast3A_149, %bitcast3A_150 : vector<32xbf16>
          %bitcast3A_152 = vector.bitcast %max3A_151 : vector<32xbf16> to vector<16xi32>
          %ne3A_153 = arith.cmpi ne, %bitcast3A_152, %gather3A_148 : vector<16xi32>
          %while3A = scf.while (%while3A_240 = %ne3A_153) : (vector<16xi1>) -> vector<16xi1> {
            %reduce_or3A_241 = arith.constant 1.000000e+00 : f32
            %reduce_or3A_242 = arith.constant 0.000000e+00 : f32
            %reduce_or3A_243 = vector.broadcast %reduce_or3A_241 : f32 to vector<16xf32>
            %reduce_or3A_244 = vector.broadcast %reduce_or3A_242 : f32 to vector<16xf32>
            %reduce_or3A_245 = arith.select %while3A_240, %reduce_or3A_243, %reduce_or3A_244 : vector<16xi1>, vector<16xf32>
            %reduce_or3A_246 = arith.constant true
            %reduce_or3A_247 = vector.broadcast %reduce_or3A_246 : i1 to vector<16xi1>
            %reduce_or3A_248 = tpu.scan <max>, %reduce_or3A_245 masked %reduce_or3A_247 : vector<16xf32>, vector<16xi1> -> vector<16xf32>
            %reduce_or3A_249 = vector.extract %reduce_or3A_248[15] : f32 from vector<16xf32>
            %reduce_or3A_250 = arith.constant 0.000000e+00 : f32
            %reduce_or3A_251 = arith.cmpf ogt, %reduce_or3A_249, %reduce_or3A_250 : f32
            scf.condition(%reduce_or3A_251) %while3A_240 : vector<16xi1>
          } do {
          ^bb0(%while3A_240: vector<16xi1>):
            %gather3A_241 = tpu.vector_load_idx %arg8[%get3A_146] : memref<10000xi32, #tpu.memory_space<vmem>>[vector<16xi32>], vector<16xi32>,
            %bitcast3A_242 = vector.bitcast %gather3A_147 : vector<16xi32> to vector<32xbf16>
            %bitcast3A_243 = vector.bitcast %gather3A_241 : vector<16xi32> to vector<32xbf16>
            %max3A_244 = arith.maximumf %bitcast3A_242, %bitcast3A_243 : vector<32xbf16>
            %bitcast3A_245 = vector.bitcast %max3A_244 : vector<32xbf16> to vector<16xi32>
            tpu.vector_store_idx %arg8[%get3A_146], %bitcast3A_245 masked %while3A_240 : memref<10000xi32, #tpu.memory_space<vmem>>[vector<16xi32>], vector<16xi32>, vector<16xi1>
            %gather3A_246 = tpu.vector_load_idx %arg8[%get3A_146] : memref<10000xi32, #tpu.memory_space<vmem>>[vector<16xi32>], vector<16xi32>,
            %bitcast3A_247 = vector.bitcast %gather3A_147 : vector<16xi32> to vector<32xbf16>
            %bitcast3A_248 = vector.bitcast %gather3A_246 : vector<16xi32> to vector<32xbf16>
            %max3A_249 = arith.maximumf %bitcast3A_247, %bitcast3A_248 : vector<32xbf16>
            %bitcast3A_250 = vector.bitcast %max3A_249 : vector<32xbf16> to vector<16xi32>
            %ne3A_251 = arith.cmpi ne, %bitcast3A_250, %gather3A_246 : vector<16xi32>
            scf.yield %ne3A_251 : vector<16xi1>
          }
          %gather3A_154 = tpu.vector_load_idx %arg7[%get3A_144] : memref<10000xi32, #tpu.memory_space<vmem>>[vector<16xi32>], vector<16xi32>,
          %gather3A_155 = tpu.vector_load_idx %arg9[%get3A_146] : memref<10000xi32, #tpu.memory_space<vmem>>[vector<16xi32>], vector<16xi32>,
          %bitcast3A_156 = vector.bitcast %gather3A_154 : vector<16xi32> to vector<32xbf16>
          %bitcast3A_157 = vector.bitcast %gather3A_155 : vector<16xi32> to vector<32xbf16>
          %max3A_158 = arith.maximumf %bitcast3A_156, %bitcast3A_157 : vector<32xbf16>
          %bitcast3A_159 = vector.bitcast %max3A_158 : vector<32xbf16> to vector<16xi32>
          %ne3A_160 = arith.cmpi ne, %bitcast3A_159, %gather3A_155 : vector<16xi32>
          %while3A_161 = scf.while (%while3A_240 = %ne3A_160) : (vector<16xi1>) -> vector<16xi1> {
            %reduce_or3A_241 = arith.constant 1.000000e+00 : f32
            %reduce_or3A_242 = arith.constant 0.000000e+00 : f32
            %reduce_or3A_243 = vector.broadcast %reduce_or3A_241 : f32 to vector<16xf32>
            %reduce_or3A_244 = vector.broadcast %reduce_or3A_242 : f32 to vector<16xf32>
            %reduce_or3A_245 = arith.select %while3A_240, %reduce_or3A_243, %reduce_or3A_244 : vector<16xi1>, vector<16xf32>
            %reduce_or3A_246 = arith.constant true
            %reduce_or3A_247 = vector.broadcast %reduce_or3A_246 : i1 to vector<16xi1>
            %reduce_or3A_248 = tpu.scan <max>, %reduce_or3A_245 masked %reduce_or3A_247 : vector<16xf32>, vector<16xi1> -> vector<16xf32>
            %reduce_or3A_249 = vector.extract %reduce_or3A_248[15] : f32 from vector<16xf32>
            %reduce_or3A_250 = arith.constant 0.000000e+00 : f32
            %reduce_or3A_251 = arith.cmpf ogt, %reduce_or3A_249, %reduce_or3A_250 : f32
            scf.condition(%reduce_or3A_251) %while3A_240 : vector<16xi1>
          } do {
          ^bb0(%while3A_240: vector<16xi1>):
            %gather3A_241 = tpu.vector_load_idx %arg9[%get3A_146] : memref<10000xi32, #tpu.memory_space<vmem>>[vector<16xi32>], vector<16xi32>,
            %bitcast3A_242 = vector.bitcast %gather3A_154 : vector<16xi32> to vector<32xbf16>
            %bitcast3A_243 = vector.bitcast %gather3A_241 : vector<16xi32> to vector<32xbf16>
            %max3A_244 = arith.maximumf %bitcast3A_242, %bitcast3A_243 : vector<32xbf16>
            %bitcast3A_245 = vector.bitcast %max3A_244 : vector<32xbf16> to vector<16xi32>
            tpu.vector_store_idx %arg9[%get3A_146], %bitcast3A_245 masked %while3A_240 : memref<10000xi32, #tpu.memory_space<vmem>>[vector<16xi32>], vector<16xi32>, vector<16xi1>
            %gather3A_246 = tpu.vector_load_idx %arg9[%get3A_146] : memref<10000xi32, #tpu.memory_space<vmem>>[vector<16xi32>], vector<16xi32>,
            %bitcast3A_247 = vector.bitcast %gather3A_154 : vector<16xi32> to vector<32xbf16>
            %bitcast3A_248 = vector.bitcast %gather3A_246 : vector<16xi32> to vector<32xbf16>
            %max3A_249 = arith.maximumf %bitcast3A_247, %bitcast3A_248 : vector<32xbf16>
            %bitcast3A_250 = vector.bitcast %max3A_249 : vector<32xbf16> to vector<16xi32>
            %ne3A_251 = arith.cmpi ne, %bitcast3A_250, %gather3A_246 : vector<16xi32>
            scf.yield %ne3A_251 : vector<16xi1>
          }
          %mul3A_162 = arith.constant 4 : i32
          %mul3A_163 = arith.muli %scan3A_30, %mul3A_162 : i32
          %add3A_164 = arith.constant 1 : i32
          %add3A_165 = arith.addi %mul3A_163, %add3A_164 : i32
          %mul3A_166 = arith.constant 16 : i32
          %mul3A_167 = arith.muli %add3A_165, %mul3A_166 : i32
          %get3A_168 = arith.index_cast %mul3A_167 : i32 to index
          %get3A_169 = tpu.vector_load %arg10[%get3A_168] {strides = array<i32>} : memref<32768xi32, #tpu.memory_space<vmem>>, vector<16xi32>,
          %get3A_170 = arith.index_cast %mul3A_167 : i32 to index
          %get3A_171 = tpu.vector_load %arg11[%get3A_170] {strides = array<i32>} : memref<32768xi32, #tpu.memory_space<vmem>>, vector<16xi32>,
          %gather3A_172 = tpu.vector_load_idx %arg6[%get3A_169] : memref<10000xi32, #tpu.memory_space<vmem>>[vector<16xi32>], vector<16xi32>,
          %gather3A_173 = tpu.vector_load_idx %arg8[%get3A_171] : memref<10000xi32, #tpu.memory_space<vmem>>[vector<16xi32>], vector<16xi32>,
          %bitcast3A_174 = vector.bitcast %gather3A_172 : vector<16xi32> to vector<32xbf16>
          %bitcast3A_175 = vector.bitcast %gather3A_173 : vector<16xi32> to vector<32xbf16>
          %max3A_176 = arith.maximumf %bitcast3A_174, %bitcast3A_175 : vector<32xbf16>
          %bitcast3A_177 = vector.bitcast %max3A_176 : vector<32xbf16> to vector<16xi32>
          %ne3A_178 = arith.cmpi ne, %bitcast3A_177, %gather3A_173 : vector<16xi32>
          %while3A_179 = scf.while (%while3A_240 = %ne3A_178) : (vector<16xi1>) -> vector<16xi1> {
            %reduce_or3A_241 = arith.constant 1.000000e+00 : f32
            %reduce_or3A_242 = arith.constant 0.000000e+00 : f32
            %reduce_or3A_243 = vector.broadcast %reduce_or3A_241 : f32 to vector<16xf32>
            %reduce_or3A_244 = vector.broadcast %reduce_or3A_242 : f32 to vector<16xf32>
            %reduce_or3A_245 = arith.select %while3A_240, %reduce_or3A_243, %reduce_or3A_244 : vector<16xi1>, vector<16xf32>
            %reduce_or3A_246 = arith.constant true
            %reduce_or3A_247 = vector.broadcast %reduce_or3A_246 : i1 to vector<16xi1>
            %reduce_or3A_248 = tpu.scan <max>, %reduce_or3A_245 masked %reduce_or3A_247 : vector<16xf32>, vector<16xi1> -> vector<16xf32>
            %reduce_or3A_249 = vector.extract %reduce_or3A_248[15] : f32 from vector<16xf32>
            %reduce_or3A_250 = arith.constant 0.000000e+00 : f32
            %reduce_or3A_251 = arith.cmpf ogt, %reduce_or3A_249, %reduce_or3A_250 : f32
            scf.condition(%reduce_or3A_251) %while3A_240 : vector<16xi1>
          } do {
          ^bb0(%while3A_240: vector<16xi1>):
            %gather3A_241 = tpu.vector_load_idx %arg8[%get3A_171] : memref<10000xi32, #tpu.memory_space<vmem>>[vector<16xi32>], vector<16xi32>,
            %bitcast3A_242 = vector.bitcast %gather3A_172 : vector<16xi32> to vector<32xbf16>
            %bitcast3A_243 = vector.bitcast %gather3A_241 : vector<16xi32> to vector<32xbf16>
            %max3A_244 = arith.maximumf %bitcast3A_242, %bitcast3A_243 : vector<32xbf16>
            %bitcast3A_245 = vector.bitcast %max3A_244 : vector<32xbf16> to vector<16xi32>
            tpu.vector_store_idx %arg8[%get3A_171], %bitcast3A_245 masked %while3A_240 : memref<10000xi32, #tpu.memory_space<vmem>>[vector<16xi32>], vector<16xi32>, vector<16xi1>
            %gather3A_246 = tpu.vector_load_idx %arg8[%get3A_171] : memref<10000xi32, #tpu.memory_space<vmem>>[vector<16xi32>], vector<16xi32>,
            %bitcast3A_247 = vector.bitcast %gather3A_172 : vector<16xi32> to vector<32xbf16>
            %bitcast3A_248 = vector.bitcast %gather3A_246 : vector<16xi32> to vector<32xbf16>
            %max3A_249 = arith.maximumf %bitcast3A_247, %bitcast3A_248 : vector<32xbf16>
            %bitcast3A_250 = vector.bitcast %max3A_249 : vector<32xbf16> to vector<16xi32>
            %ne3A_251 = arith.cmpi ne, %bitcast3A_250, %gather3A_246 : vector<16xi32>
            scf.yield %ne3A_251 : vector<16xi1>
          }
          %gather3A_180 = tpu.vector_load_idx %arg7[%get3A_169] : memref<10000xi32, #tpu.memory_space<vmem>>[vector<16xi32>], vector<16xi32>,
          %gather3A_181 = tpu.vector_load_idx %arg9[%get3A_171] : memref<10000xi32, #tpu.memory_space<vmem>>[vector<16xi32>], vector<16xi32>,
          %bitcast3A_182 = vector.bitcast %gather3A_180 : vector<16xi32> to vector<32xbf16>
          %bitcast3A_183 = vector.bitcast %gather3A_181 : vector<16xi32> to vector<32xbf16>
          %max3A_184 = arith.maximumf %bitcast3A_182, %bitcast3A_183 : vector<32xbf16>
          %bitcast3A_185 = vector.bitcast %max3A_184 : vector<32xbf16> to vector<16xi32>
          %ne3A_186 = arith.cmpi ne, %bitcast3A_185, %gather3A_181 : vector<16xi32>
          %while3A_187 = scf.while (%while3A_240 = %ne3A_186) : (vector<16xi1>) -> vector<16xi1> {
            %reduce_or3A_241 = arith.constant 1.000000e+00 : f32
            %reduce_or3A_242 = arith.constant 0.000000e+00 : f32
            %reduce_or3A_243 = vector.broadcast %reduce_or3A_241 : f32 to vector<16xf32>
            %reduce_or3A_244 = vector.broadcast %reduce_or3A_242 : f32 to vector<16xf32>
            %reduce_or3A_245 = arith.select %while3A_240, %reduce_or3A_243, %reduce_or3A_244 : vector<16xi1>, vector<16xf32>
            %reduce_or3A_246 = arith.constant true
            %reduce_or3A_247 = vector.broadcast %reduce_or3A_246 : i1 to vector<16xi1>
            %reduce_or3A_248 = tpu.scan <max>, %reduce_or3A_245 masked %reduce_or3A_247 : vector<16xf32>, vector<16xi1> -> vector<16xf32>
            %reduce_or3A_249 = vector.extract %reduce_or3A_248[15] : f32 from vector<16xf32>
            %reduce_or3A_250 = arith.constant 0.000000e+00 : f32
            %reduce_or3A_251 = arith.cmpf ogt, %reduce_or3A_249, %reduce_or3A_250 : f32
            scf.condition(%reduce_or3A_251) %while3A_240 : vector<16xi1>
          } do {
          ^bb0(%while3A_240: vector<16xi1>):
            %gather3A_241 = tpu.vector_load_idx %arg9[%get3A_171] : memref<10000xi32, #tpu.memory_space<vmem>>[vector<16xi32>], vector<16xi32>,
            %bitcast3A_242 = vector.bitcast %gather3A_180 : vector<16xi32> to vector<32xbf16>
            %bitcast3A_243 = vector.bitcast %gather3A_241 : vector<16xi32> to vector<32xbf16>
            %max3A_244 = arith.maximumf %bitcast3A_242, %bitcast3A_243 : vector<32xbf16>
            %bitcast3A_245 = vector.bitcast %max3A_244 : vector<32xbf16> to vector<16xi32>
            tpu.vector_store_idx %arg9[%get3A_171], %bitcast3A_245 masked %while3A_240 : memref<10000xi32, #tpu.memory_space<vmem>>[vector<16xi32>], vector<16xi32>, vector<16xi1>
            %gather3A_246 = tpu.vector_load_idx %arg9[%get3A_171] : memref<10000xi32, #tpu.memory_space<vmem>>[vector<16xi32>], vector<16xi32>,
            %bitcast3A_247 = vector.bitcast %gather3A_180 : vector<16xi32> to vector<32xbf16>
            %bitcast3A_248 = vector.bitcast %gather3A_246 : vector<16xi32> to vector<32xbf16>
            %max3A_249 = arith.maximumf %bitcast3A_247, %bitcast3A_248 : vector<32xbf16>
            %bitcast3A_250 = vector.bitcast %max3A_249 : vector<32xbf16> to vector<16xi32>
            %ne3A_251 = arith.cmpi ne, %bitcast3A_250, %gather3A_246 : vector<16xi32>
            scf.yield %ne3A_251 : vector<16xi1>
          }
          %mul3A_188 = arith.constant 4 : i32
          %mul3A_189 = arith.muli %scan3A_30, %mul3A_188 : i32
          %add3A_190 = arith.constant 2 : i32
          %add3A_191 = arith.addi %mul3A_189, %add3A_190 : i32
          %mul3A_192 = arith.constant 16 : i32
          %mul3A_193 = arith.muli %add3A_191, %mul3A_192 : i32
          %get3A_194 = arith.index_cast %mul3A_193 : i32 to index
          %get3A_195 = tpu.vector_load %arg10[%get3A_194] {strides = array<i32>} : memref<32768xi32, #tpu.memory_space<vmem>>, vector<16xi32>,
          %get3A_196 = arith.index_cast %mul3A_193 : i32 to index
          %get3A_197 = tpu.vector_load %arg11[%get3A_196] {strides = array<i32>} : memref<32768xi32, #tpu.memory_space<vmem>>, vector<16xi32>,
          %gather3A_198 = tpu.vector_load_idx %arg6[%get3A_195] : memref<10000xi32, #tpu.memory_space<vmem>>[vector<16xi32>], vector<16xi32>,
          %gather3A_199 = tpu.vector_load_idx %arg8[%get3A_197] : memref<10000xi32, #tpu.memory_space<vmem>>[vector<16xi32>], vector<16xi32>,
          %bitcast3A_200 = vector.bitcast %gather3A_198 : vector<16xi32> to vector<32xbf16>
          %bitcast3A_201 = vector.bitcast %gather3A_199 : vector<16xi32> to vector<32xbf16>
          %max3A_202 = arith.maximumf %bitcast3A_200, %bitcast3A_201 : vector<32xbf16>
          %bitcast3A_203 = vector.bitcast %max3A_202 : vector<32xbf16> to vector<16xi32>
          %ne3A_204 = arith.cmpi ne, %bitcast3A_203, %gather3A_199 : vector<16xi32>
          %while3A_205 = scf.while (%while3A_240 = %ne3A_204) : (vector<16xi1>) -> vector<16xi1> {
            %reduce_or3A_241 = arith.constant 1.000000e+00 : f32
            %reduce_or3A_242 = arith.constant 0.000000e+00 : f32
            %reduce_or3A_243 = vector.broadcast %reduce_or3A_241 : f32 to vector<16xf32>
            %reduce_or3A_244 = vector.broadcast %reduce_or3A_242 : f32 to vector<16xf32>
            %reduce_or3A_245 = arith.select %while3A_240, %reduce_or3A_243, %reduce_or3A_244 : vector<16xi1>, vector<16xf32>
            %reduce_or3A_246 = arith.constant true
            %reduce_or3A_247 = vector.broadcast %reduce_or3A_246 : i1 to vector<16xi1>
            %reduce_or3A_248 = tpu.scan <max>, %reduce_or3A_245 masked %reduce_or3A_247 : vector<16xf32>, vector<16xi1> -> vector<16xf32>
            %reduce_or3A_249 = vector.extract %reduce_or3A_248[15] : f32 from vector<16xf32>
            %reduce_or3A_250 = arith.constant 0.000000e+00 : f32
            %reduce_or3A_251 = arith.cmpf ogt, %reduce_or3A_249, %reduce_or3A_250 : f32
            scf.condition(%reduce_or3A_251) %while3A_240 : vector<16xi1>
          } do {
          ^bb0(%while3A_240: vector<16xi1>):
            %gather3A_241 = tpu.vector_load_idx %arg8[%get3A_197] : memref<10000xi32, #tpu.memory_space<vmem>>[vector<16xi32>], vector<16xi32>,
            %bitcast3A_242 = vector.bitcast %gather3A_198 : vector<16xi32> to vector<32xbf16>
            %bitcast3A_243 = vector.bitcast %gather3A_241 : vector<16xi32> to vector<32xbf16>
            %max3A_244 = arith.maximumf %bitcast3A_242, %bitcast3A_243 : vector<32xbf16>
            %bitcast3A_245 = vector.bitcast %max3A_244 : vector<32xbf16> to vector<16xi32>
            tpu.vector_store_idx %arg8[%get3A_197], %bitcast3A_245 masked %while3A_240 : memref<10000xi32, #tpu.memory_space<vmem>>[vector<16xi32>], vector<16xi32>, vector<16xi1>
            %gather3A_246 = tpu.vector_load_idx %arg8[%get3A_197] : memref<10000xi32, #tpu.memory_space<vmem>>[vector<16xi32>], vector<16xi32>,
            %bitcast3A_247 = vector.bitcast %gather3A_198 : vector<16xi32> to vector<32xbf16>
            %bitcast3A_248 = vector.bitcast %gather3A_246 : vector<16xi32> to vector<32xbf16>
            %max3A_249 = arith.maximumf %bitcast3A_247, %bitcast3A_248 : vector<32xbf16>
            %bitcast3A_250 = vector.bitcast %max3A_249 : vector<32xbf16> to vector<16xi32>
            %ne3A_251 = arith.cmpi ne, %bitcast3A_250, %gather3A_246 : vector<16xi32>
            scf.yield %ne3A_251 : vector<16xi1>
          }
          %gather3A_206 = tpu.vector_load_idx %arg7[%get3A_195] : memref<10000xi32, #tpu.memory_space<vmem>>[vector<16xi32>], vector<16xi32>,
          %gather3A_207 = tpu.vector_load_idx %arg9[%get3A_197] : memref<10000xi32, #tpu.memory_space<vmem>>[vector<16xi32>], vector<16xi32>,
          %bitcast3A_208 = vector.bitcast %gather3A_206 : vector<16xi32> to vector<32xbf16>
          %bitcast3A_209 = vector.bitcast %gather3A_207 : vector<16xi32> to vector<32xbf16>
          %max3A_210 = arith.maximumf %bitcast3A_208, %bitcast3A_209 : vector<32xbf16>
          %bitcast3A_211 = vector.bitcast %max3A_210 : vector<32xbf16> to vector<16xi32>
          %ne3A_212 = arith.cmpi ne, %bitcast3A_211, %gather3A_207 : vector<16xi32>
          %while3A_213 = scf.while (%while3A_240 = %ne3A_212) : (vector<16xi1>) -> vector<16xi1> {
            %reduce_or3A_241 = arith.constant 1.000000e+00 : f32
            %reduce_or3A_242 = arith.constant 0.000000e+00 : f32
            %reduce_or3A_243 = vector.broadcast %reduce_or3A_241 : f32 to vector<16xf32>
            %reduce_or3A_244 = vector.broadcast %reduce_or3A_242 : f32 to vector<16xf32>
            %reduce_or3A_245 = arith.select %while3A_240, %reduce_or3A_243, %reduce_or3A_244 : vector<16xi1>, vector<16xf32>
            %reduce_or3A_246 = arith.constant true
            %reduce_or3A_247 = vector.broadcast %reduce_or3A_246 : i1 to vector<16xi1>
            %reduce_or3A_248 = tpu.scan <max>, %reduce_or3A_245 masked %reduce_or3A_247 : vector<16xf32>, vector<16xi1> -> vector<16xf32>
            %reduce_or3A_249 = vector.extract %reduce_or3A_248[15] : f32 from vector<16xf32>
            %reduce_or3A_250 = arith.constant 0.000000e+00 : f32
            %reduce_or3A_251 = arith.cmpf ogt, %reduce_or3A_249, %reduce_or3A_250 : f32
            scf.condition(%reduce_or3A_251) %while3A_240 : vector<16xi1>
          } do {
          ^bb0(%while3A_240: vector<16xi1>):
            %gather3A_241 = tpu.vector_load_idx %arg9[%get3A_197] : memref<10000xi32, #tpu.memory_space<vmem>>[vector<16xi32>], vector<16xi32>,
            %bitcast3A_242 = vector.bitcast %gather3A_206 : vector<16xi32> to vector<32xbf16>
            %bitcast3A_243 = vector.bitcast %gather3A_241 : vector<16xi32> to vector<32xbf16>
            %max3A_244 = arith.maximumf %bitcast3A_242, %bitcast3A_243 : vector<32xbf16>
            %bitcast3A_245 = vector.bitcast %max3A_244 : vector<32xbf16> to vector<16xi32>
            tpu.vector_store_idx %arg9[%get3A_197], %bitcast3A_245 masked %while3A_240 : memref<10000xi32, #tpu.memory_space<vmem>>[vector<16xi32>], vector<16xi32>, vector<16xi1>
            %gather3A_246 = tpu.vector_load_idx %arg9[%get3A_197] : memref<10000xi32, #tpu.memory_space<vmem>>[vector<16xi32>], vector<16xi32>,
            %bitcast3A_247 = vector.bitcast %gather3A_206 : vector<16xi32> to vector<32xbf16>
            %bitcast3A_248 = vector.bitcast %gather3A_246 : vector<16xi32> to vector<32xbf16>
            %max3A_249 = arith.maximumf %bitcast3A_247, %bitcast3A_248 : vector<32xbf16>
            %bitcast3A_250 = vector.bitcast %max3A_249 : vector<32xbf16> to vector<16xi32>
            %ne3A_251 = arith.cmpi ne, %bitcast3A_250, %gather3A_246 : vector<16xi32>
            scf.yield %ne3A_251 : vector<16xi1>
          }
          %mul3A_214 = arith.constant 4 : i32
          %mul3A_215 = arith.muli %scan3A_30, %mul3A_214 : i32
          %add3A_216 = arith.constant 3 : i32
          %add3A_217 = arith.addi %mul3A_215, %add3A_216 : i32
          %mul3A_218 = arith.constant 16 : i32
          %mul3A_219 = arith.muli %add3A_217, %mul3A_218 : i32
          %get3A_220 = arith.index_cast %mul3A_219 : i32 to index
          %get3A_221 = tpu.vector_load %arg10[%get3A_220] {strides = array<i32>} : memref<32768xi32, #tpu.memory_space<vmem>>, vector<16xi32>,
          %get3A_222 = arith.index_cast %mul3A_219 : i32 to index
          %get3A_223 = tpu.vector_load %arg11[%get3A_222] {strides = array<i32>} : memref<32768xi32, #tpu.memory_space<vmem>>, vector<16xi32>,
          %gather3A_224 = tpu.vector_load_idx %arg6[%get3A_221] : memref<10000xi32, #tpu.memory_space<vmem>>[vector<16xi32>], vector<16xi32>,
          %gather3A_225 = tpu.vector_load_idx %arg8[%get3A_223] : memref<10000xi32, #tpu.memory_space<vmem>>[vector<16xi32>], vector<16xi32>,
          %bitcast3A_226 = vector.bitcast %gather3A_224 : vector<16xi32> to vector<32xbf16>
          %bitcast3A_227 = vector.bitcast %gather3A_225 : vector<16xi32> to vector<32xbf16>
          %max3A_228 = arith.maximumf %bitcast3A_226, %bitcast3A_227 : vector<32xbf16>
          %bitcast3A_229 = vector.bitcast %max3A_228 : vector<32xbf16> to vector<16xi32>
          %ne3A_230 = arith.cmpi ne, %bitcast3A_229, %gather3A_225 : vector<16xi32>
          %while3A_231 = scf.while (%while3A_240 = %ne3A_230) : (vector<16xi1>) -> vector<16xi1> {
            %reduce_or3A_241 = arith.constant 1.000000e+00 : f32
            %reduce_or3A_242 = arith.constant 0.000000e+00 : f32
            %reduce_or3A_243 = vector.broadcast %reduce_or3A_241 : f32 to vector<16xf32>
            %reduce_or3A_244 = vector.broadcast %reduce_or3A_242 : f32 to vector<16xf32>
            %reduce_or3A_245 = arith.select %while3A_240, %reduce_or3A_243, %reduce_or3A_244 : vector<16xi1>, vector<16xf32>
            %reduce_or3A_246 = arith.constant true
            %reduce_or3A_247 = vector.broadcast %reduce_or3A_246 : i1 to vector<16xi1>
            %reduce_or3A_248 = tpu.scan <max>, %reduce_or3A_245 masked %reduce_or3A_247 : vector<16xf32>, vector<16xi1> -> vector<16xf32>
            %reduce_or3A_249 = vector.extract %reduce_or3A_248[15] : f32 from vector<16xf32>
            %reduce_or3A_250 = arith.constant 0.000000e+00 : f32
            %reduce_or3A_251 = arith.cmpf ogt, %reduce_or3A_249, %reduce_or3A_250 : f32
            scf.condition(%reduce_or3A_251) %while3A_240 : vector<16xi1>
          } do {
          ^bb0(%while3A_240: vector<16xi1>):
            %gather3A_241 = tpu.vector_load_idx %arg8[%get3A_223] : memref<10000xi32, #tpu.memory_space<vmem>>[vector<16xi32>], vector<16xi32>,
            %bitcast3A_242 = vector.bitcast %gather3A_224 : vector<16xi32> to vector<32xbf16>
            %bitcast3A_243 = vector.bitcast %gather3A_241 : vector<16xi32> to vector<32xbf16>
            %max3A_244 = arith.maximumf %bitcast3A_242, %bitcast3A_243 : vector<32xbf16>
            %bitcast3A_245 = vector.bitcast %max3A_244 : vector<32xbf16> to vector<16xi32>
            tpu.vector_store_idx %arg8[%get3A_223], %bitcast3A_245 masked %while3A_240 : memref<10000xi32, #tpu.memory_space<vmem>>[vector<16xi32>], vector<16xi32>, vector<16xi1>
            %gather3A_246 = tpu.vector_load_idx %arg8[%get3A_223] : memref<10000xi32, #tpu.memory_space<vmem>>[vector<16xi32>], vector<16xi32>,
            %bitcast3A_247 = vector.bitcast %gather3A_224 : vector<16xi32> to vector<32xbf16>
            %bitcast3A_248 = vector.bitcast %gather3A_246 : vector<16xi32> to vector<32xbf16>
            %max3A_249 = arith.maximumf %bitcast3A_247, %bitcast3A_248 : vector<32xbf16>
            %bitcast3A_250 = vector.bitcast %max3A_249 : vector<32xbf16> to vector<16xi32>
            %ne3A_251 = arith.cmpi ne, %bitcast3A_250, %gather3A_246 : vector<16xi32>
            scf.yield %ne3A_251 : vector<16xi1>
          }
          %gather3A_232 = tpu.vector_load_idx %arg7[%get3A_221] : memref<10000xi32, #tpu.memory_space<vmem>>[vector<16xi32>], vector<16xi32>,
          %gather3A_233 = tpu.vector_load_idx %arg9[%get3A_223] : memref<10000xi32, #tpu.memory_space<vmem>>[vector<16xi32>], vector<16xi32>,
          %bitcast3A_234 = vector.bitcast %gather3A_232 : vector<16xi32> to vector<32xbf16>
          %bitcast3A_235 = vector.bitcast %gather3A_233 : vector<16xi32> to vector<32xbf16>
          %max3A_236 = arith.maximumf %bitcast3A_234, %bitcast3A_235 : vector<32xbf16>
          %bitcast3A_237 = vector.bitcast %max3A_236 : vector<32xbf16> to vector<16xi32>
          %ne3A_238 = arith.cmpi ne, %bitcast3A_237, %gather3A_233 : vector<16xi32>
          %while3A_239 = scf.while (%while3A_240 = %ne3A_238) : (vector<16xi1>) -> vector<16xi1> {
            %reduce_or3A_241 = arith.constant 1.000000e+00 : f32
            %reduce_or3A_242 = arith.constant 0.000000e+00 : f32
            %reduce_or3A_243 = vector.broadcast %reduce_or3A_241 : f32 to vector<16xf32>
            %reduce_or3A_244 = vector.broadcast %reduce_or3A_242 : f32 to vector<16xf32>
            %reduce_or3A_245 = arith.select %while3A_240, %reduce_or3A_243, %reduce_or3A_244 : vector<16xi1>, vector<16xf32>
            %reduce_or3A_246 = arith.constant true
            %reduce_or3A_247 = vector.broadcast %reduce_or3A_246 : i1 to vector<16xi1>
            %reduce_or3A_248 = tpu.scan <max>, %reduce_or3A_245 masked %reduce_or3A_247 : vector<16xf32>, vector<16xi1> -> vector<16xf32>
            %reduce_or3A_249 = vector.extract %reduce_or3A_248[15] : f32 from vector<16xf32>
            %reduce_or3A_250 = arith.constant 0.000000e+00 : f32
            %reduce_or3A_251 = arith.cmpf ogt, %reduce_or3A_249, %reduce_or3A_250 : f32
            scf.condition(%reduce_or3A_251) %while3A_240 : vector<16xi1>
          } do {
          ^bb0(%while3A_240: vector<16xi1>):
            %gather3A_241 = tpu.vector_load_idx %arg9[%get3A_223] : memref<10000xi32, #tpu.memory_space<vmem>>[vector<16xi32>], vector<16xi32>,
            %bitcast3A_242 = vector.bitcast %gather3A_232 : vector<16xi32> to vector<32xbf16>
            %bitcast3A_243 = vector.bitcast %gather3A_241 : vector<16xi32> to vector<32xbf16>
            %max3A_244 = arith.maximumf %bitcast3A_242, %bitcast3A_243 : vector<32xbf16>
            %bitcast3A_245 = vector.bitcast %max3A_244 : vector<32xbf16> to vector<16xi32>
            tpu.vector_store_idx %arg9[%get3A_223], %bitcast3A_245 masked %while3A_240 : memref<10000xi32, #tpu.memory_space<vmem>>[vector<16xi32>], vector<16xi32>, vector<16xi1>
            %gather3A_246 = tpu.vector_load_idx %arg9[%get3A_223] : memref<10000xi32, #tpu.memory_space<vmem>>[vector<16xi32>], vector<16xi32>,
            %bitcast3A_247 = vector.bitcast %gather3A_232 : vector<16xi32> to vector<32xbf16>
            %bitcast3A_248 = vector.bitcast %gather3A_246 : vector<16xi32> to vector<32xbf16>
            %max3A_249 = arith.maximumf %bitcast3A_247, %bitcast3A_248 : vector<32xbf16>
            %bitcast3A_250 = vector.bitcast %max3A_249 : vector<32xbf16> to vector<16xi32>
            %ne3A_251 = arith.cmpi ne, %bitcast3A_250, %gather3A_246 : vector<16xi32>
            scf.yield %ne3A_251 : vector<16xi1>
          }
        } else {
        }
      }
      %scan3A_29 = arith.constant 512 : i32
    }
    %scan3A_15 = arith.constant 10 : i32
    %add3A_16 = arith.constant 0 : i32
    %add3A_17 = arith.addi %mul3A_2, %add3A_16 : i32
    "tpu.region"() ({
      %run_scoped3A = tpu.sem_alloc : memref<!tpu.dma_semaphore, #tpu.memory_space<semaphore_mem>>
      %dma_start3A = tpu.memref_slice %arg5[%add3A_17] : memref<640000xi32, #tpu.memory_space<hbm>> -> memref<10000xi32, #tpu.memory_space<hbm>>
      %dma_start3A_20 = tpu.memref_slice %arg5[%add3A_17] : memref<640000xi32, #tpu.memory_space<hbm>> -> memref<10000xi32, #tpu.memory_space<hbm>>
      tpu.enqueue_dma source(%arg8 : memref<10000xi32, #tpu.memory_space<vmem>>) target(%dma_start3A_20 : memref<10000xi32, #tpu.memory_space<hbm>>) target_semaphore(%run_scoped3A : memref<!tpu.dma_semaphore, #tpu.memory_space<semaphore_mem>>)
      %dma_wait3A = tpu.memref_slice %arg5[%add3A_17] : memref<640000xi32, #tpu.memory_space<hbm>> -> memref<10000xi32, #tpu.memory_space<hbm>>
      %dma_wait3A_21 = tpu.memref_slice %arg5[%add3A_17] : memref<640000xi32, #tpu.memory_space<hbm>> -> memref<10000xi32, #tpu.memory_space<hbm>>
      tpu.wait_dma2 semaphore(%run_scoped3A : memref<!tpu.dma_semaphore, #tpu.memory_space<semaphore_mem>>) src(%arg8 : memref<10000xi32, #tpu.memory_space<vmem>>) dst(%dma_wait3A_21 : memref<10000xi32, #tpu.memory_space<hbm>>)
      tpu.yield
    }) : () -> ()
    %add3A_18 = arith.constant 10000 : i32
    %add3A_19 = arith.addi %mul3A_2, %add3A_18 : i32
    "tpu.region"() ({
      %run_scoped3A = tpu.sem_alloc : memref<!tpu.dma_semaphore, #tpu.memory_space<semaphore_mem>>
      %dma_start3A = tpu.memref_slice %arg5[%add3A_19] : memref<640000xi32, #tpu.memory_space<hbm>> -> memref<10000xi32, #tpu.memory_space<hbm>>
      %dma_start3A_20 = tpu.memref_slice %arg5[%add3A_19] : memref<640000xi32, #tpu.memory_space<hbm>> -> memref<10000xi32, #tpu.memory_space<hbm>>
      tpu.enqueue_dma source(%arg9 : memref<10000xi32, #tpu.memory_space<vmem>>) target(%dma_start3A_20 : memref<10000xi32, #tpu.memory_space<hbm>>) target_semaphore(%run_scoped3A : memref<!tpu.dma_semaphore, #tpu.memory_space<semaphore_mem>>)
      %dma_wait3A = tpu.memref_slice %arg5[%add3A_19] : memref<640000xi32, #tpu.memory_space<hbm>> -> memref<10000xi32, #tpu.memory_space<hbm>>
      %dma_wait3A_21 = tpu.memref_slice %arg5[%add3A_19] : memref<640000xi32, #tpu.memory_space<hbm>> -> memref<10000xi32, #tpu.memory_space<hbm>>
      tpu.wait_dma2 semaphore(%run_scoped3A : memref<!tpu.dma_semaphore, #tpu.memory_space<semaphore_mem>>) src(%arg9 : memref<10000xi32, #tpu.memory_space<vmem>>) dst(%dma_wait3A_21 : memref<10000xi32, #tpu.memory_space<hbm>>)
      tpu.yield
    }) : () -> ()
    return
  }
}

#map = affine_map<(d0, d1) -> (0)>
module attributes {stable_mosaic.version = 14 : i64} {
  func.func @k(%arg0: i32, %arg1: i32, %arg2: memref<640000xi32, #tpu.memory_space<hbm>>, %arg3: memref<327680xi32, #tpu.memory_space<hbm>>, %arg4: memref<327680xi32, #tpu.memory_space<hbm>>, %arg5: memref<640000xi32, #tpu.memory_space<hbm>>, %arg6: memref<10000xi32, #tpu.memory_space<vmem>>, %arg7: memref<10000xi32, #tpu.memory_space<vmem>>, %arg8: memref<10000xi32, #tpu.memory_space<vmem>>, %arg9: memref<10000xi32, #tpu.memory_space<vmem>>, %arg10: memref<32768xi32, #tpu.memory_space<vmem>>, %arg11: memref<32768xi32, #tpu.memory_space<vmem>>, %arg12: memref<10000xi32, #tpu.memory_space<vmem>>) attributes {dimension_semantics = [#tpu.dimension_semantics<core_parallel>, #tpu.dimension_semantics<subcore_parallel>], iteration_bounds = array<i64: 2, 16>, scalar_prefetch = 0 : i64, scratch_operands = 7 : i64, tpu.core_type = #tpu.core_type<sc_vector_subcore>, window_params = [{transform_indices = #map}, {transform_indices = #map}, {transform_indices = #map}, {transform_indices = #map}]} {
    %mul3A = arith.constant 2 : i32
    %mul3A_0 = arith.muli %arg1, %mul3A : i32
    %add3A = arith.addi %mul3A_0, %arg0 : i32
    %mul3A_1 = arith.constant 20000 : i32
    %mul3A_2 = arith.muli %add3A, %mul3A_1 : i32
    %add3A_3 = arith.constant 0 : i32
    %add3A_4 = arith.addi %mul3A_2, %add3A_3 : i32
    "tpu.region"() ({
      %run_scoped3A = tpu.sem_alloc : memref<!tpu.dma_semaphore, #tpu.memory_space<semaphore_mem>>
      %dma_start3A = tpu.memref_slice %arg2[%add3A_4] : memref<640000xi32, #tpu.memory_space<hbm>> -> memref<10000xi32, #tpu.memory_space<hbm>>
      %dma_start3A_20 = tpu.memref_slice %arg2[%add3A_4] : memref<640000xi32, #tpu.memory_space<hbm>> -> memref<10000xi32, #tpu.memory_space<hbm>>
      tpu.enqueue_dma source(%dma_start3A_20 : memref<10000xi32, #tpu.memory_space<hbm>>) target(%arg6 : memref<10000xi32, #tpu.memory_space<vmem>>) target_semaphore(%run_scoped3A : memref<!tpu.dma_semaphore, #tpu.memory_space<semaphore_mem>>)
      %dma_wait3A = tpu.memref_slice %arg2[%add3A_4] : memref<640000xi32, #tpu.memory_space<hbm>> -> memref<10000xi32, #tpu.memory_space<hbm>>
      %dma_wait3A_21 = tpu.memref_slice %arg2[%add3A_4] : memref<640000xi32, #tpu.memory_space<hbm>> -> memref<10000xi32, #tpu.memory_space<hbm>>
      tpu.wait_dma2 semaphore(%run_scoped3A : memref<!tpu.dma_semaphore, #tpu.memory_space<semaphore_mem>>) src(%dma_wait3A_21 : memref<10000xi32, #tpu.memory_space<hbm>>) dst(%arg6 : memref<10000xi32, #tpu.memory_space<vmem>>)
      tpu.yield
    }) : () -> ()
    %add3A_5 = arith.constant 0 : i32
    %add3A_6 = arith.addi %mul3A_2, %add3A_5 : i32
    "tpu.region"() ({
      %run_scoped3A = tpu.sem_alloc : memref<!tpu.dma_semaphore, #tpu.memory_space<semaphore_mem>>
      %dma_start3A = tpu.memref_slice %arg2[%add3A_6] : memref<640000xi32, #tpu.memory_space<hbm>> -> memref<10000xi32, #tpu.memory_space<hbm>>
      %dma_start3A_20 = tpu.memref_slice %arg2[%add3A_6] : memref<640000xi32, #tpu.memory_space<hbm>> -> memref<10000xi32, #tpu.memory_space<hbm>>
      tpu.enqueue_dma source(%dma_start3A_20 : memref<10000xi32, #tpu.memory_space<hbm>>) target(%arg8 : memref<10000xi32, #tpu.memory_space<vmem>>) target_semaphore(%run_scoped3A : memref<!tpu.dma_semaphore, #tpu.memory_space<semaphore_mem>>)
      %dma_wait3A = tpu.memref_slice %arg2[%add3A_6] : memref<640000xi32, #tpu.memory_space<hbm>> -> memref<10000xi32, #tpu.memory_space<hbm>>
      %dma_wait3A_21 = tpu.memref_slice %arg2[%add3A_6] : memref<640000xi32, #tpu.memory_space<hbm>> -> memref<10000xi32, #tpu.memory_space<hbm>>
      tpu.wait_dma2 semaphore(%run_scoped3A : memref<!tpu.dma_semaphore, #tpu.memory_space<semaphore_mem>>) src(%dma_wait3A_21 : memref<10000xi32, #tpu.memory_space<hbm>>) dst(%arg8 : memref<10000xi32, #tpu.memory_space<vmem>>)
      tpu.yield
    }) : () -> ()
    %add3A_7 = arith.constant 10000 : i32
    %add3A_8 = arith.addi %mul3A_2, %add3A_7 : i32
    "tpu.region"() ({
      %run_scoped3A = tpu.sem_alloc : memref<!tpu.dma_semaphore, #tpu.memory_space<semaphore_mem>>
      %dma_start3A = tpu.memref_slice %arg2[%add3A_8] : memref<640000xi32, #tpu.memory_space<hbm>> -> memref<10000xi32, #tpu.memory_space<hbm>>
      %dma_start3A_20 = tpu.memref_slice %arg2[%add3A_8] : memref<640000xi32, #tpu.memory_space<hbm>> -> memref<10000xi32, #tpu.memory_space<hbm>>
      tpu.enqueue_dma source(%dma_start3A_20 : memref<10000xi32, #tpu.memory_space<hbm>>) target(%arg7 : memref<10000xi32, #tpu.memory_space<vmem>>) target_semaphore(%run_scoped3A : memref<!tpu.dma_semaphore, #tpu.memory_space<semaphore_mem>>)
      %dma_wait3A = tpu.memref_slice %arg2[%add3A_8] : memref<640000xi32, #tpu.memory_space<hbm>> -> memref<10000xi32, #tpu.memory_space<hbm>>
      %dma_wait3A_21 = tpu.memref_slice %arg2[%add3A_8] : memref<640000xi32, #tpu.memory_space<hbm>> -> memref<10000xi32, #tpu.memory_space<hbm>>
      tpu.wait_dma2 semaphore(%run_scoped3A : memref<!tpu.dma_semaphore, #tpu.memory_space<semaphore_mem>>) src(%dma_wait3A_21 : memref<10000xi32, #tpu.memory_space<hbm>>) dst(%arg7 : memref<10000xi32, #tpu.memory_space<vmem>>)
      tpu.yield
    }) : () -> ()
    %add3A_9 = arith.constant 10000 : i32
    %add3A_10 = arith.addi %mul3A_2, %add3A_9 : i32
    "tpu.region"() ({
      %run_scoped3A = tpu.sem_alloc : memref<!tpu.dma_semaphore, #tpu.memory_space<semaphore_mem>>
      %dma_start3A = tpu.memref_slice %arg2[%add3A_10] : memref<640000xi32, #tpu.memory_space<hbm>> -> memref<10000xi32, #tpu.memory_space<hbm>>
      %dma_start3A_20 = tpu.memref_slice %arg2[%add3A_10] : memref<640000xi32, #tpu.memory_space<hbm>> -> memref<10000xi32, #tpu.memory_space<hbm>>
      tpu.enqueue_dma source(%dma_start3A_20 : memref<10000xi32, #tpu.memory_space<hbm>>) target(%arg9 : memref<10000xi32, #tpu.memory_space<vmem>>) target_semaphore(%run_scoped3A : memref<!tpu.dma_semaphore, #tpu.memory_space<semaphore_mem>>)
      %dma_wait3A = tpu.memref_slice %arg2[%add3A_10] : memref<640000xi32, #tpu.memory_space<hbm>> -> memref<10000xi32, #tpu.memory_space<hbm>>
      %dma_wait3A_21 = tpu.memref_slice %arg2[%add3A_10] : memref<640000xi32, #tpu.memory_space<hbm>> -> memref<10000xi32, #tpu.memory_space<hbm>>
      tpu.wait_dma2 semaphore(%run_scoped3A : memref<!tpu.dma_semaphore, #tpu.memory_space<semaphore_mem>>) src(%dma_wait3A_21 : memref<10000xi32, #tpu.memory_space<hbm>>) dst(%arg9 : memref<10000xi32, #tpu.memory_space<vmem>>)
      tpu.yield
    }) : () -> ()
    %iota3A = tpu.iota {dimensions = array<i32: 0>} : vector<16xi32>
    %scan3A = arith.constant 0 : i32
    %scan3A_11 = arith.constant 0 : i32
    %scan3A_12 = arith.constant 10 : i32
    %scan3A_13 = arith.addi %scan3A_11, %scan3A_12 : i32
    %scan3A_14 = arith.constant 1 : i32
    scf.for %scan3A_20 = %scan3A_11 to %scan3A_13 step %scan3A_14  : i32 {
      %mul3A_21 = arith.constant 32768 : i32
      %mul3A_22 = arith.muli %scan3A_20, %mul3A_21 : i32
      "tpu.region"() ({
        %run_scoped3A = tpu.sem_alloc : memref<!tpu.dma_semaphore, #tpu.memory_space<semaphore_mem>>
        %dma_start3A = tpu.memref_slice %arg3[%mul3A_22] : memref<327680xi32, #tpu.memory_space<hbm>> -> memref<32768xi32, #tpu.memory_space<hbm>>
        %dma_start3A_30 = tpu.memref_slice %arg3[%mul3A_22] : memref<327680xi32, #tpu.memory_space<hbm>> -> memref<32768xi32, #tpu.memory_space<hbm>>
        tpu.enqueue_dma source(%dma_start3A_30 : memref<32768xi32, #tpu.memory_space<hbm>>) target(%arg10 : memref<32768xi32, #tpu.memory_space<vmem>>) target_semaphore(%run_scoped3A : memref<!tpu.dma_semaphore, #tpu.memory_space<semaphore_mem>>)
        %dma_wait3A = tpu.memref_slice %arg3[%mul3A_22] : memref<327680xi32, #tpu.memory_space<hbm>> -> memref<32768xi32, #tpu.memory_space<hbm>>
        %dma_wait3A_31 = tpu.memref_slice %arg3[%mul3A_22] : memref<327680xi32, #tpu.memory_space<hbm>> -> memref<32768xi32, #tpu.memory_space<hbm>>
        tpu.wait_dma2 semaphore(%run_scoped3A : memref<!tpu.dma_semaphore, #tpu.memory_space<semaphore_mem>>) src(%dma_wait3A_31 : memref<32768xi32, #tpu.memory_space<hbm>>) dst(%arg10 : memref<32768xi32, #tpu.memory_space<vmem>>)
        tpu.yield
      }) : () -> ()
      %mul3A_23 = arith.constant 32768 : i32
      %mul3A_24 = arith.muli %scan3A_20, %mul3A_23 : i32
      "tpu.region"() ({
        %run_scoped3A = tpu.sem_alloc : memref<!tpu.dma_semaphore, #tpu.memory_space<semaphore_mem>>
        %dma_start3A = tpu.memref_slice %arg4[%mul3A_24] : memref<327680xi32, #tpu.memory_space<hbm>> -> memref<32768xi32, #tpu.memory_space<hbm>>
        %dma_start3A_30 = tpu.memref_slice %arg4[%mul3A_24] : memref<327680xi32, #tpu.memory_space<hbm>> -> memref<32768xi32, #tpu.memory_space<hbm>>
        tpu.enqueue_dma source(%dma_start3A_30 : memref<32768xi32, #tpu.memory_space<hbm>>) target(%arg11 : memref<32768xi32, #tpu.memory_space<vmem>>) target_semaphore(%run_scoped3A : memref<!tpu.dma_semaphore, #tpu.memory_space<semaphore_mem>>)
        %dma_wait3A = tpu.memref_slice %arg4[%mul3A_24] : memref<327680xi32, #tpu.memory_space<hbm>> -> memref<32768xi32, #tpu.memory_space<hbm>>
        %dma_wait3A_31 = tpu.memref_slice %arg4[%mul3A_24] : memref<327680xi32, #tpu.memory_space<hbm>> -> memref<32768xi32, #tpu.memory_space<hbm>>
        tpu.wait_dma2 semaphore(%run_scoped3A : memref<!tpu.dma_semaphore, #tpu.memory_space<semaphore_mem>>) src(%dma_wait3A_31 : memref<32768xi32, #tpu.memory_space<hbm>>) dst(%arg11 : memref<32768xi32, #tpu.memory_space<vmem>>)
        tpu.yield
      }) : () -> ()
      %scan3A_25 = arith.constant 0 : i32
      %scan3A_26 = arith.constant 512 : i32
      %scan3A_27 = arith.addi %scan3A_25, %scan3A_26 : i32
      %scan3A_28 = arith.constant 1 : i32
      scf.for %scan3A_30 = %scan3A_25 to %scan3A_27 step %scan3A_28  : i32 {
        %broadcast_in_dim3A = arith.constant false
        %broadcast_in_dim3A_31 = vector.broadcast %broadcast_in_dim3A : i1 to vector<16xi1>
        %mul3A_32 = arith.constant 4 : i32
        %mul3A_33 = arith.muli %scan3A_30, %mul3A_32 : i32
        %add3A_34 = arith.constant 0 : i32
        %add3A_35 = arith.addi %mul3A_33, %add3A_34 : i32
        %mul3A_36 = arith.constant 16 : i32
        %mul3A_37 = arith.muli %add3A_35, %mul3A_36 : i32
        %get3A = arith.index_cast %mul3A_37 : i32 to index
        %get3A_38 = tpu.vector_load %arg10[%get3A] {strides = array<i32>} : memref<32768xi32, #tpu.memory_space<vmem>>, vector<16xi32>,
        %get3A_39 = arith.index_cast %mul3A_37 : i32 to index
        %get3A_40 = tpu.vector_load %arg11[%get3A_39] {strides = array<i32>} : memref<32768xi32, #tpu.memory_space<vmem>>, vector<16xi32>,
        tpu.vector_store_idx %arg12[%get3A_40], %iota3A : memref<10000xi32, #tpu.memory_space<vmem>>[vector<16xi32>], vector<16xi32>,
        %gather3A = tpu.vector_load_idx %arg12[%get3A_40] : memref<10000xi32, #tpu.memory_space<vmem>>[vector<16xi32>], vector<16xi32>,
        %ne3A = arith.cmpi ne, %gather3A, %iota3A : vector<16xi32>
        %or3A = arith.ori %broadcast_in_dim3A_31, %ne3A : vector<16xi1>
        %gather3A_41 = tpu.vector_load_idx %arg6[%get3A_38] : memref<10000xi32, #tpu.memory_space<vmem>>[vector<16xi32>], vector<16xi32>,
        %gather3A_42 = tpu.vector_load_idx %arg8[%get3A_40] : memref<10000xi32, #tpu.memory_space<vmem>>[vector<16xi32>], vector<16xi32>,
        %bitcast3A = vector.bitcast %gather3A_41 : vector<16xi32> to vector<32xbf16>
        %bitcast3A_43 = vector.bitcast %gather3A_42 : vector<16xi32> to vector<32xbf16>
        %max3A = arith.maximumf %bitcast3A, %bitcast3A_43 : vector<32xbf16>
        %bitcast3A_44 = vector.bitcast %max3A : vector<32xbf16> to vector<16xi32>
        tpu.vector_store_idx %arg8[%get3A_40], %bitcast3A_44 : memref<10000xi32, #tpu.memory_space<vmem>>[vector<16xi32>], vector<16xi32>,
        %gather3A_45 = tpu.vector_load_idx %arg7[%get3A_38] : memref<10000xi32, #tpu.memory_space<vmem>>[vector<16xi32>], vector<16xi32>,
        %gather3A_46 = tpu.vector_load_idx %arg9[%get3A_40] : memref<10000xi32, #tpu.memory_space<vmem>>[vector<16xi32>], vector<16xi32>,
        %bitcast3A_47 = vector.bitcast %gather3A_45 : vector<16xi32> to vector<32xbf16>
        %bitcast3A_48 = vector.bitcast %gather3A_46 : vector<16xi32> to vector<32xbf16>
        %max3A_49 = arith.maximumf %bitcast3A_47, %bitcast3A_48 : vector<32xbf16>
        %bitcast3A_50 = vector.bitcast %max3A_49 : vector<32xbf16> to vector<16xi32>
        tpu.vector_store_idx %arg9[%get3A_40], %bitcast3A_50 : memref<10000xi32, #tpu.memory_space<vmem>>[vector<16xi32>], vector<16xi32>,
        %mul3A_51 = arith.constant 4 : i32
        %mul3A_52 = arith.muli %scan3A_30, %mul3A_51 : i32
        %add3A_53 = arith.constant 1 : i32
        %add3A_54 = arith.addi %mul3A_52, %add3A_53 : i32
        %mul3A_55 = arith.constant 16 : i32
        %mul3A_56 = arith.muli %add3A_54, %mul3A_55 : i32
        %get3A_57 = arith.index_cast %mul3A_56 : i32 to index
        %get3A_58 = tpu.vector_load %arg10[%get3A_57] {strides = array<i32>} : memref<32768xi32, #tpu.memory_space<vmem>>, vector<16xi32>,
        %get3A_59 = arith.index_cast %mul3A_56 : i32 to index
        %get3A_60 = tpu.vector_load %arg11[%get3A_59] {strides = array<i32>} : memref<32768xi32, #tpu.memory_space<vmem>>, vector<16xi32>,
        tpu.vector_store_idx %arg12[%get3A_60], %iota3A : memref<10000xi32, #tpu.memory_space<vmem>>[vector<16xi32>], vector<16xi32>,
        %gather3A_61 = tpu.vector_load_idx %arg12[%get3A_60] : memref<10000xi32, #tpu.memory_space<vmem>>[vector<16xi32>], vector<16xi32>,
        %ne3A_62 = arith.cmpi ne, %gather3A_61, %iota3A : vector<16xi32>
        %or3A_63 = arith.ori %or3A, %ne3A_62 : vector<16xi1>
        %gather3A_64 = tpu.vector_load_idx %arg6[%get3A_58] : memref<10000xi32, #tpu.memory_space<vmem>>[vector<16xi32>], vector<16xi32>,
        %gather3A_65 = tpu.vector_load_idx %arg8[%get3A_60] : memref<10000xi32, #tpu.memory_space<vmem>>[vector<16xi32>], vector<16xi32>,
        %bitcast3A_66 = vector.bitcast %gather3A_64 : vector<16xi32> to vector<32xbf16>
        %bitcast3A_67 = vector.bitcast %gather3A_65 : vector<16xi32> to vector<32xbf16>
        %max3A_68 = arith.maximumf %bitcast3A_66, %bitcast3A_67 : vector<32xbf16>
        %bitcast3A_69 = vector.bitcast %max3A_68 : vector<32xbf16> to vector<16xi32>
        tpu.vector_store_idx %arg8[%get3A_60], %bitcast3A_69 : memref<10000xi32, #tpu.memory_space<vmem>>[vector<16xi32>], vector<16xi32>,
        %gather3A_70 = tpu.vector_load_idx %arg7[%get3A_58] : memref<10000xi32, #tpu.memory_space<vmem>>[vector<16xi32>], vector<16xi32>,
        %gather3A_71 = tpu.vector_load_idx %arg9[%get3A_60] : memref<10000xi32, #tpu.memory_space<vmem>>[vector<16xi32>], vector<16xi32>,
        %bitcast3A_72 = vector.bitcast %gather3A_70 : vector<16xi32> to vector<32xbf16>
        %bitcast3A_73 = vector.bitcast %gather3A_71 : vector<16xi32> to vector<32xbf16>
        %max3A_74 = arith.maximumf %bitcast3A_72, %bitcast3A_73 : vector<32xbf16>
        %bitcast3A_75 = vector.bitcast %max3A_74 : vector<32xbf16> to vector<16xi32>
        tpu.vector_store_idx %arg9[%get3A_60], %bitcast3A_75 : memref<10000xi32, #tpu.memory_space<vmem>>[vector<16xi32>], vector<16xi32>,
        %mul3A_76 = arith.constant 4 : i32
        %mul3A_77 = arith.muli %scan3A_30, %mul3A_76 : i32
        %add3A_78 = arith.constant 2 : i32
        %add3A_79 = arith.addi %mul3A_77, %add3A_78 : i32
        %mul3A_80 = arith.constant 16 : i32
        %mul3A_81 = arith.muli %add3A_79, %mul3A_80 : i32
        %get3A_82 = arith.index_cast %mul3A_81 : i32 to index
        %get3A_83 = tpu.vector_load %arg10[%get3A_82] {strides = array<i32>} : memref<32768xi32, #tpu.memory_space<vmem>>, vector<16xi32>,
        %get3A_84 = arith.index_cast %mul3A_81 : i32 to index
        %get3A_85 = tpu.vector_load %arg11[%get3A_84] {strides = array<i32>} : memref<32768xi32, #tpu.memory_space<vmem>>, vector<16xi32>,
        tpu.vector_store_idx %arg12[%get3A_85], %iota3A : memref<10000xi32, #tpu.memory_space<vmem>>[vector<16xi32>], vector<16xi32>,
        %gather3A_86 = tpu.vector_load_idx %arg12[%get3A_85] : memref<10000xi32, #tpu.memory_space<vmem>>[vector<16xi32>], vector<16xi32>,
        %ne3A_87 = arith.cmpi ne, %gather3A_86, %iota3A : vector<16xi32>
        %or3A_88 = arith.ori %or3A_63, %ne3A_87 : vector<16xi1>
        %gather3A_89 = tpu.vector_load_idx %arg6[%get3A_83] : memref<10000xi32, #tpu.memory_space<vmem>>[vector<16xi32>], vector<16xi32>,
        %gather3A_90 = tpu.vector_load_idx %arg8[%get3A_85] : memref<10000xi32, #tpu.memory_space<vmem>>[vector<16xi32>], vector<16xi32>,
        %bitcast3A_91 = vector.bitcast %gather3A_89 : vector<16xi32> to vector<32xbf16>
        %bitcast3A_92 = vector.bitcast %gather3A_90 : vector<16xi32> to vector<32xbf16>
        %max3A_93 = arith.maximumf %bitcast3A_91, %bitcast3A_92 : vector<32xbf16>
        %bitcast3A_94 = vector.bitcast %max3A_93 : vector<32xbf16> to vector<16xi32>
        tpu.vector_store_idx %arg8[%get3A_85], %bitcast3A_94 : memref<10000xi32, #tpu.memory_space<vmem>>[vector<16xi32>], vector<16xi32>,
        %gather3A_95 = tpu.vector_load_idx %arg7[%get3A_83] : memref<10000xi32, #tpu.memory_space<vmem>>[vector<16xi32>], vector<16xi32>,
        %gather3A_96 = tpu.vector_load_idx %arg9[%get3A_85] : memref<10000xi32, #tpu.memory_space<vmem>>[vector<16xi32>], vector<16xi32>,
        %bitcast3A_97 = vector.bitcast %gather3A_95 : vector<16xi32> to vector<32xbf16>
        %bitcast3A_98 = vector.bitcast %gather3A_96 : vector<16xi32> to vector<32xbf16>
        %max3A_99 = arith.maximumf %bitcast3A_97, %bitcast3A_98 : vector<32xbf16>
        %bitcast3A_100 = vector.bitcast %max3A_99 : vector<32xbf16> to vector<16xi32>
        tpu.vector_store_idx %arg9[%get3A_85], %bitcast3A_100 : memref<10000xi32, #tpu.memory_space<vmem>>[vector<16xi32>], vector<16xi32>,
        %mul3A_101 = arith.constant 4 : i32
        %mul3A_102 = arith.muli %scan3A_30, %mul3A_101 : i32
        %add3A_103 = arith.constant 3 : i32
        %add3A_104 = arith.addi %mul3A_102, %add3A_103 : i32
        %mul3A_105 = arith.constant 16 : i32
        %mul3A_106 = arith.muli %add3A_104, %mul3A_105 : i32
        %get3A_107 = arith.index_cast %mul3A_106 : i32 to index
        %get3A_108 = tpu.vector_load %arg10[%get3A_107] {strides = array<i32>} : memref<32768xi32, #tpu.memory_space<vmem>>, vector<16xi32>,
        %get3A_109 = arith.index_cast %mul3A_106 : i32 to index
        %get3A_110 = tpu.vector_load %arg11[%get3A_109] {strides = array<i32>} : memref<32768xi32, #tpu.memory_space<vmem>>, vector<16xi32>,
        tpu.vector_store_idx %arg12[%get3A_110], %iota3A : memref<10000xi32, #tpu.memory_space<vmem>>[vector<16xi32>], vector<16xi32>,
        %gather3A_111 = tpu.vector_load_idx %arg12[%get3A_110] : memref<10000xi32, #tpu.memory_space<vmem>>[vector<16xi32>], vector<16xi32>,
        %ne3A_112 = arith.cmpi ne, %gather3A_111, %iota3A : vector<16xi32>
        %or3A_113 = arith.ori %or3A_88, %ne3A_112 : vector<16xi1>
        %gather3A_114 = tpu.vector_load_idx %arg6[%get3A_108] : memref<10000xi32, #tpu.memory_space<vmem>>[vector<16xi32>], vector<16xi32>,
        %gather3A_115 = tpu.vector_load_idx %arg8[%get3A_110] : memref<10000xi32, #tpu.memory_space<vmem>>[vector<16xi32>], vector<16xi32>,
        %bitcast3A_116 = vector.bitcast %gather3A_114 : vector<16xi32> to vector<32xbf16>
        %bitcast3A_117 = vector.bitcast %gather3A_115 : vector<16xi32> to vector<32xbf16>
        %max3A_118 = arith.maximumf %bitcast3A_116, %bitcast3A_117 : vector<32xbf16>
        %bitcast3A_119 = vector.bitcast %max3A_118 : vector<32xbf16> to vector<16xi32>
        tpu.vector_store_idx %arg8[%get3A_110], %bitcast3A_119 : memref<10000xi32, #tpu.memory_space<vmem>>[vector<16xi32>], vector<16xi32>,
        %gather3A_120 = tpu.vector_load_idx %arg7[%get3A_108] : memref<10000xi32, #tpu.memory_space<vmem>>[vector<16xi32>], vector<16xi32>,
        %gather3A_121 = tpu.vector_load_idx %arg9[%get3A_110] : memref<10000xi32, #tpu.memory_space<vmem>>[vector<16xi32>], vector<16xi32>,
        %bitcast3A_122 = vector.bitcast %gather3A_120 : vector<16xi32> to vector<32xbf16>
        %bitcast3A_123 = vector.bitcast %gather3A_121 : vector<16xi32> to vector<32xbf16>
        %max3A_124 = arith.maximumf %bitcast3A_122, %bitcast3A_123 : vector<32xbf16>
        %bitcast3A_125 = vector.bitcast %max3A_124 : vector<32xbf16> to vector<16xi32>
        tpu.vector_store_idx %arg9[%get3A_110], %bitcast3A_125 : memref<10000xi32, #tpu.memory_space<vmem>>[vector<16xi32>], vector<16xi32>,
        %reduce_or3A = arith.constant 1.000000e+00 : f32
        %reduce_or3A_126 = arith.constant 0.000000e+00 : f32
        %reduce_or3A_127 = vector.broadcast %reduce_or3A : f32 to vector<16xf32>
        %reduce_or3A_128 = vector.broadcast %reduce_or3A_126 : f32 to vector<16xf32>
        %reduce_or3A_129 = arith.select %or3A_113, %reduce_or3A_127, %reduce_or3A_128 : vector<16xi1>, vector<16xf32>
        %reduce_or3A_130 = arith.constant true
        %reduce_or3A_131 = vector.broadcast %reduce_or3A_130 : i1 to vector<16xi1>
        %reduce_or3A_132 = tpu.scan <max>, %reduce_or3A_129 masked %reduce_or3A_131 : vector<16xf32>, vector<16xi1> -> vector<16xf32>
        %reduce_or3A_133 = vector.extract %reduce_or3A_132[15] : f32 from vector<16xf32>
        %reduce_or3A_134 = arith.constant 0.000000e+00 : f32
        %reduce_or3A_135 = arith.cmpf ogt, %reduce_or3A_133, %reduce_or3A_134 : f32
        %convert_element_type3A = arith.extui %reduce_or3A_135 : i1 to i32
        %cond3A = arith.constant 0 : i32
        %cond3A_136 = arith.cmpi ne, %convert_element_type3A, %cond3A : i32
        scf.if %cond3A_136 {
          %mul3A_137 = arith.constant 4 : i32
          %mul3A_138 = arith.muli %scan3A_30, %mul3A_137 : i32
          %add3A_139 = arith.constant 0 : i32
          %add3A_140 = arith.addi %mul3A_138, %add3A_139 : i32
          %mul3A_141 = arith.constant 16 : i32
          %mul3A_142 = arith.muli %add3A_140, %mul3A_141 : i32
          %get3A_143 = arith.index_cast %mul3A_142 : i32 to index
          %get3A_144 = tpu.vector_load %arg10[%get3A_143] {strides = array<i32>} : memref<32768xi32, #tpu.memory_space<vmem>>, vector<16xi32>,
          %get3A_145 = arith.index_cast %mul3A_142 : i32 to index
          %get3A_146 = tpu.vector_load %arg11[%get3A_145] {strides = array<i32>} : memref<32768xi32, #tpu.memory_space<vmem>>, vector<16xi32>,
          %gather3A_147 = tpu.vector_load_idx %arg6[%get3A_144] : memref<10000xi32, #tpu.memory_space<vmem>>[vector<16xi32>], vector<16xi32>,
          %gather3A_148 = tpu.vector_load_idx %arg8[%get3A_146] : memref<10000xi32, #tpu.memory_space<vmem>>[vector<16xi32>], vector<16xi32>,
          %bitcast3A_149 = vector.bitcast %gather3A_147 : vector<16xi32> to vector<32xbf16>
          %bitcast3A_150 = vector.bitcast %gather3A_148 : vector<16xi32> to vector<32xbf16>
          %max3A_151 = arith.maximumf %bitcast3A_149, %bitcast3A_150 : vector<32xbf16>
          %bitcast3A_152 = vector.bitcast %max3A_151 : vector<32xbf16> to vector<16xi32>
          %ne3A_153 = arith.cmpi ne, %bitcast3A_152, %gather3A_148 : vector<16xi32>
          %while3A = scf.while (%while3A_240 = %ne3A_153) : (vector<16xi1>) -> vector<16xi1> {
            %reduce_or3A_241 = arith.constant 1.000000e+00 : f32
            %reduce_or3A_242 = arith.constant 0.000000e+00 : f32
            %reduce_or3A_243 = vector.broadcast %reduce_or3A_241 : f32 to vector<16xf32>
            %reduce_or3A_244 = vector.broadcast %reduce_or3A_242 : f32 to vector<16xf32>
            %reduce_or3A_245 = arith.select %while3A_240, %reduce_or3A_243, %reduce_or3A_244 : vector<16xi1>, vector<16xf32>
            %reduce_or3A_246 = arith.constant true
            %reduce_or3A_247 = vector.broadcast %reduce_or3A_246 : i1 to vector<16xi1>
            %reduce_or3A_248 = tpu.scan <max>, %reduce_or3A_245 masked %reduce_or3A_247 : vector<16xf32>, vector<16xi1> -> vector<16xf32>
            %reduce_or3A_249 = vector.extract %reduce_or3A_248[15] : f32 from vector<16xf32>
            %reduce_or3A_250 = arith.constant 0.000000e+00 : f32
            %reduce_or3A_251 = arith.cmpf ogt, %reduce_or3A_249, %reduce_or3A_250 : f32
            scf.condition(%reduce_or3A_251) %while3A_240 : vector<16xi1>
          } do {
          ^bb0(%while3A_240: vector<16xi1>):
            %gather3A_241 = tpu.vector_load_idx %arg8[%get3A_146] : memref<10000xi32, #tpu.memory_space<vmem>>[vector<16xi32>], vector<16xi32>,
            %bitcast3A_242 = vector.bitcast %gather3A_147 : vector<16xi32> to vector<32xbf16>
            %bitcast3A_243 = vector.bitcast %gather3A_241 : vector<16xi32> to vector<32xbf16>
            %max3A_244 = arith.maximumf %bitcast3A_242, %bitcast3A_243 : vector<32xbf16>
            %bitcast3A_245 = vector.bitcast %max3A_244 : vector<32xbf16> to vector<16xi32>
            tpu.vector_store_idx %arg8[%get3A_146], %bitcast3A_245 masked %while3A_240 : memref<10000xi32, #tpu.memory_space<vmem>>[vector<16xi32>], vector<16xi32>, vector<16xi1>
            %gather3A_246 = tpu.vector_load_idx %arg8[%get3A_146] : memref<10000xi32, #tpu.memory_space<vmem>>[vector<16xi32>], vector<16xi32>,
            %bitcast3A_247 = vector.bitcast %gather3A_147 : vector<16xi32> to vector<32xbf16>
            %bitcast3A_248 = vector.bitcast %gather3A_246 : vector<16xi32> to vector<32xbf16>
            %max3A_249 = arith.maximumf %bitcast3A_247, %bitcast3A_248 : vector<32xbf16>
            %bitcast3A_250 = vector.bitcast %max3A_249 : vector<32xbf16> to vector<16xi32>
            %ne3A_251 = arith.cmpi ne, %bitcast3A_250, %gather3A_246 : vector<16xi32>
            scf.yield %ne3A_251 : vector<16xi1>
          }
          %gather3A_154 = tpu.vector_load_idx %arg7[%get3A_144] : memref<10000xi32, #tpu.memory_space<vmem>>[vector<16xi32>], vector<16xi32>,
          %gather3A_155 = tpu.vector_load_idx %arg9[%get3A_146] : memref<10000xi32, #tpu.memory_space<vmem>>[vector<16xi32>], vector<16xi32>,
          %bitcast3A_156 = vector.bitcast %gather3A_154 : vector<16xi32> to vector<32xbf16>
          %bitcast3A_157 = vector.bitcast %gather3A_155 : vector<16xi32> to vector<32xbf16>
          %max3A_158 = arith.maximumf %bitcast3A_156, %bitcast3A_157 : vector<32xbf16>
          %bitcast3A_159 = vector.bitcast %max3A_158 : vector<32xbf16> to vector<16xi32>
          %ne3A_160 = arith.cmpi ne, %bitcast3A_159, %gather3A_155 : vector<16xi32>
          %while3A_161 = scf.while (%while3A_240 = %ne3A_160) : (vector<16xi1>) -> vector<16xi1> {
            %reduce_or3A_241 = arith.constant 1.000000e+00 : f32
            %reduce_or3A_242 = arith.constant 0.000000e+00 : f32
            %reduce_or3A_243 = vector.broadcast %reduce_or3A_241 : f32 to vector<16xf32>
            %reduce_or3A_244 = vector.broadcast %reduce_or3A_242 : f32 to vector<16xf32>
            %reduce_or3A_245 = arith.select %while3A_240, %reduce_or3A_243, %reduce_or3A_244 : vector<16xi1>, vector<16xf32>
            %reduce_or3A_246 = arith.constant true
            %reduce_or3A_247 = vector.broadcast %reduce_or3A_246 : i1 to vector<16xi1>
            %reduce_or3A_248 = tpu.scan <max>, %reduce_or3A_245 masked %reduce_or3A_247 : vector<16xf32>, vector<16xi1> -> vector<16xf32>
            %reduce_or3A_249 = vector.extract %reduce_or3A_248[15] : f32 from vector<16xf32>
            %reduce_or3A_250 = arith.constant 0.000000e+00 : f32
            %reduce_or3A_251 = arith.cmpf ogt, %reduce_or3A_249, %reduce_or3A_250 : f32
            scf.condition(%reduce_or3A_251) %while3A_240 : vector<16xi1>
          } do {
          ^bb0(%while3A_240: vector<16xi1>):
            %gather3A_241 = tpu.vector_load_idx %arg9[%get3A_146] : memref<10000xi32, #tpu.memory_space<vmem>>[vector<16xi32>], vector<16xi32>,
            %bitcast3A_242 = vector.bitcast %gather3A_154 : vector<16xi32> to vector<32xbf16>
            %bitcast3A_243 = vector.bitcast %gather3A_241 : vector<16xi32> to vector<32xbf16>
            %max3A_244 = arith.maximumf %bitcast3A_242, %bitcast3A_243 : vector<32xbf16>
            %bitcast3A_245 = vector.bitcast %max3A_244 : vector<32xbf16> to vector<16xi32>
            tpu.vector_store_idx %arg9[%get3A_146], %bitcast3A_245 masked %while3A_240 : memref<10000xi32, #tpu.memory_space<vmem>>[vector<16xi32>], vector<16xi32>, vector<16xi1>
            %gather3A_246 = tpu.vector_load_idx %arg9[%get3A_146] : memref<10000xi32, #tpu.memory_space<vmem>>[vector<16xi32>], vector<16xi32>,
            %bitcast3A_247 = vector.bitcast %gather3A_154 : vector<16xi32> to vector<32xbf16>
            %bitcast3A_248 = vector.bitcast %gather3A_246 : vector<16xi32> to vector<32xbf16>
            %max3A_249 = arith.maximumf %bitcast3A_247, %bitcast3A_248 : vector<32xbf16>
            %bitcast3A_250 = vector.bitcast %max3A_249 : vector<32xbf16> to vector<16xi32>
            %ne3A_251 = arith.cmpi ne, %bitcast3A_250, %gather3A_246 : vector<16xi32>
            scf.yield %ne3A_251 : vector<16xi1>
          }
          %mul3A_162 = arith.constant 4 : i32
          %mul3A_163 = arith.muli %scan3A_30, %mul3A_162 : i32
          %add3A_164 = arith.constant 1 : i32
          %add3A_165 = arith.addi %mul3A_163, %add3A_164 : i32
          %mul3A_166 = arith.constant 16 : i32
          %mul3A_167 = arith.muli %add3A_165, %mul3A_166 : i32
          %get3A_168 = arith.index_cast %mul3A_167 : i32 to index
          %get3A_169 = tpu.vector_load %arg10[%get3A_168] {strides = array<i32>} : memref<32768xi32, #tpu.memory_space<vmem>>, vector<16xi32>,
          %get3A_170 = arith.index_cast %mul3A_167 : i32 to index
          %get3A_171 = tpu.vector_load %arg11[%get3A_170] {strides = array<i32>} : memref<32768xi32, #tpu.memory_space<vmem>>, vector<16xi32>,
          %gather3A_172 = tpu.vector_load_idx %arg6[%get3A_169] : memref<10000xi32, #tpu.memory_space<vmem>>[vector<16xi32>], vector<16xi32>,
          %gather3A_173 = tpu.vector_load_idx %arg8[%get3A_171] : memref<10000xi32, #tpu.memory_space<vmem>>[vector<16xi32>], vector<16xi32>,
          %bitcast3A_174 = vector.bitcast %gather3A_172 : vector<16xi32> to vector<32xbf16>
          %bitcast3A_175 = vector.bitcast %gather3A_173 : vector<16xi32> to vector<32xbf16>
          %max3A_176 = arith.maximumf %bitcast3A_174, %bitcast3A_175 : vector<32xbf16>
          %bitcast3A_177 = vector.bitcast %max3A_176 : vector<32xbf16> to vector<16xi32>
          %ne3A_178 = arith.cmpi ne, %bitcast3A_177, %gather3A_173 : vector<16xi32>
          %while3A_179 = scf.while (%while3A_240 = %ne3A_178) : (vector<16xi1>) -> vector<16xi1> {
            %reduce_or3A_241 = arith.constant 1.000000e+00 : f32
            %reduce_or3A_242 = arith.constant 0.000000e+00 : f32
            %reduce_or3A_243 = vector.broadcast %reduce_or3A_241 : f32 to vector<16xf32>
            %reduce_or3A_244 = vector.broadcast %reduce_or3A_242 : f32 to vector<16xf32>
            %reduce_or3A_245 = arith.select %while3A_240, %reduce_or3A_243, %reduce_or3A_244 : vector<16xi1>, vector<16xf32>
            %reduce_or3A_246 = arith.constant true
            %reduce_or3A_247 = vector.broadcast %reduce_or3A_246 : i1 to vector<16xi1>
            %reduce_or3A_248 = tpu.scan <max>, %reduce_or3A_245 masked %reduce_or3A_247 : vector<16xf32>, vector<16xi1> -> vector<16xf32>
            %reduce_or3A_249 = vector.extract %reduce_or3A_248[15] : f32 from vector<16xf32>
            %reduce_or3A_250 = arith.constant 0.000000e+00 : f32
            %reduce_or3A_251 = arith.cmpf ogt, %reduce_or3A_249, %reduce_or3A_250 : f32
            scf.condition(%reduce_or3A_251) %while3A_240 : vector<16xi1>
          } do {
          ^bb0(%while3A_240: vector<16xi1>):
            %gather3A_241 = tpu.vector_load_idx %arg8[%get3A_171] : memref<10000xi32, #tpu.memory_space<vmem>>[vector<16xi32>], vector<16xi32>,
            %bitcast3A_242 = vector.bitcast %gather3A_172 : vector<16xi32> to vector<32xbf16>
            %bitcast3A_243 = vector.bitcast %gather3A_241 : vector<16xi32> to vector<32xbf16>
            %max3A_244 = arith.maximumf %bitcast3A_242, %bitcast3A_243 : vector<32xbf16>
            %bitcast3A_245 = vector.bitcast %max3A_244 : vector<32xbf16> to vector<16xi32>
            tpu.vector_store_idx %arg8[%get3A_171], %bitcast3A_245 masked %while3A_240 : memref<10000xi32, #tpu.memory_space<vmem>>[vector<16xi32>], vector<16xi32>, vector<16xi1>
            %gather3A_246 = tpu.vector_load_idx %arg8[%get3A_171] : memref<10000xi32, #tpu.memory_space<vmem>>[vector<16xi32>], vector<16xi32>,
            %bitcast3A_247 = vector.bitcast %gather3A_172 : vector<16xi32> to vector<32xbf16>
            %bitcast3A_248 = vector.bitcast %gather3A_246 : vector<16xi32> to vector<32xbf16>
            %max3A_249 = arith.maximumf %bitcast3A_247, %bitcast3A_248 : vector<32xbf16>
            %bitcast3A_250 = vector.bitcast %max3A_249 : vector<32xbf16> to vector<16xi32>
            %ne3A_251 = arith.cmpi ne, %bitcast3A_250, %gather3A_246 : vector<16xi32>
            scf.yield %ne3A_251 : vector<16xi1>
          }
          %gather3A_180 = tpu.vector_load_idx %arg7[%get3A_169] : memref<10000xi32, #tpu.memory_space<vmem>>[vector<16xi32>], vector<16xi32>,
          %gather3A_181 = tpu.vector_load_idx %arg9[%get3A_171] : memref<10000xi32, #tpu.memory_space<vmem>>[vector<16xi32>], vector<16xi32>,
          %bitcast3A_182 = vector.bitcast %gather3A_180 : vector<16xi32> to vector<32xbf16>
          %bitcast3A_183 = vector.bitcast %gather3A_181 : vector<16xi32> to vector<32xbf16>
          %max3A_184 = arith.maximumf %bitcast3A_182, %bitcast3A_183 : vector<32xbf16>
          %bitcast3A_185 = vector.bitcast %max3A_184 : vector<32xbf16> to vector<16xi32>
          %ne3A_186 = arith.cmpi ne, %bitcast3A_185, %gather3A_181 : vector<16xi32>
          %while3A_187 = scf.while (%while3A_240 = %ne3A_186) : (vector<16xi1>) -> vector<16xi1> {
            %reduce_or3A_241 = arith.constant 1.000000e+00 : f32
            %reduce_or3A_242 = arith.constant 0.000000e+00 : f32
            %reduce_or3A_243 = vector.broadcast %reduce_or3A_241 : f32 to vector<16xf32>
            %reduce_or3A_244 = vector.broadcast %reduce_or3A_242 : f32 to vector<16xf32>
            %reduce_or3A_245 = arith.select %while3A_240, %reduce_or3A_243, %reduce_or3A_244 : vector<16xi1>, vector<16xf32>
            %reduce_or3A_246 = arith.constant true
            %reduce_or3A_247 = vector.broadcast %reduce_or3A_246 : i1 to vector<16xi1>
            %reduce_or3A_248 = tpu.scan <max>, %reduce_or3A_245 masked %reduce_or3A_247 : vector<16xf32>, vector<16xi1> -> vector<16xf32>
            %reduce_or3A_249 = vector.extract %reduce_or3A_248[15] : f32 from vector<16xf32>
            %reduce_or3A_250 = arith.constant 0.000000e+00 : f32
            %reduce_or3A_251 = arith.cmpf ogt, %reduce_or3A_249, %reduce_or3A_250 : f32
            scf.condition(%reduce_or3A_251) %while3A_240 : vector<16xi1>
          } do {
          ^bb0(%while3A_240: vector<16xi1>):
            %gather3A_241 = tpu.vector_load_idx %arg9[%get3A_171] : memref<10000xi32, #tpu.memory_space<vmem>>[vector<16xi32>], vector<16xi32>,
            %bitcast3A_242 = vector.bitcast %gather3A_180 : vector<16xi32> to vector<32xbf16>
            %bitcast3A_243 = vector.bitcast %gather3A_241 : vector<16xi32> to vector<32xbf16>
            %max3A_244 = arith.maximumf %bitcast3A_242, %bitcast3A_243 : vector<32xbf16>
            %bitcast3A_245 = vector.bitcast %max3A_244 : vector<32xbf16> to vector<16xi32>
            tpu.vector_store_idx %arg9[%get3A_171], %bitcast3A_245 masked %while3A_240 : memref<10000xi32, #tpu.memory_space<vmem>>[vector<16xi32>], vector<16xi32>, vector<16xi1>
            %gather3A_246 = tpu.vector_load_idx %arg9[%get3A_171] : memref<10000xi32, #tpu.memory_space<vmem>>[vector<16xi32>], vector<16xi32>,
            %bitcast3A_247 = vector.bitcast %gather3A_180 : vector<16xi32> to vector<32xbf16>
            %bitcast3A_248 = vector.bitcast %gather3A_246 : vector<16xi32> to vector<32xbf16>
            %max3A_249 = arith.maximumf %bitcast3A_247, %bitcast3A_248 : vector<32xbf16>
            %bitcast3A_250 = vector.bitcast %max3A_249 : vector<32xbf16> to vector<16xi32>
            %ne3A_251 = arith.cmpi ne, %bitcast3A_250, %gather3A_246 : vector<16xi32>
            scf.yield %ne3A_251 : vector<16xi1>
          }
          %mul3A_188 = arith.constant 4 : i32
          %mul3A_189 = arith.muli %scan3A_30, %mul3A_188 : i32
          %add3A_190 = arith.constant 2 : i32
          %add3A_191 = arith.addi %mul3A_189, %add3A_190 : i32
          %mul3A_192 = arith.constant 16 : i32
          %mul3A_193 = arith.muli %add3A_191, %mul3A_192 : i32
          %get3A_194 = arith.index_cast %mul3A_193 : i32 to index
          %get3A_195 = tpu.vector_load %arg10[%get3A_194] {strides = array<i32>} : memref<32768xi32, #tpu.memory_space<vmem>>, vector<16xi32>,
          %get3A_196 = arith.index_cast %mul3A_193 : i32 to index
          %get3A_197 = tpu.vector_load %arg11[%get3A_196] {strides = array<i32>} : memref<32768xi32, #tpu.memory_space<vmem>>, vector<16xi32>,
          %gather3A_198 = tpu.vector_load_idx %arg6[%get3A_195] : memref<10000xi32, #tpu.memory_space<vmem>>[vector<16xi32>], vector<16xi32>,
          %gather3A_199 = tpu.vector_load_idx %arg8[%get3A_197] : memref<10000xi32, #tpu.memory_space<vmem>>[vector<16xi32>], vector<16xi32>,
          %bitcast3A_200 = vector.bitcast %gather3A_198 : vector<16xi32> to vector<32xbf16>
          %bitcast3A_201 = vector.bitcast %gather3A_199 : vector<16xi32> to vector<32xbf16>
          %max3A_202 = arith.maximumf %bitcast3A_200, %bitcast3A_201 : vector<32xbf16>
          %bitcast3A_203 = vector.bitcast %max3A_202 : vector<32xbf16> to vector<16xi32>
          %ne3A_204 = arith.cmpi ne, %bitcast3A_203, %gather3A_199 : vector<16xi32>
          %while3A_205 = scf.while (%while3A_240 = %ne3A_204) : (vector<16xi1>) -> vector<16xi1> {
            %reduce_or3A_241 = arith.constant 1.000000e+00 : f32
            %reduce_or3A_242 = arith.constant 0.000000e+00 : f32
            %reduce_or3A_243 = vector.broadcast %reduce_or3A_241 : f32 to vector<16xf32>
            %reduce_or3A_244 = vector.broadcast %reduce_or3A_242 : f32 to vector<16xf32>
            %reduce_or3A_245 = arith.select %while3A_240, %reduce_or3A_243, %reduce_or3A_244 : vector<16xi1>, vector<16xf32>
            %reduce_or3A_246 = arith.constant true
            %reduce_or3A_247 = vector.broadcast %reduce_or3A_246 : i1 to vector<16xi1>
            %reduce_or3A_248 = tpu.scan <max>, %reduce_or3A_245 masked %reduce_or3A_247 : vector<16xf32>, vector<16xi1> -> vector<16xf32>
            %reduce_or3A_249 = vector.extract %reduce_or3A_248[15] : f32 from vector<16xf32>
            %reduce_or3A_250 = arith.constant 0.000000e+00 : f32
            %reduce_or3A_251 = arith.cmpf ogt, %reduce_or3A_249, %reduce_or3A_250 : f32
            scf.condition(%reduce_or3A_251) %while3A_240 : vector<16xi1>
          } do {
          ^bb0(%while3A_240: vector<16xi1>):
            %gather3A_241 = tpu.vector_load_idx %arg8[%get3A_197] : memref<10000xi32, #tpu.memory_space<vmem>>[vector<16xi32>], vector<16xi32>,
            %bitcast3A_242 = vector.bitcast %gather3A_198 : vector<16xi32> to vector<32xbf16>
            %bitcast3A_243 = vector.bitcast %gather3A_241 : vector<16xi32> to vector<32xbf16>
            %max3A_244 = arith.maximumf %bitcast3A_242, %bitcast3A_243 : vector<32xbf16>
            %bitcast3A_245 = vector.bitcast %max3A_244 : vector<32xbf16> to vector<16xi32>
            tpu.vector_store_idx %arg8[%get3A_197], %bitcast3A_245 masked %while3A_240 : memref<10000xi32, #tpu.memory_space<vmem>>[vector<16xi32>], vector<16xi32>, vector<16xi1>
            %gather3A_246 = tpu.vector_load_idx %arg8[%get3A_197] : memref<10000xi32, #tpu.memory_space<vmem>>[vector<16xi32>], vector<16xi32>,
            %bitcast3A_247 = vector.bitcast %gather3A_198 : vector<16xi32> to vector<32xbf16>
            %bitcast3A_248 = vector.bitcast %gather3A_246 : vector<16xi32> to vector<32xbf16>
            %max3A_249 = arith.maximumf %bitcast3A_247, %bitcast3A_248 : vector<32xbf16>
            %bitcast3A_250 = vector.bitcast %max3A_249 : vector<32xbf16> to vector<16xi32>
            %ne3A_251 = arith.cmpi ne, %bitcast3A_250, %gather3A_246 : vector<16xi32>
            scf.yield %ne3A_251 : vector<16xi1>
          }
          %gather3A_206 = tpu.vector_load_idx %arg7[%get3A_195] : memref<10000xi32, #tpu.memory_space<vmem>>[vector<16xi32>], vector<16xi32>,
          %gather3A_207 = tpu.vector_load_idx %arg9[%get3A_197] : memref<10000xi32, #tpu.memory_space<vmem>>[vector<16xi32>], vector<16xi32>,
          %bitcast3A_208 = vector.bitcast %gather3A_206 : vector<16xi32> to vector<32xbf16>
          %bitcast3A_209 = vector.bitcast %gather3A_207 : vector<16xi32> to vector<32xbf16>
          %max3A_210 = arith.maximumf %bitcast3A_208, %bitcast3A_209 : vector<32xbf16>
          %bitcast3A_211 = vector.bitcast %max3A_210 : vector<32xbf16> to vector<16xi32>
          %ne3A_212 = arith.cmpi ne, %bitcast3A_211, %gather3A_207 : vector<16xi32>
          %while3A_213 = scf.while (%while3A_240 = %ne3A_212) : (vector<16xi1>) -> vector<16xi1> {
            %reduce_or3A_241 = arith.constant 1.000000e+00 : f32
            %reduce_or3A_242 = arith.constant 0.000000e+00 : f32
            %reduce_or3A_243 = vector.broadcast %reduce_or3A_241 : f32 to vector<16xf32>
            %reduce_or3A_244 = vector.broadcast %reduce_or3A_242 : f32 to vector<16xf32>
            %reduce_or3A_245 = arith.select %while3A_240, %reduce_or3A_243, %reduce_or3A_244 : vector<16xi1>, vector<16xf32>
            %reduce_or3A_246 = arith.constant true
            %reduce_or3A_247 = vector.broadcast %reduce_or3A_246 : i1 to vector<16xi1>
            %reduce_or3A_248 = tpu.scan <max>, %reduce_or3A_245 masked %reduce_or3A_247 : vector<16xf32>, vector<16xi1> -> vector<16xf32>
            %reduce_or3A_249 = vector.extract %reduce_or3A_248[15] : f32 from vector<16xf32>
            %reduce_or3A_250 = arith.constant 0.000000e+00 : f32
            %reduce_or3A_251 = arith.cmpf ogt, %reduce_or3A_249, %reduce_or3A_250 : f32
            scf.condition(%reduce_or3A_251) %while3A_240 : vector<16xi1>
          } do {
          ^bb0(%while3A_240: vector<16xi1>):
            %gather3A_241 = tpu.vector_load_idx %arg9[%get3A_197] : memref<10000xi32, #tpu.memory_space<vmem>>[vector<16xi32>], vector<16xi32>,
            %bitcast3A_242 = vector.bitcast %gather3A_206 : vector<16xi32> to vector<32xbf16>
            %bitcast3A_243 = vector.bitcast %gather3A_241 : vector<16xi32> to vector<32xbf16>
            %max3A_244 = arith.maximumf %bitcast3A_242, %bitcast3A_243 : vector<32xbf16>
            %bitcast3A_245 = vector.bitcast %max3A_244 : vector<32xbf16> to vector<16xi32>
            tpu.vector_store_idx %arg9[%get3A_197], %bitcast3A_245 masked %while3A_240 : memref<10000xi32, #tpu.memory_space<vmem>>[vector<16xi32>], vector<16xi32>, vector<16xi1>
            %gather3A_246 = tpu.vector_load_idx %arg9[%get3A_197] : memref<10000xi32, #tpu.memory_space<vmem>>[vector<16xi32>], vector<16xi32>,
            %bitcast3A_247 = vector.bitcast %gather3A_206 : vector<16xi32> to vector<32xbf16>
            %bitcast3A_248 = vector.bitcast %gather3A_246 : vector<16xi32> to vector<32xbf16>
            %max3A_249 = arith.maximumf %bitcast3A_247, %bitcast3A_248 : vector<32xbf16>
            %bitcast3A_250 = vector.bitcast %max3A_249 : vector<32xbf16> to vector<16xi32>
            %ne3A_251 = arith.cmpi ne, %bitcast3A_250, %gather3A_246 : vector<16xi32>
            scf.yield %ne3A_251 : vector<16xi1>
          }
          %mul3A_214 = arith.constant 4 : i32
          %mul3A_215 = arith.muli %scan3A_30, %mul3A_214 : i32
          %add3A_216 = arith.constant 3 : i32
          %add3A_217 = arith.addi %mul3A_215, %add3A_216 : i32
          %mul3A_218 = arith.constant 16 : i32
          %mul3A_219 = arith.muli %add3A_217, %mul3A_218 : i32
          %get3A_220 = arith.index_cast %mul3A_219 : i32 to index
          %get3A_221 = tpu.vector_load %arg10[%get3A_220] {strides = array<i32>} : memref<32768xi32, #tpu.memory_space<vmem>>, vector<16xi32>,
          %get3A_222 = arith.index_cast %mul3A_219 : i32 to index
          %get3A_223 = tpu.vector_load %arg11[%get3A_222] {strides = array<i32>} : memref<32768xi32, #tpu.memory_space<vmem>>, vector<16xi32>,
          %gather3A_224 = tpu.vector_load_idx %arg6[%get3A_221] : memref<10000xi32, #tpu.memory_space<vmem>>[vector<16xi32>], vector<16xi32>,
          %gather3A_225 = tpu.vector_load_idx %arg8[%get3A_223] : memref<10000xi32, #tpu.memory_space<vmem>>[vector<16xi32>], vector<16xi32>,
          %bitcast3A_226 = vector.bitcast %gather3A_224 : vector<16xi32> to vector<32xbf16>
          %bitcast3A_227 = vector.bitcast %gather3A_225 : vector<16xi32> to vector<32xbf16>
          %max3A_228 = arith.maximumf %bitcast3A_226, %bitcast3A_227 : vector<32xbf16>
          %bitcast3A_229 = vector.bitcast %max3A_228 : vector<32xbf16> to vector<16xi32>
          %ne3A_230 = arith.cmpi ne, %bitcast3A_229, %gather3A_225 : vector<16xi32>
          %while3A_231 = scf.while (%while3A_240 = %ne3A_230) : (vector<16xi1>) -> vector<16xi1> {
            %reduce_or3A_241 = arith.constant 1.000000e+00 : f32
            %reduce_or3A_242 = arith.constant 0.000000e+00 : f32
            %reduce_or3A_243 = vector.broadcast %reduce_or3A_241 : f32 to vector<16xf32>
            %reduce_or3A_244 = vector.broadcast %reduce_or3A_242 : f32 to vector<16xf32>
            %reduce_or3A_245 = arith.select %while3A_240, %reduce_or3A_243, %reduce_or3A_244 : vector<16xi1>, vector<16xf32>
            %reduce_or3A_246 = arith.constant true
            %reduce_or3A_247 = vector.broadcast %reduce_or3A_246 : i1 to vector<16xi1>
            %reduce_or3A_248 = tpu.scan <max>, %reduce_or3A_245 masked %reduce_or3A_247 : vector<16xf32>, vector<16xi1> -> vector<16xf32>
            %reduce_or3A_249 = vector.extract %reduce_or3A_248[15] : f32 from vector<16xf32>
            %reduce_or3A_250 = arith.constant 0.000000e+00 : f32
            %reduce_or3A_251 = arith.cmpf ogt, %reduce_or3A_249, %reduce_or3A_250 : f32
            scf.condition(%reduce_or3A_251) %while3A_240 : vector<16xi1>
          } do {
          ^bb0(%while3A_240: vector<16xi1>):
            %gather3A_241 = tpu.vector_load_idx %arg8[%get3A_223] : memref<10000xi32, #tpu.memory_space<vmem>>[vector<16xi32>], vector<16xi32>,
            %bitcast3A_242 = vector.bitcast %gather3A_224 : vector<16xi32> to vector<32xbf16>
            %bitcast3A_243 = vector.bitcast %gather3A_241 : vector<16xi32> to vector<32xbf16>
            %max3A_244 = arith.maximumf %bitcast3A_242, %bitcast3A_243 : vector<32xbf16>
            %bitcast3A_245 = vector.bitcast %max3A_244 : vector<32xbf16> to vector<16xi32>
            tpu.vector_store_idx %arg8[%get3A_223], %bitcast3A_245 masked %while3A_240 : memref<10000xi32, #tpu.memory_space<vmem>>[vector<16xi32>], vector<16xi32>, vector<16xi1>
            %gather3A_246 = tpu.vector_load_idx %arg8[%get3A_223] : memref<10000xi32, #tpu.memory_space<vmem>>[vector<16xi32>], vector<16xi32>,
            %bitcast3A_247 = vector.bitcast %gather3A_224 : vector<16xi32> to vector<32xbf16>
            %bitcast3A_248 = vector.bitcast %gather3A_246 : vector<16xi32> to vector<32xbf16>
            %max3A_249 = arith.maximumf %bitcast3A_247, %bitcast3A_248 : vector<32xbf16>
            %bitcast3A_250 = vector.bitcast %max3A_249 : vector<32xbf16> to vector<16xi32>
            %ne3A_251 = arith.cmpi ne, %bitcast3A_250, %gather3A_246 : vector<16xi32>
            scf.yield %ne3A_251 : vector<16xi1>
          }
          %gather3A_232 = tpu.vector_load_idx %arg7[%get3A_221] : memref<10000xi32, #tpu.memory_space<vmem>>[vector<16xi32>], vector<16xi32>,
          %gather3A_233 = tpu.vector_load_idx %arg9[%get3A_223] : memref<10000xi32, #tpu.memory_space<vmem>>[vector<16xi32>], vector<16xi32>,
          %bitcast3A_234 = vector.bitcast %gather3A_232 : vector<16xi32> to vector<32xbf16>
          %bitcast3A_235 = vector.bitcast %gather3A_233 : vector<16xi32> to vector<32xbf16>
          %max3A_236 = arith.maximumf %bitcast3A_234, %bitcast3A_235 : vector<32xbf16>
          %bitcast3A_237 = vector.bitcast %max3A_236 : vector<32xbf16> to vector<16xi32>
          %ne3A_238 = arith.cmpi ne, %bitcast3A_237, %gather3A_233 : vector<16xi32>
          %while3A_239 = scf.while (%while3A_240 = %ne3A_238) : (vector<16xi1>) -> vector<16xi1> {
            %reduce_or3A_241 = arith.constant 1.000000e+00 : f32
            %reduce_or3A_242 = arith.constant 0.000000e+00 : f32
            %reduce_or3A_243 = vector.broadcast %reduce_or3A_241 : f32 to vector<16xf32>
            %reduce_or3A_244 = vector.broadcast %reduce_or3A_242 : f32 to vector<16xf32>
            %reduce_or3A_245 = arith.select %while3A_240, %reduce_or3A_243, %reduce_or3A_244 : vector<16xi1>, vector<16xf32>
            %reduce_or3A_246 = arith.constant true
            %reduce_or3A_247 = vector.broadcast %reduce_or3A_246 : i1 to vector<16xi1>
            %reduce_or3A_248 = tpu.scan <max>, %reduce_or3A_245 masked %reduce_or3A_247 : vector<16xf32>, vector<16xi1> -> vector<16xf32>
            %reduce_or3A_249 = vector.extract %reduce_or3A_248[15] : f32 from vector<16xf32>
            %reduce_or3A_250 = arith.constant 0.000000e+00 : f32
            %reduce_or3A_251 = arith.cmpf ogt, %reduce_or3A_249, %reduce_or3A_250 : f32
            scf.condition(%reduce_or3A_251) %while3A_240 : vector<16xi1>
          } do {
          ^bb0(%while3A_240: vector<16xi1>):
            %gather3A_241 = tpu.vector_load_idx %arg9[%get3A_223] : memref<10000xi32, #tpu.memory_space<vmem>>[vector<16xi32>], vector<16xi32>,
            %bitcast3A_242 = vector.bitcast %gather3A_232 : vector<16xi32> to vector<32xbf16>
            %bitcast3A_243 = vector.bitcast %gather3A_241 : vector<16xi32> to vector<32xbf16>
            %max3A_244 = arith.maximumf %bitcast3A_242, %bitcast3A_243 : vector<32xbf16>
            %bitcast3A_245 = vector.bitcast %max3A_244 : vector<32xbf16> to vector<16xi32>
            tpu.vector_store_idx %arg9[%get3A_223], %bitcast3A_245 masked %while3A_240 : memref<10000xi32, #tpu.memory_space<vmem>>[vector<16xi32>], vector<16xi32>, vector<16xi1>
            %gather3A_246 = tpu.vector_load_idx %arg9[%get3A_223] : memref<10000xi32, #tpu.memory_space<vmem>>[vector<16xi32>], vector<16xi32>,
            %bitcast3A_247 = vector.bitcast %gather3A_232 : vector<16xi32> to vector<32xbf16>
            %bitcast3A_248 = vector.bitcast %gather3A_246 : vector<16xi32> to vector<32xbf16>
            %max3A_249 = arith.maximumf %bitcast3A_247, %bitcast3A_248 : vector<32xbf16>
            %bitcast3A_250 = vector.bitcast %max3A_249 : vector<32xbf16> to vector<16xi32>
            %ne3A_251 = arith.cmpi ne, %bitcast3A_250, %gather3A_246 : vector<16xi32>
            scf.yield %ne3A_251 : vector<16xi1>
          }
        } else {
        }
      }
      %scan3A_29 = arith.constant 512 : i32
    }
    %scan3A_15 = arith.constant 10 : i32
    %add3A_16 = arith.constant 0 : i32
    %add3A_17 = arith.addi %mul3A_2, %add3A_16 : i32
    "tpu.region"() ({
      %run_scoped3A = tpu.sem_alloc : memref<!tpu.dma_semaphore, #tpu.memory_space<semaphore_mem>>
      %dma_start3A = tpu.memref_slice %arg5[%add3A_17] : memref<640000xi32, #tpu.memory_space<hbm>> -> memref<10000xi32, #tpu.memory_space<hbm>>
      %dma_start3A_20 = tpu.memref_slice %arg5[%add3A_17] : memref<640000xi32, #tpu.memory_space<hbm>> -> memref<10000xi32, #tpu.memory_space<hbm>>
      tpu.enqueue_dma source(%arg8 : memref<10000xi32, #tpu.memory_space<vmem>>) target(%dma_start3A_20 : memref<10000xi32, #tpu.memory_space<hbm>>) target_semaphore(%run_scoped3A : memref<!tpu.dma_semaphore, #tpu.memory_space<semaphore_mem>>)
      %dma_wait3A = tpu.memref_slice %arg5[%add3A_17] : memref<640000xi32, #tpu.memory_space<hbm>> -> memref<10000xi32, #tpu.memory_space<hbm>>
      %dma_wait3A_21 = tpu.memref_slice %arg5[%add3A_17] : memref<640000xi32, #tpu.memory_space<hbm>> -> memref<10000xi32, #tpu.memory_space<hbm>>
      tpu.wait_dma2 semaphore(%run_scoped3A : memref<!tpu.dma_semaphore, #tpu.memory_space<semaphore_mem>>) src(%arg8 : memref<10000xi32, #tpu.memory_space<vmem>>) dst(%dma_wait3A_21 : memref<10000xi32, #tpu.memory_space<hbm>>)
      tpu.yield
    }) : () -> ()
    %add3A_18 = arith.constant 10000 : i32
    %add3A_19 = arith.addi %mul3A_2, %add3A_18 : i32
    "tpu.region"() ({
      %run_scoped3A = tpu.sem_alloc : memref<!tpu.dma_semaphore, #tpu.memory_space<semaphore_mem>>
      %dma_start3A = tpu.memref_slice %arg5[%add3A_19] : memref<640000xi32, #tpu.memory_space<hbm>> -> memref<10000xi32, #tpu.memory_space<hbm>>
      %dma_start3A_20 = tpu.memref_slice %arg5[%add3A_19] : memref<640000xi32, #tpu.memory_space<hbm>> -> memref<10000xi32, #tpu.memory_space<hbm>>
      tpu.enqueue_dma source(%arg9 : memref<10000xi32, #tpu.memory_space<vmem>>) target(%dma_start3A_20 : memref<10000xi32, #tpu.memory_space<hbm>>) target_semaphore(%run_scoped3A : memref<!tpu.dma_semaphore, #tpu.memory_space<semaphore_mem>>)
      %dma_wait3A = tpu.memref_slice %arg5[%add3A_19] : memref<640000xi32, #tpu.memory_space<hbm>> -> memref<10000xi32, #tpu.memory_space<hbm>>
      %dma_wait3A_21 = tpu.memref_slice %arg5[%add3A_19] : memref<640000xi32, #tpu.memory_space<hbm>> -> memref<10000xi32, #tpu.memory_space<hbm>>
      tpu.wait_dma2 semaphore(%run_scoped3A : memref<!tpu.dma_semaphore, #tpu.memory_space<semaphore_mem>>) src(%arg9 : memref<10000xi32, #tpu.memory_space<vmem>>) dst(%dma_wait3A_21 : memref<10000xi32, #tpu.memory_space<hbm>>)
      tpu.yield
    }) : () -> ()
    return
  }
}

module attributes {stable_mosaic.version = 14 : i64} {
  func.func @_head_body(%arg0: memref<128x10000xf32, #tpu.memory_space<vmem>>, %arg1: memref<128x128xf32, #tpu.memory_space<vmem>>, %arg2: memref<128x1xf32, #tpu.memory_space<vmem>>, %arg3: memref<128x1xf32, #tpu.memory_space<vmem>>, %arg4: memref<128x1xf32, #tpu.memory_space<vmem>>, %arg5: memref<128x128xf32, #tpu.memory_space<vmem>>, %arg6: memref<128x1xf32, #tpu.memory_space<vmem>>, %arg7: memref<128x128xf32, #tpu.memory_space<vmem>>, %arg8: memref<128x128xf32, #tpu.memory_space<vmem>>, %arg9: memref<10000x1xi32, #tpu.memory_space<vmem>>, %arg10: memref<64x10000xi32, #tpu.memory_space<vmem>>, %arg11: memref<128x10000xf32, #tpu.memory_space<vmem>>, %arg12: memref<64x128xf32, #tpu.memory_space<vmem>>) attributes {dimension_semantics = [], scalar_prefetch = 0 : i64, scratch_operands = 0 : i64, tpu.core_type = #tpu.core_type<tc>} {
    %get3A = arith.constant 0 : index
    %get3A_0 = arith.constant 0 : index
    %get3A_1 = vector.load %arg1[%get3A, %get3A_0] : memref<128x128xf32, #tpu.memory_space<vmem>>, vector<128x128xf32>
    %transpose3A = tpu.transpose %get3A_1, [1, 0] : vector<128x128xf32> -> vector<128x128xf32>
    %get3A_2 = arith.constant 0 : index
    %get3A_3 = arith.constant 0 : index
    %get3A_4 = vector.load %arg0[%get3A_2, %get3A_3] : memref<128x10000xf32, #tpu.memory_space<vmem>>, vector<128x10000xf32>
    %dot_general3A = arith.constant dense<0.000000e+00> : vector<128x10000xf32>
    %dot_general3A_5 = tpu.matmul %transpose3A, %get3A_4, %dot_general3A {dimension_numbers = #tpu.dot_dimension_numbers<[1], [0], [0], [1], [0, 0, 1, 1], [], []>, transpose_lhs_hint = false} : vector<128x128xf32>, vector<128x10000xf32>, vector<128x10000xf32> -> vector<128x10000xf32>
    %get3A_6 = arith.constant 0 : index
    %get3A_7 = arith.constant 0 : index
    %get3A_8 = vector.load %arg2[%get3A_6, %get3A_7] : memref<128x1xf32, #tpu.memory_space<vmem>>, vector<128x1xf32>
    %add3A = vector.broadcast %get3A_8 : vector<128x1xf32> to vector<128x10000xf32>
    %add3A_9 = arith.addf %dot_general3A_5, %add3A : vector<128x10000xf32>
    %get3A_10 = arith.constant 0 : index
    %get3A_11 = arith.constant 0 : index
    %get3A_12 = vector.load %arg3[%get3A_10, %get3A_11] : memref<128x1xf32, #tpu.memory_space<vmem>>, vector<128x1xf32>
    %get3A_13 = arith.constant 0 : index
    %get3A_14 = arith.constant 0 : index
    %get3A_15 = vector.load %arg4[%get3A_13, %get3A_14] : memref<128x1xf32, #tpu.memory_space<vmem>>, vector<128x1xf32>
    %reduce_sum3A = arith.constant dense<0.000000e+00> : vector<128xf32>
    %reduce_sum3A_16 = vector.multi_reduction <add>, %add3A_9, %reduce_sum3A [1] : vector<128x10000xf32> to vector<128xf32>
    %broadcast_in_dim3A = vector.shape_cast %reduce_sum3A_16 : vector<128xf32> to vector<128x1xf32>
    %div3A = arith.constant 1.000000e+04 : f32
    %div3A_17 = vector.broadcast %div3A : f32 to vector<128x1xf32>
    %div3A_18 = arith.divf %broadcast_in_dim3A, %div3A_17 : vector<128x1xf32>
    %sub3A = vector.broadcast %div3A_18 : vector<128x1xf32> to vector<128x10000xf32>
    %sub3A_19 = arith.subf %add3A_9, %sub3A : vector<128x10000xf32>
    %integer_pow3A = arith.mulf %sub3A_19, %sub3A_19 : vector<128x10000xf32>
    %reduce_sum3A_20 = arith.constant dense<0.000000e+00> : vector<128xf32>
    %reduce_sum3A_21 = vector.multi_reduction <add>, %integer_pow3A, %reduce_sum3A_20 [1] : vector<128x10000xf32> to vector<128xf32>
    %broadcast_in_dim3A_22 = vector.shape_cast %reduce_sum3A_21 : vector<128xf32> to vector<128x1xf32>
    %div3A_23 = arith.constant 1.000000e+04 : f32
    %div3A_24 = vector.broadcast %div3A_23 : f32 to vector<128x1xf32>
    %div3A_25 = arith.divf %broadcast_in_dim3A_22, %div3A_24 : vector<128x1xf32>
    %sub3A_26 = vector.broadcast %div3A_18 : vector<128x1xf32> to vector<128x10000xf32>
    %sub3A_27 = arith.subf %add3A_9, %sub3A_26 : vector<128x10000xf32>
    %mul3A = vector.broadcast %get3A_12 : vector<128x1xf32> to vector<128x10000xf32>
    %mul3A_28 = arith.mulf %mul3A, %sub3A_27 : vector<128x10000xf32>
    %add3A_29 = arith.constant 9.99999974E-6 : f32
    %add3A_30 = vector.broadcast %add3A_29 : f32 to vector<128x1xf32>
    %add3A_31 = arith.addf %div3A_25, %add3A_30 : vector<128x1xf32>
    %rsqrt3A = math.rsqrt %add3A_31 : vector<128x1xf32>
    %mul3A_32 = vector.broadcast %rsqrt3A : vector<128x1xf32> to vector<128x10000xf32>
    %mul3A_33 = arith.mulf %mul3A_28, %mul3A_32 : vector<128x10000xf32>
    %add3A_34 = vector.broadcast %get3A_15 : vector<128x1xf32> to vector<128x10000xf32>
    %add3A_35 = arith.addf %mul3A_33, %add3A_34 : vector<128x10000xf32>
    %max3A = arith.constant 0.000000e+00 : f32
    %max3A_36 = vector.broadcast %max3A : f32 to vector<128x10000xf32>
    %max3A_37 = arith.maximumf %add3A_35, %max3A_36 : vector<128x10000xf32>
    %get3A_38 = arith.constant 0 : index
    %get3A_39 = arith.constant 0 : index
    %get3A_40 = vector.load %arg5[%get3A_38, %get3A_39] : memref<128x128xf32, #tpu.memory_space<vmem>>, vector<128x128xf32>
    %transpose3A_41 = tpu.transpose %get3A_40, [1, 0] : vector<128x128xf32> -> vector<128x128xf32>
    %dot_general3A_42 = arith.constant dense<0.000000e+00> : vector<128x10000xf32>
    %dot_general3A_43 = tpu.matmul %transpose3A_41, %max3A_37, %dot_general3A_42 {dimension_numbers = #tpu.dot_dimension_numbers<[1], [0], [0], [1], [0, 0, 1, 1], [], []>, transpose_lhs_hint = false} : vector<128x128xf32>, vector<128x10000xf32>, vector<128x10000xf32> -> vector<128x10000xf32>
    %get3A_44 = arith.constant 0 : index
    %get3A_45 = arith.constant 0 : index
    %get3A_46 = vector.load %arg6[%get3A_44, %get3A_45] : memref<128x1xf32, #tpu.memory_space<vmem>>, vector<128x1xf32>
    %add3A_47 = vector.broadcast %get3A_46 : vector<128x1xf32> to vector<128x10000xf32>
    %add3A_48 = arith.addf %dot_general3A_43, %add3A_47 : vector<128x10000xf32>
    %get3A_49 = arith.constant 0 : index
    %get3A_50 = arith.constant 0 : index
    %get3A_51 = vector.load %arg9[%get3A_49, %get3A_50] : memref<10000x1xi32, #tpu.memory_space<vmem>>, vector<10000x1xi32>
    %iota3A = tpu.iota {dimensions = array<i32: 1>} : vector<10000x64xi32>
    %eq3A = vector.broadcast %get3A_51 : vector<10000x1xi32> to vector<10000x64xi32>
    %eq3A_52 = arith.cmpi eq, %eq3A, %iota3A : vector<10000x64xi32>
    %convert_element_type3A = arith.extui %eq3A_52 : vector<10000x64xi1> to vector<10000x64xi32>
    %convert_element_type3A_53 = arith.sitofp %convert_element_type3A : vector<10000x64xi32> to vector<10000x64xf32>
    %dot_general3A_54 = arith.constant dense<0.000000e+00> : vector<64x128xf32>
    %dot_general3A_55 = tpu.matmul %convert_element_type3A_53, %add3A_48, %dot_general3A_54 {dimension_numbers = #tpu.dot_dimension_numbers<[0], [1], [1], [0], [0, 1, 1, 0], [], []>, transpose_lhs_hint = false} : vector<10000x64xf32>, vector<128x10000xf32>, vector<64x128xf32> -> vector<64x128xf32>
    %swap3A = arith.constant 0 : index
    %swap3A_56 = arith.constant 0 : index
    %swap3A_57 = vector.load %arg12[%swap3A, %swap3A_56] : memref<64x128xf32, #tpu.memory_space<vmem>>, vector<64x128xf32>
    tpu.vector_store %arg12[%swap3A, %swap3A_56], %dot_general3A_55 {strides = array<i32>} : memref<64x128xf32, #tpu.memory_space<vmem>>, vector<64x128xf32>,
    %get3A_58 = arith.constant 0 : index
    %get3A_59 = arith.constant 0 : index
    %get3A_60 = vector.load %arg7[%get3A_58, %get3A_59] : memref<128x128xf32, #tpu.memory_space<vmem>>, vector<128x128xf32>
    %transpose3A_61 = tpu.transpose %get3A_60, [1, 0] : vector<128x128xf32> -> vector<128x128xf32>
    %dot_general3A_62 = arith.constant dense<0.000000e+00> : vector<128x10000xf32>
    %dot_general3A_63 = tpu.matmul %transpose3A_61, %add3A_48, %dot_general3A_62 {dimension_numbers = #tpu.dot_dimension_numbers<[1], [0], [0], [1], [0, 0, 1, 1], [], []>, transpose_lhs_hint = false} : vector<128x128xf32>, vector<128x10000xf32>, vector<128x10000xf32> -> vector<128x10000xf32>
    %get3A_64 = arith.constant 0 : index
    %get3A_65 = arith.constant 0 : index
    %get3A_66 = vector.load %arg8[%get3A_64, %get3A_65] : memref<128x128xf32, #tpu.memory_space<vmem>>, vector<128x128xf32>
    %transpose3A_67 = tpu.transpose %get3A_66, [1, 0] : vector<128x128xf32> -> vector<128x128xf32>
    %dot_general3A_68 = arith.constant dense<0.000000e+00> : vector<128x10000xf32>
    %dot_general3A_69 = tpu.matmul %transpose3A_67, %add3A_48, %dot_general3A_68 {dimension_numbers = #tpu.dot_dimension_numbers<[1], [0], [0], [1], [0, 0, 1, 1], [], []>, transpose_lhs_hint = false} : vector<128x128xf32>, vector<128x10000xf32>, vector<128x10000xf32> -> vector<128x10000xf32>
    %convert_element_type3A_70 = arith.truncf %dot_general3A_69 : vector<128x10000xf32> to vector<128x10000xbf16>
    %convert_element_type3A_71 = arith.extf %convert_element_type3A_70 : vector<128x10000xbf16> to vector<128x10000xf32>
    %bitcast_convert_type3A = tpu.bitcast %convert_element_type3A_71 : vector<128x10000xf32> -> vector<128x10000xi32>
    %reshape3A = vector.shape_cast %bitcast_convert_type3A : vector<128x10000xi32> to vector<64x2x10000xi32>
    %slice3A = vector.extract_strided_slice %reshape3A {offsets = [0, 0, 0], sizes = [64, 1, 10000], strides = [1, 1, 1]} : vector<64x2x10000xi32> to vector<64x1x10000xi32>
    %squeeze3A = vector.shape_cast %slice3A : vector<64x1x10000xi32> to vector<64x10000xi32>
    %shift_right_logical3A = arith.constant 16 : i32
    %shift_right_logical3A_72 = vector.broadcast %shift_right_logical3A : i32 to vector<64x10000xi32>
    %shift_right_logical3A_73 = arith.shrui %squeeze3A, %shift_right_logical3A_72 : vector<64x10000xi32>
    %slice3A_74 = vector.extract_strided_slice %reshape3A {offsets = [0, 1, 0], sizes = [64, 1, 10000], strides = [1, 1, 1]} : vector<64x2x10000xi32> to vector<64x1x10000xi32>
    %squeeze3A_75 = vector.shape_cast %slice3A_74 : vector<64x1x10000xi32> to vector<64x10000xi32>
    %shift_right_logical3A_76 = arith.constant 16 : i32
    %shift_right_logical3A_77 = vector.broadcast %shift_right_logical3A_76 : i32 to vector<64x10000xi32>
    %shift_right_logical3A_78 = arith.shrui %squeeze3A_75, %shift_right_logical3A_77 : vector<64x10000xi32>
    %shift_left3A = arith.constant 16 : i32
    %shift_left3A_79 = vector.broadcast %shift_left3A : i32 to vector<64x10000xi32>
    %shift_left3A_80 = arith.shli %shift_right_logical3A_78, %shift_left3A_79 : vector<64x10000xi32>
    %or3A = arith.ori %shift_right_logical3A_73, %shift_left3A_80 : vector<64x10000xi32>
    %bitcast_convert_type3A_81 = tpu.bitcast %or3A : vector<64x10000xi32> -> vector<64x10000xi32>
    %swap3A_82 = arith.constant 0 : index
    %swap3A_83 = arith.constant 0 : index
    %swap3A_84 = vector.load %arg10[%swap3A_82, %swap3A_83] : memref<64x10000xi32, #tpu.memory_space<vmem>>, vector<64x10000xi32>
    tpu.vector_store %arg10[%swap3A_82, %swap3A_83], %bitcast_convert_type3A_81 {strides = array<i32>} : memref<64x10000xi32, #tpu.memory_space<vmem>>, vector<64x10000xi32>,
    %sub3A_85 = arith.subf %dot_general3A_63, %dot_general3A_69 : vector<128x10000xf32>
    %swap3A_86 = arith.constant 0 : index
    %swap3A_87 = arith.constant 0 : index
    %swap3A_88 = vector.load %arg11[%swap3A_86, %swap3A_87] : memref<128x10000xf32, #tpu.memory_space<vmem>>, vector<128x10000xf32>
    tpu.vector_store %arg11[%swap3A_86, %swap3A_87], %sub3A_85 {strides = array<i32>} : memref<128x10000xf32, #tpu.memory_space<vmem>>, vector<128x10000xf32>,
    return
  }
}

module attributes {stable_mosaic.version = 14 : i64} {
  func.func @_mid_body(%arg0: memref<128x10000xf32, #tpu.memory_space<vmem>>, %arg1: memref<64x10000xi32, #tpu.memory_space<vmem>>, %arg2: memref<128x1xf32, #tpu.memory_space<vmem>>, %arg3: memref<128x1xf32, #tpu.memory_space<vmem>>, %arg4: memref<128x1xf32, #tpu.memory_space<vmem>>, %arg5: memref<128x128xf32, #tpu.memory_space<vmem>>, %arg6: memref<128x128xf32, #tpu.memory_space<vmem>>, %arg7: memref<10000x1xi32, #tpu.memory_space<vmem>>, %arg8: memref<128x10000xf32, #tpu.memory_space<vmem>>, %arg9: memref<64x10000xi32, #tpu.memory_space<vmem>>, %arg10: memref<128x10000xf32, #tpu.memory_space<vmem>>, %arg11: memref<64x128xf32, #tpu.memory_space<vmem>>) attributes {dimension_semantics = [], scalar_prefetch = 0 : i64, scratch_operands = 0 : i64, tpu.core_type = #tpu.core_type<tc>} {
    %get3A = arith.constant 0 : index
    %get3A_0 = arith.constant 0 : index
    %get3A_1 = vector.load %arg1[%get3A, %get3A_0] : memref<64x10000xi32, #tpu.memory_space<vmem>>, vector<64x10000xi32>
    %bitcast_convert_type3A = tpu.bitcast %get3A_1 : vector<64x10000xi32> -> vector<64x10000xi32>
    %shift_left3A = arith.constant 16 : i32
    %shift_left3A_2 = vector.broadcast %shift_left3A : i32 to vector<64x10000xi32>
    %shift_left3A_3 = arith.shli %bitcast_convert_type3A, %shift_left3A_2 : vector<64x10000xi32>
    %bitcast_convert_type3A_4 = tpu.bitcast %shift_left3A_3 : vector<64x10000xi32> -> vector<64x10000xf32>
    %shift_right_logical3A = arith.constant 16 : i32
    %shift_right_logical3A_5 = vector.broadcast %shift_right_logical3A : i32 to vector<64x10000xi32>
    %shift_right_logical3A_6 = arith.shrui %bitcast_convert_type3A, %shift_right_logical3A_5 : vector<64x10000xi32>
    %shift_left3A_7 = arith.constant 16 : i32
    %shift_left3A_8 = vector.broadcast %shift_left3A_7 : i32 to vector<64x10000xi32>
    %shift_left3A_9 = arith.shli %shift_right_logical3A_6, %shift_left3A_8 : vector<64x10000xi32>
    %bitcast_convert_type3A_10 = tpu.bitcast %shift_left3A_9 : vector<64x10000xi32> -> vector<64x10000xf32>
    %broadcast_in_dim3A = vector.shape_cast %bitcast_convert_type3A_4 : vector<64x10000xf32> to vector<64x1x10000xf32>
    %broadcast_in_dim3A_11 = vector.shape_cast %bitcast_convert_type3A_10 : vector<64x10000xf32> to vector<64x1x10000xf32>
    %concatenate3A = tpu.concatenate %broadcast_in_dim3A, %broadcast_in_dim3A_11 in 1 : vector<64x1x10000xf32>, vector<64x1x10000xf32> -> vector<64x2x10000xf32>
    %reshape3A = vector.shape_cast %concatenate3A : vector<64x2x10000xf32> to vector<128x10000xf32>
    %get3A_12 = arith.constant 0 : index
    %get3A_13 = arith.constant 0 : index
    %get3A_14 = vector.load %arg2[%get3A_12, %get3A_13] : memref<128x1xf32, #tpu.memory_space<vmem>>, vector<128x1xf32>
    %get3A_15 = arith.constant 0 : index
    %get3A_16 = arith.constant 0 : index
    %get3A_17 = vector.load %arg0[%get3A_15, %get3A_16] : memref<128x10000xf32, #tpu.memory_space<vmem>>, vector<128x10000xf32>
    %add3A = arith.addf %get3A_17, %reshape3A : vector<128x10000xf32>
    %mul3A = vector.broadcast %get3A_14 : vector<128x1xf32> to vector<128x10000xf32>
    %mul3A_18 = arith.mulf %mul3A, %add3A : vector<128x10000xf32>
    %max3A = arith.constant 0.000000e+00 : f32
    %max3A_19 = vector.broadcast %max3A : f32 to vector<128x10000xf32>
    %max3A_20 = arith.maximumf %mul3A_18, %max3A_19 : vector<128x10000xf32>
    %get3A_21 = arith.constant 0 : index
    %get3A_22 = arith.constant 0 : index
    %get3A_23 = vector.load %arg3[%get3A_21, %get3A_22] : memref<128x1xf32, #tpu.memory_space<vmem>>, vector<128x1xf32>
    %get3A_24 = arith.constant 0 : index
    %get3A_25 = arith.constant 0 : index
    %get3A_26 = vector.load %arg4[%get3A_24, %get3A_25] : memref<128x1xf32, #tpu.memory_space<vmem>>, vector<128x1xf32>
    %reduce_sum3A = arith.constant dense<0.000000e+00> : vector<128xf32>
    %reduce_sum3A_27 = vector.multi_reduction <add>, %max3A_20, %reduce_sum3A [1] : vector<128x10000xf32> to vector<128xf32>
    %broadcast_in_dim3A_28 = vector.shape_cast %reduce_sum3A_27 : vector<128xf32> to vector<128x1xf32>
    %div3A = arith.constant 1.000000e+04 : f32
    %div3A_29 = vector.broadcast %div3A : f32 to vector<128x1xf32>
    %div3A_30 = arith.divf %broadcast_in_dim3A_28, %div3A_29 : vector<128x1xf32>
    %sub3A = vector.broadcast %div3A_30 : vector<128x1xf32> to vector<128x10000xf32>
    %sub3A_31 = arith.subf %max3A_20, %sub3A : vector<128x10000xf32>
    %integer_pow3A = arith.mulf %sub3A_31, %sub3A_31 : vector<128x10000xf32>
    %reduce_sum3A_32 = arith.constant dense<0.000000e+00> : vector<128xf32>
    %reduce_sum3A_33 = vector.multi_reduction <add>, %integer_pow3A, %reduce_sum3A_32 [1] : vector<128x10000xf32> to vector<128xf32>
    %broadcast_in_dim3A_34 = vector.shape_cast %reduce_sum3A_33 : vector<128xf32> to vector<128x1xf32>
    %div3A_35 = arith.constant 1.000000e+04 : f32
    %div3A_36 = vector.broadcast %div3A_35 : f32 to vector<128x1xf32>
    %div3A_37 = arith.divf %broadcast_in_dim3A_34, %div3A_36 : vector<128x1xf32>
    %sub3A_38 = vector.broadcast %div3A_30 : vector<128x1xf32> to vector<128x10000xf32>
    %sub3A_39 = arith.subf %max3A_20, %sub3A_38 : vector<128x10000xf32>
    %mul3A_40 = vector.broadcast %get3A_23 : vector<128x1xf32> to vector<128x10000xf32>
    %mul3A_41 = arith.mulf %mul3A_40, %sub3A_39 : vector<128x10000xf32>
    %add3A_42 = arith.constant 9.99999974E-6 : f32
    %add3A_43 = vector.broadcast %add3A_42 : f32 to vector<128x1xf32>
    %add3A_44 = arith.addf %div3A_37, %add3A_43 : vector<128x1xf32>
    %rsqrt3A = math.rsqrt %add3A_44 : vector<128x1xf32>
    %mul3A_45 = vector.broadcast %rsqrt3A : vector<128x1xf32> to vector<128x10000xf32>
    %mul3A_46 = arith.mulf %mul3A_41, %mul3A_45 : vector<128x10000xf32>
    %add3A_47 = vector.broadcast %get3A_26 : vector<128x1xf32> to vector<128x10000xf32>
    %add3A_48 = arith.addf %mul3A_46, %add3A_47 : vector<128x10000xf32>
    %max3A_49 = arith.constant 0.000000e+00 : f32
    %max3A_50 = vector.broadcast %max3A_49 : f32 to vector<128x10000xf32>
    %max3A_51 = arith.maximumf %add3A_48, %max3A_50 : vector<128x10000xf32>
    %swap3A = arith.constant 0 : index
    %swap3A_52 = arith.constant 0 : index
    %swap3A_53 = vector.load %arg8[%swap3A, %swap3A_52] : memref<128x10000xf32, #tpu.memory_space<vmem>>, vector<128x10000xf32>
    tpu.vector_store %arg8[%swap3A, %swap3A_52], %max3A_51 {strides = array<i32>} : memref<128x10000xf32, #tpu.memory_space<vmem>>, vector<128x10000xf32>,
    %get3A_54 = arith.constant 0 : index
    %get3A_55 = arith.constant 0 : index
    %get3A_56 = vector.load %arg7[%get3A_54, %get3A_55] : memref<10000x1xi32, #tpu.memory_space<vmem>>, vector<10000x1xi32>
    %iota3A = tpu.iota {dimensions = array<i32: 1>} : vector<10000x64xi32>
    %eq3A = vector.broadcast %get3A_56 : vector<10000x1xi32> to vector<10000x64xi32>
    %eq3A_57 = arith.cmpi eq, %eq3A, %iota3A : vector<10000x64xi32>
    %convert_element_type3A = arith.extui %eq3A_57 : vector<10000x64xi1> to vector<10000x64xi32>
    %convert_element_type3A_58 = arith.sitofp %convert_element_type3A : vector<10000x64xi32> to vector<10000x64xf32>
    %dot_general3A = arith.constant dense<0.000000e+00> : vector<64x128xf32>
    %dot_general3A_59 = tpu.matmul %convert_element_type3A_58, %max3A_51, %dot_general3A {dimension_numbers = #tpu.dot_dimension_numbers<[0], [1], [1], [0], [0, 1, 1, 0], [], []>, transpose_lhs_hint = false} : vector<10000x64xf32>, vector<128x10000xf32>, vector<64x128xf32> -> vector<64x128xf32>
    %swap3A_60 = arith.constant 0 : index
    %swap3A_61 = arith.constant 0 : index
    %swap3A_62 = vector.load %arg11[%swap3A_60, %swap3A_61] : memref<64x128xf32, #tpu.memory_space<vmem>>, vector<64x128xf32>
    tpu.vector_store %arg11[%swap3A_60, %swap3A_61], %dot_general3A_59 {strides = array<i32>} : memref<64x128xf32, #tpu.memory_space<vmem>>, vector<64x128xf32>,
    %get3A_63 = arith.constant 0 : index
    %get3A_64 = arith.constant 0 : index
    %get3A_65 = vector.load %arg5[%get3A_63, %get3A_64] : memref<128x128xf32, #tpu.memory_space<vmem>>, vector<128x128xf32>
    %transpose3A = tpu.transpose %get3A_65, [1, 0] : vector<128x128xf32> -> vector<128x128xf32>
    %dot_general3A_66 = arith.constant dense<0.000000e+00> : vector<128x10000xf32>
    %dot_general3A_67 = tpu.matmul %transpose3A, %max3A_51, %dot_general3A_66 {dimension_numbers = #tpu.dot_dimension_numbers<[1], [0], [0], [1], [0, 0, 1, 1], [], []>, transpose_lhs_hint = false} : vector<128x128xf32>, vector<128x10000xf32>, vector<128x10000xf32> -> vector<128x10000xf32>
    %get3A_68 = arith.constant 0 : index
    %get3A_69 = arith.constant 0 : index
    %get3A_70 = vector.load %arg6[%get3A_68, %get3A_69] : memref<128x128xf32, #tpu.memory_space<vmem>>, vector<128x128xf32>
    %transpose3A_71 = tpu.transpose %get3A_70, [1, 0] : vector<128x128xf32> -> vector<128x128xf32>
    %dot_general3A_72 = arith.constant dense<0.000000e+00> : vector<128x10000xf32>
    %dot_general3A_73 = tpu.matmul %transpose3A_71, %max3A_51, %dot_general3A_72 {dimension_numbers = #tpu.dot_dimension_numbers<[1], [0], [0], [1], [0, 0, 1, 1], [], []>, transpose_lhs_hint = false} : vector<128x128xf32>, vector<128x10000xf32>, vector<128x10000xf32> -> vector<128x10000xf32>
    %convert_element_type3A_74 = arith.truncf %dot_general3A_73 : vector<128x10000xf32> to vector<128x10000xbf16>
    %convert_element_type3A_75 = arith.extf %convert_element_type3A_74 : vector<128x10000xbf16> to vector<128x10000xf32>
    %bitcast_convert_type3A_76 = tpu.bitcast %convert_element_type3A_75 : vector<128x10000xf32> -> vector<128x10000xi32>
    %reshape3A_77 = vector.shape_cast %bitcast_convert_type3A_76 : vector<128x10000xi32> to vector<64x2x10000xi32>
    %slice3A = vector.extract_strided_slice %reshape3A_77 {offsets = [0, 0, 0], sizes = [64, 1, 10000], strides = [1, 1, 1]} : vector<64x2x10000xi32> to vector<64x1x10000xi32>
    %squeeze3A = vector.shape_cast %slice3A : vector<64x1x10000xi32> to vector<64x10000xi32>
    %shift_right_logical3A_78 = arith.constant 16 : i32
    %shift_right_logical3A_79 = vector.broadcast %shift_right_logical3A_78 : i32 to vector<64x10000xi32>
    %shift_right_logical3A_80 = arith.shrui %squeeze3A, %shift_right_logical3A_79 : vector<64x10000xi32>
    %slice3A_81 = vector.extract_strided_slice %reshape3A_77 {offsets = [0, 1, 0], sizes = [64, 1, 10000], strides = [1, 1, 1]} : vector<64x2x10000xi32> to vector<64x1x10000xi32>
    %squeeze3A_82 = vector.shape_cast %slice3A_81 : vector<64x1x10000xi32> to vector<64x10000xi32>
    %shift_right_logical3A_83 = arith.constant 16 : i32
    %shift_right_logical3A_84 = vector.broadcast %shift_right_logical3A_83 : i32 to vector<64x10000xi32>
    %shift_right_logical3A_85 = arith.shrui %squeeze3A_82, %shift_right_logical3A_84 : vector<64x10000xi32>
    %shift_left3A_86 = arith.constant 16 : i32
    %shift_left3A_87 = vector.broadcast %shift_left3A_86 : i32 to vector<64x10000xi32>
    %shift_left3A_88 = arith.shli %shift_right_logical3A_85, %shift_left3A_87 : vector<64x10000xi32>
    %or3A = arith.ori %shift_right_logical3A_80, %shift_left3A_88 : vector<64x10000xi32>
    %bitcast_convert_type3A_89 = tpu.bitcast %or3A : vector<64x10000xi32> -> vector<64x10000xi32>
    %swap3A_90 = arith.constant 0 : index
    %swap3A_91 = arith.constant 0 : index
    %swap3A_92 = vector.load %arg9[%swap3A_90, %swap3A_91] : memref<64x10000xi32, #tpu.memory_space<vmem>>, vector<64x10000xi32>
    tpu.vector_store %arg9[%swap3A_90, %swap3A_91], %bitcast_convert_type3A_89 {strides = array<i32>} : memref<64x10000xi32, #tpu.memory_space<vmem>>, vector<64x10000xi32>,
    %sub3A_93 = arith.subf %dot_general3A_67, %dot_general3A_73 : vector<128x10000xf32>
    %swap3A_94 = arith.constant 0 : index
    %swap3A_95 = arith.constant 0 : index
    %swap3A_96 = vector.load %arg10[%swap3A_94, %swap3A_95] : memref<128x10000xf32, #tpu.memory_space<vmem>>, vector<128x10000xf32>
    tpu.vector_store %arg10[%swap3A_94, %swap3A_95], %sub3A_93 {strides = array<i32>} : memref<128x10000xf32, #tpu.memory_space<vmem>>, vector<128x10000xf32>,
    return
  }
}

module attributes {stable_mosaic.version = 14 : i64} {
  func.func @_final_body(%arg0: memref<128x10000xf32, #tpu.memory_space<vmem>>, %arg1: memref<64x10000xi32, #tpu.memory_space<vmem>>, %arg2: memref<128x1xf32, #tpu.memory_space<vmem>>, %arg3: memref<128x1xf32, #tpu.memory_space<vmem>>, %arg4: memref<128x1xf32, #tpu.memory_space<vmem>>, %arg5: memref<128x10000xf32, #tpu.memory_space<vmem>>, %arg6: memref<128x10000xf32, #tpu.memory_space<vmem>>, %arg7: memref<10000x1xi32, #tpu.memory_space<vmem>>, %arg8: memref<64x128xf32, #tpu.memory_space<vmem>>, %arg9: memref<64x128xf32, #tpu.memory_space<vmem>>, %arg10: memref<64x128xf32, #tpu.memory_space<vmem>>, %arg11: memref<4x128x128xf32, #tpu.memory_space<vmem>>, %arg12: memref<4x1x128xf32, #tpu.memory_space<vmem>>, %arg13: memref<128x10000xf32, #tpu.memory_space<vmem>>, %arg14: memref<64x128xf32, #tpu.memory_space<vmem>>) attributes {dimension_semantics = [], scalar_prefetch = 0 : i64, scratch_operands = 0 : i64, tpu.core_type = #tpu.core_type<tc>} {
    %get3A = arith.constant 0 : index
    %get3A_0 = arith.constant 0 : index
    %get3A_1 = vector.load %arg1[%get3A, %get3A_0] : memref<64x10000xi32, #tpu.memory_space<vmem>>, vector<64x10000xi32>
    %bitcast_convert_type3A = tpu.bitcast %get3A_1 : vector<64x10000xi32> -> vector<64x10000xi32>
    %shift_left3A = arith.constant 16 : i32
    %shift_left3A_2 = vector.broadcast %shift_left3A : i32 to vector<64x10000xi32>
    %shift_left3A_3 = arith.shli %bitcast_convert_type3A, %shift_left3A_2 : vector<64x10000xi32>
    %bitcast_convert_type3A_4 = tpu.bitcast %shift_left3A_3 : vector<64x10000xi32> -> vector<64x10000xf32>
    %shift_right_logical3A = arith.constant 16 : i32
    %shift_right_logical3A_5 = vector.broadcast %shift_right_logical3A : i32 to vector<64x10000xi32>
    %shift_right_logical3A_6 = arith.shrui %bitcast_convert_type3A, %shift_right_logical3A_5 : vector<64x10000xi32>
    %shift_left3A_7 = arith.constant 16 : i32
    %shift_left3A_8 = vector.broadcast %shift_left3A_7 : i32 to vector<64x10000xi32>
    %shift_left3A_9 = arith.shli %shift_right_logical3A_6, %shift_left3A_8 : vector<64x10000xi32>
    %bitcast_convert_type3A_10 = tpu.bitcast %shift_left3A_9 : vector<64x10000xi32> -> vector<64x10000xf32>
    %broadcast_in_dim3A = vector.shape_cast %bitcast_convert_type3A_4 : vector<64x10000xf32> to vector<64x1x10000xf32>
    %broadcast_in_dim3A_11 = vector.shape_cast %bitcast_convert_type3A_10 : vector<64x10000xf32> to vector<64x1x10000xf32>
    %concatenate3A = tpu.concatenate %broadcast_in_dim3A, %broadcast_in_dim3A_11 in 1 : vector<64x1x10000xf32>, vector<64x1x10000xf32> -> vector<64x2x10000xf32>
    %reshape3A = vector.shape_cast %concatenate3A : vector<64x2x10000xf32> to vector<128x10000xf32>
    %get3A_12 = arith.constant 0 : index
    %get3A_13 = arith.constant 0 : index
    %get3A_14 = vector.load %arg2[%get3A_12, %get3A_13] : memref<128x1xf32, #tpu.memory_space<vmem>>, vector<128x1xf32>
    %get3A_15 = arith.constant 0 : index
    %get3A_16 = arith.constant 0 : index
    %get3A_17 = vector.load %arg0[%get3A_15, %get3A_16] : memref<128x10000xf32, #tpu.memory_space<vmem>>, vector<128x10000xf32>
    %add3A = arith.addf %get3A_17, %reshape3A : vector<128x10000xf32>
    %mul3A = vector.broadcast %get3A_14 : vector<128x1xf32> to vector<128x10000xf32>
    %mul3A_18 = arith.mulf %mul3A, %add3A : vector<128x10000xf32>
    %max3A = arith.constant 0.000000e+00 : f32
    %max3A_19 = vector.broadcast %max3A : f32 to vector<128x10000xf32>
    %max3A_20 = arith.maximumf %mul3A_18, %max3A_19 : vector<128x10000xf32>
    %get3A_21 = arith.constant 0 : index
    %get3A_22 = arith.constant 0 : index
    %get3A_23 = vector.load %arg3[%get3A_21, %get3A_22] : memref<128x1xf32, #tpu.memory_space<vmem>>, vector<128x1xf32>
    %get3A_24 = arith.constant 0 : index
    %get3A_25 = arith.constant 0 : index
    %get3A_26 = vector.load %arg4[%get3A_24, %get3A_25] : memref<128x1xf32, #tpu.memory_space<vmem>>, vector<128x1xf32>
    %reduce_sum3A = arith.constant dense<0.000000e+00> : vector<128xf32>
    %reduce_sum3A_27 = vector.multi_reduction <add>, %max3A_20, %reduce_sum3A [1] : vector<128x10000xf32> to vector<128xf32>
    %broadcast_in_dim3A_28 = vector.shape_cast %reduce_sum3A_27 : vector<128xf32> to vector<128x1xf32>
    %div3A = arith.constant 1.000000e+04 : f32
    %div3A_29 = vector.broadcast %div3A : f32 to vector<128x1xf32>
    %div3A_30 = arith.divf %broadcast_in_dim3A_28, %div3A_29 : vector<128x1xf32>
    %sub3A = vector.broadcast %div3A_30 : vector<128x1xf32> to vector<128x10000xf32>
    %sub3A_31 = arith.subf %max3A_20, %sub3A : vector<128x10000xf32>
    %integer_pow3A = arith.mulf %sub3A_31, %sub3A_31 : vector<128x10000xf32>
    %reduce_sum3A_32 = arith.constant dense<0.000000e+00> : vector<128xf32>
    %reduce_sum3A_33 = vector.multi_reduction <add>, %integer_pow3A, %reduce_sum3A_32 [1] : vector<128x10000xf32> to vector<128xf32>
    %broadcast_in_dim3A_34 = vector.shape_cast %reduce_sum3A_33 : vector<128xf32> to vector<128x1xf32>
    %div3A_35 = arith.constant 1.000000e+04 : f32
    %div3A_36 = vector.broadcast %div3A_35 : f32 to vector<128x1xf32>
    %div3A_37 = arith.divf %broadcast_in_dim3A_34, %div3A_36 : vector<128x1xf32>
    %sub3A_38 = vector.broadcast %div3A_30 : vector<128x1xf32> to vector<128x10000xf32>
    %sub3A_39 = arith.subf %max3A_20, %sub3A_38 : vector<128x10000xf32>
    %mul3A_40 = vector.broadcast %get3A_23 : vector<128x1xf32> to vector<128x10000xf32>
    %mul3A_41 = arith.mulf %mul3A_40, %sub3A_39 : vector<128x10000xf32>
    %add3A_42 = arith.constant 9.99999974E-6 : f32
    %add3A_43 = vector.broadcast %add3A_42 : f32 to vector<128x1xf32>
    %add3A_44 = arith.addf %div3A_37, %add3A_43 : vector<128x1xf32>
    %rsqrt3A = math.rsqrt %add3A_44 : vector<128x1xf32>
    %mul3A_45 = vector.broadcast %rsqrt3A : vector<128x1xf32> to vector<128x10000xf32>
    %mul3A_46 = arith.mulf %mul3A_41, %mul3A_45 : vector<128x10000xf32>
    %add3A_47 = vector.broadcast %get3A_26 : vector<128x1xf32> to vector<128x10000xf32>
    %add3A_48 = arith.addf %mul3A_46, %add3A_47 : vector<128x10000xf32>
    %max3A_49 = arith.constant 0.000000e+00 : f32
    %max3A_50 = vector.broadcast %max3A_49 : f32 to vector<128x10000xf32>
    %max3A_51 = arith.maximumf %add3A_48, %max3A_50 : vector<128x10000xf32>
    %get3A_52 = arith.constant 0 : index
    %get3A_53 = arith.constant 0 : index
    %get3A_54 = vector.load %arg5[%get3A_52, %get3A_53] : memref<128x10000xf32, #tpu.memory_space<vmem>>, vector<128x10000xf32>
    %get3A_55 = arith.constant 0 : index
    %get3A_56 = arith.constant 0 : index
    %get3A_57 = vector.load %arg6[%get3A_55, %get3A_56] : memref<128x10000xf32, #tpu.memory_space<vmem>>, vector<128x10000xf32>
    %add3A_58 = arith.addf %get3A_54, %get3A_57 : vector<128x10000xf32>
    %add3A_59 = arith.addf %add3A_58, %max3A_51 : vector<128x10000xf32>
    %swap3A = arith.constant 0 : index
    %swap3A_60 = arith.constant 0 : index
    %swap3A_61 = vector.load %arg13[%swap3A, %swap3A_60] : memref<128x10000xf32, #tpu.memory_space<vmem>>, vector<128x10000xf32>
    tpu.vector_store %arg13[%swap3A, %swap3A_60], %add3A_59 {strides = array<i32>} : memref<128x10000xf32, #tpu.memory_space<vmem>>, vector<128x10000xf32>,
    %get3A_62 = arith.constant 0 : index
    %get3A_63 = arith.constant 0 : index
    %get3A_64 = vector.load %arg7[%get3A_62, %get3A_63] : memref<10000x1xi32, #tpu.memory_space<vmem>>, vector<10000x1xi32>
    %iota3A = tpu.iota {dimensions = array<i32: 1>} : vector<10000x64xi32>
    %eq3A = vector.broadcast %get3A_64 : vector<10000x1xi32> to vector<10000x64xi32>
    %eq3A_65 = arith.cmpi eq, %eq3A, %iota3A : vector<10000x64xi32>
    %convert_element_type3A = arith.extui %eq3A_65 : vector<10000x64xi1> to vector<10000x64xi32>
    %convert_element_type3A_66 = arith.sitofp %convert_element_type3A : vector<10000x64xi32> to vector<10000x64xf32>
    %dot_general3A = arith.constant dense<0.000000e+00> : vector<64x128xf32>
    %dot_general3A_67 = tpu.matmul %convert_element_type3A_66, %max3A_51, %dot_general3A {dimension_numbers = #tpu.dot_dimension_numbers<[0], [1], [1], [0], [0, 1, 1, 0], [], []>, transpose_lhs_hint = false} : vector<10000x64xf32>, vector<128x10000xf32>, vector<64x128xf32> -> vector<64x128xf32>
    %broadcast_in_dim3A_68 = arith.constant 1.000000e+00 : f32
    %broadcast_in_dim3A_69 = vector.broadcast %broadcast_in_dim3A_68 : f32 to vector<1x10000xf32>
    %dot_general3A_70 = arith.constant dense<0.000000e+00> : vector<64x1xf32>
    %dot_general3A_71 = tpu.matmul %convert_element_type3A_66, %broadcast_in_dim3A_69, %dot_general3A_70 {dimension_numbers = #tpu.dot_dimension_numbers<[0], [1], [1], [0], [0, 1, 1, 0], [], []>, transpose_lhs_hint = false} : vector<10000x64xf32>, vector<1x10000xf32>, vector<64x1xf32> -> vector<64x1xf32>
    %max3A_72 = arith.constant 1.000000e+00 : f32
    %max3A_73 = vector.broadcast %max3A_72 : f32 to vector<64x1xf32>
    %max3A_74 = arith.maximumf %dot_general3A_71, %max3A_73 : vector<64x1xf32>
    %div3A_75 = arith.constant 1.000000e+00 : f32
    %div3A_76 = vector.broadcast %div3A_75 : f32 to vector<64x1xf32>
    %div3A_77 = arith.divf %div3A_76, %max3A_74 : vector<64x1xf32>
    %broadcast_in_dim3A_78 = arith.constant 0.000000e+00 : f32
    %broadcast_in_dim3A_79 = vector.broadcast %broadcast_in_dim3A_78 : f32 to vector<64x128xf32>
    %get3A_80 = arith.constant 0 : index
    %get3A_81 = arith.constant 0 : index
    %get3A_82 = vector.load %arg8[%get3A_80, %get3A_81] : memref<64x128xf32, #tpu.memory_space<vmem>>, vector<64x128xf32>
    %get3A_83 = arith.constant 0 : index
    %get3A_84 = arith.constant 0 : index
    %get3A_85 = vector.load %arg9[%get3A_83, %get3A_84] : memref<64x128xf32, #tpu.memory_space<vmem>>, vector<64x128xf32>
    %get3A_86 = arith.constant 0 : index
    %get3A_87 = arith.constant 0 : index
    %get3A_88 = vector.load %arg10[%get3A_86, %get3A_87] : memref<64x128xf32, #tpu.memory_space<vmem>>, vector<64x128xf32>
    %mul3A_89 = vector.broadcast %div3A_77 : vector<64x1xf32> to vector<64x128xf32>
    %mul3A_90 = arith.mulf %get3A_82, %mul3A_89 : vector<64x128xf32>
    %get3A_91 = arith.constant 0 : index
    %get3A_92 = arith.constant 0 : index
    %get3A_93 = arith.constant 0 : index
    %get3A_94 = vector.load %arg11[%get3A_91, %get3A_92, %get3A_93] : memref<4x128x128xf32, #tpu.memory_space<vmem>>, vector<1x128x128xf32>
    %get3A_95 = vector.shape_cast %get3A_94 : vector<1x128x128xf32> to vector<128x128xf32>
    %dot_general3A_96 = arith.constant dense<0.000000e+00> : vector<64x128xf32>
    %dot_general3A_97 = tpu.matmul %mul3A_90, %get3A_95, %dot_general3A_96 {dimension_numbers = #tpu.dot_dimension_numbers<[1], [0], [0], [1], [0, 0, 1, 1], [], []>, transpose_lhs_hint = false} : vector<64x128xf32>, vector<128x128xf32>, vector<64x128xf32> -> vector<64x128xf32>
    %add3A_98 = arith.addf %broadcast_in_dim3A_79, %dot_general3A_97 : vector<64x128xf32>
    %get3A_99 = arith.constant 0 : index
    %get3A_100 = arith.constant 0 : index
    %get3A_101 = arith.constant 0 : index
    %get3A_102 = vector.load %arg12[%get3A_99, %get3A_100, %get3A_101] : memref<4x1x128xf32, #tpu.memory_space<vmem>>, vector<1x1x128xf32>
    %get3A_103 = vector.shape_cast %get3A_102 : vector<1x1x128xf32> to vector<1x128xf32>
    %add3A_104 = vector.broadcast %get3A_103 : vector<1x128xf32> to vector<64x128xf32>
    %add3A_105 = arith.addf %add3A_98, %add3A_104 : vector<64x128xf32>
    %mul3A_106 = vector.broadcast %div3A_77 : vector<64x1xf32> to vector<64x128xf32>
    %mul3A_107 = arith.mulf %get3A_85, %mul3A_106 : vector<64x128xf32>
    %get3A_108 = arith.constant 1 : index
    %get3A_109 = arith.constant 0 : index
    %get3A_110 = arith.constant 0 : index
    %get3A_111 = vector.load %arg11[%get3A_108, %get3A_109, %get3A_110] : memref<4x128x128xf32, #tpu.memory_space<vmem>>, vector<1x128x128xf32>
    %get3A_112 = vector.shape_cast %get3A_111 : vector<1x128x128xf32> to vector<128x128xf32>
    %dot_general3A_113 = arith.constant dense<0.000000e+00> : vector<64x128xf32>
    %dot_general3A_114 = tpu.matmul %mul3A_107, %get3A_112, %dot_general3A_113 {dimension_numbers = #tpu.dot_dimension_numbers<[1], [0], [0], [1], [0, 0, 1, 1], [], []>, transpose_lhs_hint = false} : vector<64x128xf32>, vector<128x128xf32>, vector<64x128xf32> -> vector<64x128xf32>
    %add3A_115 = arith.addf %add3A_105, %dot_general3A_114 : vector<64x128xf32>
    %get3A_116 = arith.constant 1 : index
    %get3A_117 = arith.constant 0 : index
    %get3A_118 = arith.constant 0 : index
    %get3A_119 = vector.load %arg12[%get3A_116, %get3A_117, %get3A_118] : memref<4x1x128xf32, #tpu.memory_space<vmem>>, vector<1x1x128xf32>
    %get3A_120 = vector.shape_cast %get3A_119 : vector<1x1x128xf32> to vector<1x128xf32>
    %add3A_121 = vector.broadcast %get3A_120 : vector<1x128xf32> to vector<64x128xf32>
    %add3A_122 = arith.addf %add3A_115, %add3A_121 : vector<64x128xf32>
    %mul3A_123 = vector.broadcast %div3A_77 : vector<64x1xf32> to vector<64x128xf32>
    %mul3A_124 = arith.mulf %get3A_88, %mul3A_123 : vector<64x128xf32>
    %get3A_125 = arith.constant 2 : index
    %get3A_126 = arith.constant 0 : index
    %get3A_127 = arith.constant 0 : index
    %get3A_128 = vector.load %arg11[%get3A_125, %get3A_126, %get3A_127] : memref<4x128x128xf32, #tpu.memory_space<vmem>>, vector<1x128x128xf32>
    %get3A_129 = vector.shape_cast %get3A_128 : vector<1x128x128xf32> to vector<128x128xf32>
    %dot_general3A_130 = arith.constant dense<0.000000e+00> : vector<64x128xf32>
    %dot_general3A_131 = tpu.matmul %mul3A_124, %get3A_129, %dot_general3A_130 {dimension_numbers = #tpu.dot_dimension_numbers<[1], [0], [0], [1], [0, 0, 1, 1], [], []>, transpose_lhs_hint = false} : vector<64x128xf32>, vector<128x128xf32>, vector<64x128xf32> -> vector<64x128xf32>
    %add3A_132 = arith.addf %add3A_122, %dot_general3A_131 : vector<64x128xf32>
    %get3A_133 = arith.constant 2 : index
    %get3A_134 = arith.constant 0 : index
    %get3A_135 = arith.constant 0 : index
    %get3A_136 = vector.load %arg12[%get3A_133, %get3A_134, %get3A_135] : memref<4x1x128xf32, #tpu.memory_space<vmem>>, vector<1x1x128xf32>
    %get3A_137 = vector.shape_cast %get3A_136 : vector<1x1x128xf32> to vector<1x128xf32>
    %add3A_138 = vector.broadcast %get3A_137 : vector<1x128xf32> to vector<64x128xf32>
    %add3A_139 = arith.addf %add3A_132, %add3A_138 : vector<64x128xf32>
    %mul3A_140 = vector.broadcast %div3A_77 : vector<64x1xf32> to vector<64x128xf32>
    %mul3A_141 = arith.mulf %dot_general3A_67, %mul3A_140 : vector<64x128xf32>
    %get3A_142 = arith.constant 3 : index
    %get3A_143 = arith.constant 0 : index
    %get3A_144 = arith.constant 0 : index
    %get3A_145 = vector.load %arg11[%get3A_142, %get3A_143, %get3A_144] : memref<4x128x128xf32, #tpu.memory_space<vmem>>, vector<1x128x128xf32>
    %get3A_146 = vector.shape_cast %get3A_145 : vector<1x128x128xf32> to vector<128x128xf32>
    %dot_general3A_147 = arith.constant dense<0.000000e+00> : vector<64x128xf32>
    %dot_general3A_148 = tpu.matmul %mul3A_141, %get3A_146, %dot_general3A_147 {dimension_numbers = #tpu.dot_dimension_numbers<[1], [0], [0], [1], [0, 0, 1, 1], [], []>, transpose_lhs_hint = false} : vector<64x128xf32>, vector<128x128xf32>, vector<64x128xf32> -> vector<64x128xf32>
    %add3A_149 = arith.addf %add3A_139, %dot_general3A_148 : vector<64x128xf32>
    %get3A_150 = arith.constant 3 : index
    %get3A_151 = arith.constant 0 : index
    %get3A_152 = arith.constant 0 : index
    %get3A_153 = vector.load %arg12[%get3A_150, %get3A_151, %get3A_152] : memref<4x1x128xf32, #tpu.memory_space<vmem>>, vector<1x1x128xf32>
    %get3A_154 = vector.shape_cast %get3A_153 : vector<1x1x128xf32> to vector<1x128xf32>
    %add3A_155 = vector.broadcast %get3A_154 : vector<1x128xf32> to vector<64x128xf32>
    %add3A_156 = arith.addf %add3A_149, %add3A_155 : vector<64x128xf32>
    %swap3A_157 = arith.constant 0 : index
    %swap3A_158 = arith.constant 0 : index
    %swap3A_159 = vector.load %arg14[%swap3A_157, %swap3A_158] : memref<64x128xf32, #tpu.memory_space<vmem>>, vector<64x128xf32>
    tpu.vector_store %arg14[%swap3A_157, %swap3A_158], %add3A_156 {strides = array<i32>} : memref<64x128xf32, #tpu.memory_space<vmem>>, vector<64x128xf32>,
    return
  }
}

</mosaic_0001>

<sc_bundles>
// kernel: kernel.12.cloned.1.call-start
scs
__scs_entry_jumppad:
0x0: {  	(pc) =	sbr.rel $0x88, $3  }
0x1: {  	(tag) =	ssettag $0x0;
	lr =	simm.s32 $0x1  }
0x2: {  	[smem:$0x3F91] =	sst lr;
	_ =	strace $0xD0000000  }
0x3: {  	_ = 	snop  }
0x4: {  	_ = 	snop  }
0x5: {  	_ = 	snop  }
0x6: {  	_ = 	snop  }
0x7: {  	_ = 	snop  }
__scs_overlays_trampoline_lowered:
0x8: {  	[smem:$0x3FA0] =	sst s0  }
0x9: {  	[smem:$0x3FA1] =	sst s1  }
0xa: {  	[smem:$0x3FA2] =	sst s2  }
0xb: {  	[smem:$0x3FA3] =	sst s3  }
0xc: {  	[smem:$0x3FA4] =	sst s4  }
0xd: {  	[smem:$0x3FA5] =	sst s5  }
0xe: {  	[smem:$0x3FA6] =	sst s6  }
0xf: {  	[smem:$0x3FA7] =	sst s7  }
0x10: {  	[smem:$0x3FA8] =	sst s8  }
0x11: {  	[smem:$0x3FA9] =	sst s9;
	s0 =	simm.s32 @!p0 $0x0  }
0x12: {  	s1 =	sld [smem:$0x3F8F];
	s0 =	simm.s32 @p0 $0x1  }
0x13: {  	[smem:$0x3FAA] =	sst s0;
	s0 =	simm.s32 @!p1 $0x0  }
0x14: {  	s2 =	sld [smem:$0x3F8E];
	s0 =	simm.s32 @p1 $0x1  }
0x15: {  	[smem:$0x3FAB] =	sst s0;
	s0 =	simm.s32 @!p2 $0x0  }
0x16: {  	s3 =	sld [smem:$0x3FDB];
	s0 =	simm.s32 @p2 $0x1  }
0x17: {  	s4 =	simm.s32 $0x1BF5;
	[smem:$0x3FAD] =	sst s0  }
0x18: {  	s0 =	sld [smem:$0x3F90];
	_ =	swait.ge [sflag:s4], $0x0  }
0x19: {  	s7 =	sld [smem:$0x3F91]  }
0x1a: {  	s8 =	sadd.s32 $0xFFFFE003, lr  }
0x1b: {  	s9 =	sadd.s32 $0xFFFFFEF7, lr;
	s5 =	simm.s32 $0xFFFFFFFF;
	p2 =	slt.u32 s8, $0xFFFFF086  }
0x1c: {  	p1 =	slt.u32 s9, $0xF7A;
	s5 =	simm.s32 @!p2 $0x0  }
0x1d: {  	s5 =	simm.s32 @p1 $0x1;
	p0 =	seq.s32 s7, s2  }
0x1e: {  	s7 =	smul.u32 @!p0 $0xF7A, s2;
	p2 =	seq.s32 @!p0 s5, $0x0  }
0x1f: {  	s9 =	smul.u32 $0xF7A, s1;
	s8 =	simm.s32 @!p0 $0x1BF5;
	p2 =	por !p2, p0  }
0x20: {  	[sflag:s8] =	ssyncset.s32 @!p0 $0xFFFFF086;
	s6 =	sadd.s32 @!p0 s3, s7;
	s7 =	simm.s32 @!p0 $0x108  }
0x21: {  	s3 =	sadd.s32 s3, s9;
	s6 =	sadd.s32 @!p0 $0x88, s6;
	s7 =	simm.s32 @p2 $0x1082  }
0x22: {  	[simem:s7], [sflag:s8] =	dma.local @!p0 [hbm:s6], $0xF7A  }
0x23: {  	s9 =	sor.u32 $0xD0000000, s2;
	s6 =	simm.s32 $0x108;
	_ =	swait.ge @!p0 [sflag:s8], $0x0  }
0x24: {  	s3 =	sadd.s32 $0x88, s3;
	s6 =	simm.s32 @!p1 $0x1082;
	[sflag:s4] =	ssyncset.s32 $0xFFFFF086  }
0x25: {  	[simem:s6], [sflag:s4] =	dma.local [hbm:s3], $0xF7A  }
0x26: {  	[smem:$0x3F91] =	sst s1;
	(tag) =	ssettag s2;
	_ =	strace s9  }
0x27: {  	s1 =	sld [smem:$0x3FA1]  }
0x28: {  	s2 =	sld [smem:$0x3FA2]  }
0x29: {  	s4 =	sld [smem:$0x3FA4]  }
0x2a: {  	p0 =	seq.s32 s5, $0x0;
	s5 =	sld [smem:$0x3FA5]  }
0x2b: {  	s6 =	sld [smem:$0x3FA6]  }
0x2c: {  	s7 =	sld [smem:$0x3FA7]  }
0x2d: {  	s3 =	simm.s32 $0x108;
	s8 =	sld [smem:$0x3FA8]  }
0x2e: {  	s3 =	simm.s32 @!p0 $0x1082;
	s9 =	sld [smem:$0x3FA9]  }
0x2f: {  	lr =	sadd.s32 s0, s3;
	s0 =	sld [smem:$0x3FA0]  }
0x30: {  	s3 =	sld [smem:$0x3FA3]  }
0x31: {  	[smem:$0x3FAC] =	sst s10  }
0x32: {  	s10 =	sld [smem:$0x3FAA];
	_ =	sdelay $0x3  }
0x33: {  	p0 =	seq.s32 s10, $0x1;
	s10 =	sld [smem:$0x3FAC];
	_ =	sdelay $0x3  }
0x34: {  	[smem:$0x3FAC] =	sst s10  }
0x35: {  	s10 =	sld [smem:$0x3FAB];
	_ =	sdelay $0x3  }
0x36: {  	p1 =	seq.s32 s10, $0x1;
	s10 =	sld [smem:$0x3FAC];
	_ =	sdelay $0x3  }
0x37: {  	[smem:$0x3FAC] =	sst s10  }
0x38: {  	s10 =	sld [smem:$0x3FAD]  }
0x39: {  	_ = 	snop;
	(pc) =	sbr.ind lr, $3  }
0x3a: {  	_ = 	snop  }
0x3b: {  	_ = 	snop  }
0x3c: {  	p2 =	seq.s32 s10, $0x1;
	s10 =	sld [smem:$0x3FAC]  }
0x3d: {  	_ =	shalt  }
0x3e: {  	_ =	shalt  }
0x3f: {  	_ =	shalt  }
0x40: {  	_ =	shalt  }
0x41: {  	_ =	shalt  }
0x42: {  	_ =	shalt  }
0x43: {  	_ =	shalt  }
0x44: {  	_ =	shalt  }
0x45: {  	_ =	shalt  }
0x46: {  	_ =	shalt  }
0x47: {  	_ =	shalt  }
0x48: {  	_ =	shalt  }
0x49: {  	_ =	shalt  }
0x4a: {  	_ =	shalt  }
0x4b: {  	_ =	shalt  }
0x4c: {  	_ =	shalt  }
0x4d: {  	_ =	shalt  }
0x4e: {  	_ =	shalt  }
0x4f: {  	_ =	shalt  }
0x50: {  	_ =	shalt  }
0x51: {  	_ =	shalt  }
0x52: {  	_ =	shalt  }
0x53: {  	_ =	shalt  }
0x54: {  	_ =	shalt  }
0x55: {  	_ =	shalt  }
0x56: {  	_ =	shalt  }
0x57: {  	_ =	shalt  }
0x58: {  	_ =	shalt  }
0x59: {  	_ =	shalt  }
0x5a: {  	_ =	shalt  }
0x5b: {  	_ =	shalt  }
0x5c: {  	_ =	shalt  }
0x5d: {  	_ =	shalt  }
0x5e: {  	_ =	shalt  }
0x5f: {  	_ =	shalt  }
0x60: {  	_ =	shalt  }
0x61: {  	_ =	shalt  }
0x62: {  	_ =	shalt  }
0x63: {  	_ =	shalt  }
0x64: {  	_ =	shalt  }
0x65: {  	_ =	shalt  }
0x66: {  	_ =	shalt  }
0x67: {  	_ =	shalt  }
0x68: {  	_ =	shalt  }
0x69: {  	_ =	shalt  }
0x6a: {  	_ =	shalt  }
0x6b: {  	_ =	shalt  }
0x6c: {  	_ =	shalt  }
0x6d: {  	_ =	shalt  }
0x6e: {  	_ =	shalt  }
0x6f: {  	_ =	shalt  }
0x70: {  	_ =	shalt  }
0x71: {  	_ =	shalt  }
0x72: {  	_ =	shalt  }
0x73: {  	_ =	shalt  }
0x74: {  	_ =	shalt  }
0x75: {  	_ =	shalt  }
0x76: {  	_ =	shalt  }
0x77: {  	_ =	shalt  }
0x78: {  	_ =	shalt  }
0x79: {  	_ =	shalt  }
0x7a: {  	_ =	shalt  }
0x7b: {  	_ =	shalt  }
0x7c: {  	_ =	shalt  }
0x7d: {  	_ =	shalt  }
0x7e: {  	_ =	shalt  }
0x7f: {  	_ =	shalt  }
0x80: {  	_ =	shalt  }
0x81: {  	_ =	shalt  }
0x82: {  	_ =	shalt  }
0x83: {  	_ =	shalt  }
0x84: {  	_ =	shalt  }
0x85: {  	_ =	shalt  }
0x86: {  	_ =	shalt  }
0x87: {  	_ =	shalt  }
.Lfunc_end0:
.L_simem_size_0:
called_computation.1_lowered:
.L_overlay_start_0:
0x88: {  	s2 =	sld [smem:$0x3FD9]  }
0x89: {  	s3 =	sld [smem:$0x3FFE];
	_ =	sdelay $0x1  }
0x8a: {  	s1 =	srdreg.scid  }
0x8b: {  	s0 =	sand.u32 $0x1, s1  }
0x8c: {  	s14 =	sshll.u32 s0, $0xA;
	s2 =	sadd.s32 s3, s2  }
0x8d: {  	s2 =	sadd.s32 s2, s14  }
0x8e: {  	[smem:$0x3FB8] =	sst s2  }
0x8f: {  	_ = 	snop  }
0x90: {  	s2 =	sld [smem:$0x3FD0];
	_ =	sdelay $0x2  }
0x91: {  	s15 =	simm.s32 $0xA;
	s4 =	simm.s32 $0x10  }
0x92: {  	[smem:s4], [sflag:s15] =	dma.local [hbm:s2], $0x1  }
0x93: {  	_ =	swait.eq [sflag:s15], $0x1  }
0x94: {  	[sflag:s15] =	ssyncset.done $0x0  }
0x95: {  	[sflag:s15] =	ssyncadd.s32 $0xFFFFFFFF  }
0x96: {  	s16 =	sld [smem:$0x10];
	(tm) =	ssettm $0x1  }
0x97: {  	s17 =	sld [smem:$0x3FFB];
	_ =	sdelay $0x3  }
0x98: {  	_ =	strace s17  }
0x99: {  	s3 =	sld [smem:$0x3FFC];
	_ =	sdelay $0x3  }
0x9a: {  	_ =	strace s3  }
0x9b: {  	s3 =	sld [smem:$0x3FFD];
	_ =	sdelay $0x3  }
0x9c: {  	_ =	strace s3  }
0x9d: {  	_ =	strace $0x8FFFFFFF  }
0x9e: {  	s18 =	sld [smem:$0x3FDB];
	_ =	sdelay $0x1  }
0x9f: {  	s19 =	simm.s32 $_scs_section_size  }
0xa0: {  	s5 =	simm.s32 $_size__tile_overlayer_lowered;
	s6 =	simm.s32 $_tile_overlayer_lowered  }
0xa1: {  	s22 =	simm.s32 $0x1BFF;
	s21 =	sshll.u32 s6, $0x1;
	s3 =	sadd.s32 s19, s18  }
0xa2: {  	s7 =	simm.s32 $0x0;
	s20 =	sshll.u32 s5, $0x1;
	s5 =	sadd.s32 s21, s3  }
0xa3: {  	[timem:s7], [sflag:s22] =	dma.local [hbm:s5], s20  }
0xa4: {  	_ =	swait.ge [sflag:s22], s20  }
0xa5: {  	s4 =	ssub.s32 $0x0, s20;
	[sflag:s22] =	ssyncset.done $0x0  }
0xa6: {  	[sflag:s22] =	ssyncadd.s32 s4;
	_ =	sdelay $0x1  }
0xa7: {  	s23 =	simm.s32 $0x1B8B  }
0xa8: {  	_ =	swait.ge [sflag:s23], $0x1  }
0xa9: {  	[sflag:s23] =	ssyncset.done $0x0  }
0xaa: {  	s25 =	simm.s32 $0x1B8E;
	s24 =	sld [smem:$0x3FFE];
	[sflag:s23] =	ssyncadd.s32 $0xFFFFFFFF  }
0xab: {  	s26 =	simm.s32 $execute0_lowered;
	[smem:$0x3FD2] =	sst s25  }
0xac: {  	s5 =	sshll.u32 s26, $0x1;
	_ =	strace $0x80000049;
	[dreg:$0x1] =	wrdreg $0xFFFFFFFF  }
0xad: {  	s28 =	simm.s32 $_size_execute0_lowered;
	s3 =	sadd.s32 s3, s5;
	[dreg:$0x0] =	wrdreg $0x0  }
0xae: {  	s5 =	sshll.u32 s28, $0x1;
	[dreg:$0x2] =	wrdreg s3  }
0xaf: {  	[dreg:$0x3] =	wrdreg s5  }
0xb0: {  	[dreg:$0x4] =	wrdreg $0xC0  }
0xb1: {  	_ =	task [dreg:s7], $0x5FFFF  }
0xb2: {  	[dreg:$0x1] =	wrdreg $0xFFFFFFFF  }
0xb3: {  	[dreg:$0x0] =	wrdreg $0x60  }
0xb4: {  	[dreg:$0x2] =	wrdreg s16  }
0xb5: {  	[dreg:$0x3] =	wrdreg s24  }
0xb6: {  	[dreg:$0x4] =	wrdreg $0x9  }
0xb7: {  	_ =	task.clear_ibuf [dreg:s7], $0x5FFFF;
	_ =	strace $0x90000049  }
0xb8: {  	s29 =	simm.s32 $0x9;
	_ =	strace $0x8000004B  }
0xb9: {  	_ =	swait.ge [sflag:s29], $0x1  }
0xba: {  	[sflag:s29] =	ssyncadd.s32 $0xFFFFFFFF  }
0xbb: {  	_ =	strace $0x9000004B  }
0xbc: {  	_ =	sfence  }
0xbd: {  	s30 =	sld [smem:$0x0];
	_ =	sdelay $0x2  }
0xbe: {  	s31 =	sshll.u32 s1, $0xD;
	s1 =	sshrl.u32 s1, $0x2  }
0xbf: {  	s3 =	sand.u32 $0x4000, s31;
	s1 =	sadd.s32 s1, s30  }
0xc0: {  	s0 =	sor.u32 s3, s0;
	s1 =	sshll.u32 s1, $0x11  }
0xc1: {  	s0 =	sor.u32 s1, s0  }
0xc2: {  	s0 =	sadd.s32 $0x8F2B, s0  }
0xc3: {  	[sflag:s0] =	ssyncadd.remote.s32 $0x1  }
0xc4: {  	_ =	sfence.sel $0xFFFF  }
0xc5: {  	[dreg:$0x0] =	wrdreg $0xFFFFFFFF;
	(pc) =	sbr.abs _section_cstart, $3  }
0xc6: {  	[dreg:$0x1] =	wrdreg $0xFFFFFFFF  }
0xc7: {  	_ =	task.clear_ibuf [dreg:s7], $0x2FFFF;
	_ =	strace $0x9FFFFFFF  }
0xc8: {  	(tm) =	ssettm $0x7FFFFFFF  }
0xc9: {  	_ =	shalt  }
tec
execute0_lowered:
.L_overlay_start_1:
0x0: {  	(tag) =	ssettag $0x1  }
0x1: {  	s6 =	rddreg [dreg:$0x0]  }
0x2: {  	s5 =	rddreg [dreg:$0x1]  }
0x3: {  	s0 =	rddreg [dreg:$0x2];
	s3 =	srdreg.scid  }
0x4: {  	s1 =	stileid.u32;
	s2 =	simm.s32 $0x0;
	s12 =	simm.s32 $0x2780  }
0x5: {  	s13 =	simm.s32 $0x7680;
	s14 =	simm.s32 $0x9E00;
	s15 =	simm.s32 $0x11E00  }
0x6: {  	s16 =	simm.s32 $0x19E00;
	s7 =	sand.u32 $0x1, s3;
	s30 =	sshll.u32 s1, $0x1  }
0x7: {  	s17 =	simm.s32 $0x0;
	[smem:$0x7FF] =	sst s2;
	s3 =	sor.u32 s7, s30  }
0x8: {  	s4 =	sadd.s32 $0x35200, s5;
	s9 =	sadd.s32 $0x66A00, s5;
	s8 =	smul.u32 $0x4E20, s3  }
.Ltmp0:
0x9: {  	_ =	strace $0x8000004A;
	s7 =	ssub.s32 $0x2, s7;
	(pc) =	sbr.rel .LBB2_1-.Ltmp0, $4  }
0xa: {  	s3 =	sadd.s32 $0x2B200, s5;
	s31 =	sshrl.u32 s7, $0x1;
	s8 =	sshrl.u32 s8, $0x3  }
0xb: {  	s10 =	ssub.s32 s7, s31;
	s5 =	sadd.s32 s6, s8;
	s11 =	sadd.s32 $0x4E2, s8  }
0xc: {  	s7 =	sadd.s32 s9, s8;
	s6 =	sadd.s32 s6, s11;
	s8 =	sadd.s32 s9, s11  }
0xd: {  	v0 =	vlaneseq.u32;
	v1 =	vimm.f32 $0.0e+00;
	s9 =	smax.u32 s10, $0x1;
	s10 =	simm.s32 $0x1;
	s11 =	simm.s32 $0x4F00  }
.LBB2_22:
0xe: {  	[hbm4b:s7+s2] =	stream.linear.scatter [tilespmem:s11], [sflag:$0x1], $0x2710, $0x38;
	[tilespmem:$0x1C580] =	vst v63  }
0xf: {  	s17 =	sadd.s32 $0x1, s17;
	_ =	swait.ge [sflag:s10], $0x2710  }
0x10: {  	p0 =	sne.s32 s17, s9;
	[sflag:s10] =	ssyncset.done $0x0  }
.Ltmp1:
0x11: {  	[sflag:s10] =	ssyncadd.s32 $0xFFFFD8F0;
	(pc) =	sbr.rel @!p0 .LBB2_23-.Ltmp1, $4  }
0x12: {  	[hbm4b:s8+s2] =	stream.linear.scatter [tilespmem:s13], [sflag:$0x1], $0x2710, $0x38;
	[tilespmem:$0x1C580] =	vst v63  }
0x13: {  	_ =	swait.ge [sflag:s10], $0x2710  }
0x14: {  	[sflag:s10] =	ssyncset.done $0x0  }
0x15: {  	[sflag:s10] =	ssyncadd.s32 $0xFFFFD8F0  }
.LBB2_1:
0x16: {  	[tilespmem:s2], [sflag:$0x1] =	stream.linear.gather [hbm4b:s5+s2], $0x2710, $0x38;
	[tilespmem:$0x1C580] =	vst v63  }
0x17: {  	_ =	swait.ge [sflag:s10], $0x2710  }
0x18: {  	[sflag:s10] =	ssyncset.done $0x0  }
0x19: {  	[sflag:s10] =	ssyncadd.s32 $0xFFFFD8F0  }
0x1a: {  	[tilespmem:s11], [sflag:$0x1] =	stream.linear.gather [hbm4b:s5+s2], $0x2710, $0x38;
	[tilespmem:$0x1C580] =	vst v63  }
0x1b: {  	_ =	swait.ge [sflag:s10], $0x2710  }
0x1c: {  	[sflag:s10] =	ssyncset.done $0x0  }
0x1d: {  	[sflag:s10] =	ssyncadd.s32 $0xFFFFD8F0  }
0x1e: {  	[tilespmem:s12], [sflag:$0x1] =	stream.linear.gather [hbm4b:s6+s2], $0x2710, $0x38;
	[tilespmem:$0x1C580] =	vst v63  }
0x1f: {  	_ =	swait.ge [sflag:s10], $0x2710  }
0x20: {  	[sflag:s10] =	ssyncset.done $0x0  }
.Ltmp2:
0x21: {  	[sflag:s10] =	ssyncadd.s32 $0xFFFFD8F0;
	(pc) =	sbr.rel .LBB2_2-.Ltmp2, $4  }
0x22: {  	[tilespmem:s13], [sflag:$0x1] =	stream.linear.gather [hbm4b:s6+s2], $0x2710, $0x38;
	[tilespmem:$0x1C580] =	vst v63  }
0x23: {  	_ =	swait.ge [sflag:s10], $0x2710  }
0x24: {  	[sflag:s10] =	ssyncset.done $0x0  }
0x25: {  	s18 =	simm.s32 $0x0;
	[sflag:s10] =	ssyncadd.s32 $0xFFFFD8F0  }
.LBB2_21:
0x26: {  	s18 =	sadd.s32 $0x1, s18  }
0x27: {  	p0 =	sne.s32 s18, $0xA  }
.Ltmp3:
0x28: {  	_ = 	snop;
	(pc) =	sbr.rel @!p0 .LBB2_22-.Ltmp3, $1  }
0x29: {  	_ =	sdelay $0x3  }
.LBB2_2:
0x2a: {  	s20 =	sshll.u32 s18, $0xC  }
0x2b: {  	s19 =	simm.s32 $0x0;
	s21 =	sadd.s32 s3, s20  }
0x2c: {  	[tilespmem:s14], [sflag:$0x1] =	stream.linear.gather [hbm4b:s21+s19], $0x8000, $0x38;
	[tilespmem:$0x1C580] =	vst v63  }
0x2d: {  	_ =	swait.ge [sflag:s10], $0x8000  }
0x2e: {  	[sflag:s10] =	ssyncset.done $0x0  }
.Ltmp4:
0x2f: {  	s20 =	sadd.s32 s4, s20;
	[sflag:s10] =	ssyncadd.s32 $0xFFFF8000;
	(pc) =	sbr.rel .LBB2_3-.Ltmp4, $4  }
0x30: {  	[tilespmem:s15], [sflag:$0x1] =	stream.linear.gather [hbm4b:s20+s19], $0x8000, $0x38;
	[tilespmem:$0x1C580] =	vst v63  }
0x31: {  	_ =	swait.ge [sflag:s10], $0x8000  }
0x32: {  	[sflag:s10] =	ssyncset.done $0x0  }
0x33: {  	[sflag:s10] =	ssyncadd.s32 $0xFFFF8000  }
.LBB2_20:
0x34: {  	s19 =	sadd.s32 $0x1, s19  }
0x35: {  	p0 =	sne.s32 s19, $0x200  }
.Ltmp5:
0x36: {  	_ = 	snop;
	(pc) =	sbr.rel @!p0 .LBB2_21-.Ltmp5, $1  }
0x37: {  	_ =	sdelay $0x3  }
.LBB2_3:
0x38: {  	s20 =	sshll.u32 s19, $0x6  }
0x39: {  	v2 =	vld [tilespmem:s20+$0x11E00]  }
0x3a: {  	v3 =	vld [tilespmem:s20+$0x9E00];
	_ =	sdelay $0x6  }
0x3b: {  	[tilespmem:v2+s16+$0x0] =	vst.idx.msk $0xffff, v0  }
0x3c: {  	v4 =	vld.idx.msk [tilespmem:v3+s2+$0x0], $0xffff  }
0x3d: {  	v5 =	vld.idx.msk [tilespmem:v2+s11+$0x0], $0xffff;
	_ =	sdelay $0x4  }
0x3e: {  	v4 =	vmax.bf16 v4, v5  }
0x3f: {  	v6 =	vld.idx.msk [tilespmem:v2+s16+$0x0], $0xffff;
	[tilespmem:v2+s11+$0x0] =	vst.idx.msk $0xffff, v4  }
0x40: {  	v3 =	vld.idx.msk [tilespmem:v3+s12+$0x0], $0xffff  }
0x41: {  	v4 =	vld.idx.msk [tilespmem:v2+s13+$0x0], $0xffff;
	_ =	sdelay $0x4  }
0x42: {  	v3 =	vmax.bf16 v3, v4  }
0x43: {  	[tilespmem:v2+s13+$0x0] =	vst.idx.msk $0xffff, v3  }
0x44: {  	v2 =	vld [tilespmem:s20+$0x11E10]  }
0x45: {  	v3 =	vld [tilespmem:s20+$0x9E10];
	_ =	sdelay $0x6  }
0x46: {  	[tilespmem:v2+s16+$0x0] =	vst.idx.msk $0xffff, v0  }
0x47: {  	v55 =	vld.idx.msk [tilespmem:v3+s2+$0x0], $0xffff  }
0x48: {  	v56 =	vld.idx.msk [tilespmem:v2+s11+$0x0], $0xffff;
	_ =	sdelay $0x4  }
0x49: {  	v4 =	vmax.bf16 v55, v56  }
0x4a: {  	v7 =	vld.idx.msk [tilespmem:v2+s16+$0x0], $0xffff;
	[tilespmem:v2+s11+$0x0] =	vst.idx.msk $0xffff, v4  }
0x4b: {  	v3 =	vld.idx.msk [tilespmem:v3+s12+$0x0], $0xffff  }
0x4c: {  	v4 =	vld.idx.msk [tilespmem:v2+s13+$0x0], $0xffff;
	_ =	sdelay $0x4  }
0x4d: {  	v3 =	vmax.bf16 v3, v4  }
0x4e: {  	[tilespmem:v2+s13+$0x0] =	vst.idx.msk $0xffff, v3  }
0x4f: {  	v2 =	vld [tilespmem:s20+$0x11E20]  }
0x50: {  	v3 =	vld [tilespmem:s20+$0x9E20];
	_ =	sdelay $0x6  }
0x51: {  	[tilespmem:v2+s16+$0x0] =	vst.idx.msk $0xffff, v0  }
0x52: {  	v57 =	vld.idx.msk [tilespmem:v3+s2+$0x0], $0xffff  }
0x53: {  	v58 =	vld.idx.msk [tilespmem:v2+s11+$0x0], $0xffff;
	_ =	sdelay $0x4  }
0x54: {  	v4 =	vmax.bf16 v57, v58  }
0x55: {  	v59 =	vld.idx.msk [tilespmem:v2+s16+$0x0], $0xffff;
	[tilespmem:v2+s11+$0x0] =	vst.idx.msk $0xffff, v4  }
0x56: {  	v3 =	vld.idx.msk [tilespmem:v3+s12+$0x0], $0xffff  }
0x57: {  	v4 =	vld.idx.msk [tilespmem:v2+s13+$0x0], $0xffff;
	_ =	sdelay $0x4  }
0x58: {  	v3 =	vmax.bf16 v3, v4  }
0x59: {  	[tilespmem:v2+s13+$0x0] =	vst.idx.msk $0xffff, v3  }
0x5a: {  	v2 =	vld [tilespmem:s20+$0x11E30];
	_ =	sdelay $0x7  }
0x5b: {  	v3 =	vld [tilespmem:s20+$0x9E30];
	[tilespmem:v2+s16+$0x0] =	vst.idx.msk $0xffff, v0  }
0x5c: {  	v60 =	vld.idx.msk [tilespmem:v2+s16+$0x0], $0xffff;
	_ =	sdelay $0x2  }
0x5d: {  	vm0 =	vne.s32 v6, v0;
	vm1 =	vne.s32 v7, v0  }
0x5e: {  	vm0 =	vmor vm0, vm1;
	vm14 =	vne.s32 v59, v0  }
0x5f: {  	vm0 =	vmor vm0, vm14;
	vm15 =	vne.s32 v60, v0  }
0x60: {  	vm0 =	vmor vm0, vm15  }
0x61: {  	v61 =	vsel vm0, $0x3F800000, v1  }
0x62: {  	(xrf0) =	vmax.scan.msk.f32 $0xffff, v61;
	_ =	sdelay $0x5  }
0x63: {  	v4, _, _ =	vpop (xrf0)  }
0x64: {  	(v2sf) =	vpush v4, $0xF;
	_ =	sdelay $0x5  }
0x65: {  	v62 =	vld.idx.msk [tilespmem:v3+s2+$0x0], $0xffff  }
0x66: {  	v63 =	vld.idx.msk [tilespmem:v2+s11+$0x0], $0xffff;
	_ =	sdelay $0x4  }
0x67: {  	v4 =	vmax.bf16 v62, v63  }
0x68: {  	[tilespmem:v2+s11+$0x0] =	vst.idx.msk $0xffff, v4  }
0x69: {  	v3 =	vld.idx.msk [tilespmem:v3+s12+$0x0], $0xffff  }
0x6a: {  	v4 =	vld.idx.msk [tilespmem:v2+s13+$0x0], $0xffff;
	s21 =	spop (v2sf)  }
0x6b: {  	p0 =	sgt.f32 s21, $0.0e+00  }
.Ltmp6:
0x6c: {  	_ = 	snop;
	(pc) =	sbr.rel @!p0 .LBB2_20-.Ltmp6, $3  }
0x6d: {  	_ =	sdelay $0x1  }
0x6e: {  	v3 =	vmax.bf16 v3, v4  }
0x6f: {  	[tilespmem:v2+s13+$0x0] =	vst.idx.msk $0xffff, v3  }
0x70: {  	v3 =	vld [tilespmem:s20+$0x9E00]  }
0x71: {  	v2 =	vld [tilespmem:s20+$0x11E00];
	_ =	sdelay $0x6  }
0x72: {  	v4 =	vld.idx.msk [tilespmem:v3+s2+$0x0], $0xffff  }
0x73: {  	v5 =	vld.idx.msk [tilespmem:v2+s11+$0x0], $0xffff;
	_ =	sdelay $0x4  }
0x74: {  	v6 =	vmax.bf16 v4, v5  }
0x75: {  	vm0 =	vne.s32 v5, v6  }
0x76: {  	v5 =	vsel vm0, $0x3F800000, v1  }
0x77: {  	(xrf0) =	vmax.scan.msk.f32 $0xffff, v5;
	_ =	sdelay $0x5  }
0x78: {  	v5, _, _ =	vpop (xrf0)  }
0x79: {  	(v2sf) =	vpush v5, $0xF;
	_ =	sdelay $0xe  }
0x7a: {  	s21 =	spop (v2sf)  }
0x7b: {  	p0 =	sgt.f32 s21, $0.0e+00  }
.Ltmp7:
0x7c: {  	_ = 	snop;
	(pc) =	sbr.rel @!p0 .LBB2_6-.Ltmp7, $1  }
0x7d: {  	_ =	sdelay $0x3  }
.LBB2_5:
0x7e: {  	v5 =	vld.idx.msk [tilespmem:v2+s11+$0x0], $0xffff;
	_ =	sdelay $0x4  }
0x7f: {  	v5 =	vmax.bf16 v4, v5  }
0x80: {  	[tilespmem:v2+s11+$0x0] =	vst.idx.msk vm0, v5  }
0x81: {  	v5 =	vld.idx.msk [tilespmem:v2+s11+$0x0], $0xffff;
	_ =	sdelay $0x4  }
0x82: {  	v6 =	vmax.bf16 v4, v5  }
0x83: {  	vm0 =	vne.s32 v5, v6  }
0x84: {  	v5 =	vsel vm0, $0x3F800000, v1  }
0x85: {  	(xrf0) =	vmax.scan.msk.f32 $0xffff, v5;
	_ =	sdelay $0x5  }
0x86: {  	v5, _, _ =	vpop (xrf0)  }
0x87: {  	(v2sf) =	vpush v5, $0xF;
	_ =	sdelay $0xe  }
0x88: {  	s21 =	spop (v2sf)  }
0x89: {  	p0 =	sgt.f32 s21, $0.0e+00  }
.Ltmp8:
0x8a: {  	_ = 	snop;
	(pc) =	sbr.rel @p0 .LBB2_5-.Ltmp8, $1  }
0x8b: {  	_ =	sdelay $0x3  }
.LBB2_6:
0x8c: {  	_ =	sdelay $0x3  }
0x8d: {  	v3 =	vld.idx.msk [tilespmem:v3+s12+$0x0], $0xffff  }
0x8e: {  	v4 =	vld.idx.msk [tilespmem:v2+s13+$0x0], $0xffff;
	_ =	sdelay $0x4  }
0x8f: {  	v5 =	vmax.bf16 v3, v4  }
0x90: {  	vm0 =	vne.s32 v4, v5  }
0x91: {  	v4 =	vsel vm0, $0x3F800000, v1  }
0x92: {  	(xrf0) =	vmax.scan.msk.f32 $0xffff, v4;
	_ =	sdelay $0x5  }
0x93: {  	v4, _, _ =	vpop (xrf0)  }
0x94: {  	(v2sf) =	vpush v4, $0xF;
	_ =	sdelay $0xe  }
0x95: {  	s21 =	spop (v2sf)  }
0x96: {  	p0 =	sgt.f32 s21, $0.0e+00  }
.Ltmp9:
0x97: {  	_ = 	snop;
	(pc) =	sbr.rel @!p0 .LBB2_8-.Ltmp9, $1  }
0x98: {  	_ =	sdelay $0x3  }
.LBB2_7:
0x99: {  	v4 =	vld.idx.msk [tilespmem:v2+s13+$0x0], $0xffff;
	_ =	sdelay $0x4  }
0x9a: {  	v4 =	vmax.bf16 v3, v4  }
0x9b: {  	[tilespmem:v2+s13+$0x0] =	vst.idx.msk vm0, v4  }
0x9c: {  	v4 =	vld.idx.msk [tilespmem:v2+s13+$0x0], $0xffff;
	_ =	sdelay $0x4  }
0x9d: {  	v5 =	vmax.bf16 v3, v4  }
0x9e: {  	vm0 =	vne.s32 v4, v5  }
0x9f: {  	v4 =	vsel vm0, $0x3F800000, v1  }
0xa0: {  	(xrf0) =	vmax.scan.msk.f32 $0xffff, v4;
	_ =	sdelay $0x5  }
0xa1: {  	v4, _, _ =	vpop (xrf0)  }
0xa2: {  	(v2sf) =	vpush v4, $0xF;
	_ =	sdelay $0xe  }
0xa3: {  	s21 =	spop (v2sf)  }
0xa4: {  	p0 =	sgt.f32 s21, $0.0e+00  }
.Ltmp10:
0xa5: {  	_ = 	snop;
	(pc) =	sbr.rel @p0 .LBB2_7-.Ltmp10, $1  }
0xa6: {  	_ =	sdelay $0x3  }
.LBB2_8:
0xa7: {  	s21 =	sor.u32 $0x10, s20  }
0xa8: {  	v3 =	vld [tilespmem:s21+$0x9E00]  }
0xa9: {  	v2 =	vld [tilespmem:s21+$0x11E00];
	_ =	sdelay $0x6  }
0xaa: {  	v4 =	vld.idx.msk [tilespmem:v3+s2+$0x0], $0xffff  }
0xab: {  	v5 =	vld.idx.msk [tilespmem:v2+s11+$0x0], $0xffff;
	_ =	sdelay $0x4  }
0xac: {  	v6 =	vmax.bf16 v4, v5  }
0xad: {  	vm0 =	vne.s32 v5, v6  }
0xae: {  	v5 =	vsel vm0, $0x3F800000, v1  }
0xaf: {  	(xrf0) =	vmax.scan.msk.f32 $0xffff, v5;
	_ =	sdelay $0x5  }
0xb0: {  	v5, _, _ =	vpop (xrf0)  }
0xb1: {  	(v2sf) =	vpush v5, $0xF;
	_ =	sdelay $0xe  }
0xb2: {  	s31 =	spop (v2sf)  }
0xb3: {  	p0 =	sgt.f32 s31, $0.0e+00  }
.Ltmp11:
0xb4: {  	_ = 	snop;
	(pc) =	sbr.rel @!p0 .LBB2_10-.Ltmp11, $1  }
0xb5: {  	_ =	sdelay $0x3  }
.LBB2_9:
0xb6: {  	v5 =	vld.idx.msk [tilespmem:v2+s11+$0x0], $0xffff;
	_ =	sdelay $0x4  }
0xb7: {  	v5 =	vmax.bf16 v4, v5  }
0xb8: {  	[tilespmem:v2+s11+$0x0] =	vst.idx.msk vm0, v5  }
0xb9: {  	v5 =	vld.idx.msk [tilespmem:v2+s11+$0x0], $0xffff;
	_ =	sdelay $0x4  }
0xba: {  	v6 =	vmax.bf16 v4, v5  }
0xbb: {  	vm0 =	vne.s32 v5, v6  }
0xbc: {  	v5 =	vsel vm0, $0x3F800000, v1  }
0xbd: {  	(xrf0) =	vmax.scan.msk.f32 $0xffff, v5;
	_ =	sdelay $0x5  }
0xbe: {  	v5, _, _ =	vpop (xrf0)  }
0xbf: {  	(v2sf) =	vpush v5, $0xF;
	_ =	sdelay $0xe  }
0xc0: {  	s21 =	spop (v2sf)  }
0xc1: {  	p0 =	sgt.f32 s21, $0.0e+00  }
.Ltmp12:
0xc2: {  	_ = 	snop;
	(pc) =	sbr.rel @p0 .LBB2_9-.Ltmp12, $1  }
0xc3: {  	_ =	sdelay $0x3  }
.LBB2_10:
0xc4: {  	_ =	sdelay $0x3  }
0xc5: {  	v3 =	vld.idx.msk [tilespmem:v3+s12+$0x0], $0xffff  }
0xc6: {  	v4 =	vld.idx.msk [tilespmem:v2+s13+$0x0], $0xffff;
	_ =	sdelay $0x4  }
0xc7: {  	v5 =	vmax.bf16 v3, v4  }
0xc8: {  	vm0 =	vne.s32 v4, v5  }
0xc9: {  	v4 =	vsel vm0, $0x3F800000, v1  }
0xca: {  	(xrf0) =	vmax.scan.msk.f32 $0xffff, v4;
	_ =	sdelay $0x5  }
0xcb: {  	v4, _, _ =	vpop (xrf0)  }
0xcc: {  	(v2sf) =	vpush v4, $0xF;
	_ =	sdelay $0xe  }
0xcd: {  	s21 =	spop (v2sf)  }
0xce: {  	p0 =	sgt.f32 s21, $0.0e+00  }
.Ltmp13:
0xcf: {  	_ = 	snop;
	(pc) =	sbr.rel @!p0 .LBB2_12-.Ltmp13, $1  }
0xd0: {  	_ =	sdelay $0x3  }
.LBB2_11:
0xd1: {  	v4 =	vld.idx.msk [tilespmem:v2+s13+$0x0], $0xffff;
	_ =	sdelay $0x4  }
0xd2: {  	v4 =	vmax.bf16 v3, v4  }
0xd3: {  	[tilespmem:v2+s13+$0x0] =	vst.idx.msk vm0, v4  }
0xd4: {  	v4 =	vld.idx.msk [tilespmem:v2+s13+$0x0], $0xffff;
	_ =	sdelay $0x4  }
0xd5: {  	v5 =	vmax.bf16 v3, v4  }
0xd6: {  	vm0 =	vne.s32 v4, v5  }
0xd7: {  	v4 =	vsel vm0, $0x3F800000, v1  }
0xd8: {  	(xrf0) =	vmax.scan.msk.f32 $0xffff, v4;
	_ =	sdelay $0x5  }
0xd9: {  	v4, _, _ =	vpop (xrf0)  }
0xda: {  	(v2sf) =	vpush v4, $0xF;
	_ =	sdelay $0xe  }
0xdb: {  	s21 =	spop (v2sf)  }
0xdc: {  	p0 =	sgt.f32 s21, $0.0e+00  }
.Ltmp14:
0xdd: {  	_ = 	snop;
	(pc) =	sbr.rel @p0 .LBB2_11-.Ltmp14, $1  }
0xde: {  	_ =	sdelay $0x3  }
.LBB2_12:
0xdf: {  	s21 =	sor.u32 $0x20, s20  }
0xe0: {  	v3 =	vld [tilespmem:s21+$0x9E00]  }
0xe1: {  	v2 =	vld [tilespmem:s21+$0x11E00];
	_ =	sdelay $0x6  }
0xe2: {  	v4 =	vld.idx.msk [tilespmem:v3+s2+$0x0], $0xffff  }
0xe3: {  	v5 =	vld.idx.msk [tilespmem:v2+s11+$0x0], $0xffff;
	_ =	sdelay $0x4  }
0xe4: {  	v6 =	vmax.bf16 v4, v5  }
0xe5: {  	vm0 =	vne.s32 v5, v6  }
0xe6: {  	v5 =	vsel vm0, $0x3F800000, v1  }
0xe7: {  	(xrf0) =	vmax.scan.msk.f32 $0xffff, v5;
	_ =	sdelay $0x5  }
0xe8: {  	v5, _, _ =	vpop (xrf0)  }
0xe9: {  	(v2sf) =	vpush v5, $0xF;
	_ =	sdelay $0xe  }
0xea: {  	s31 =	spop (v2sf)  }
0xeb: {  	p0 =	sgt.f32 s31, $0.0e+00  }
.Ltmp15:
0xec: {  	_ = 	snop;
	(pc) =	sbr.rel @!p0 .LBB2_14-.Ltmp15, $1  }
0xed: {  	_ =	sdelay $0x3  }
.LBB2_13:
0xee: {  	v5 =	vld.idx.msk [tilespmem:v2+s11+$0x0], $0xffff;
	_ =	sdelay $0x4  }
0xef: {  	v5 =	vmax.bf16 v4, v5  }
0xf0: {  	[tilespmem:v2+s11+$0x0] =	vst.idx.msk vm0, v5  }
0xf1: {  	v5 =	vld.idx.msk [tilespmem:v2+s11+$0x0], $0xffff;
	_ =	sdelay $0x4  }
0xf2: {  	v6 =	vmax.bf16 v4, v5  }
0xf3: {  	vm0 =	vne.s32 v5, v6  }
0xf4: {  	v5 =	vsel vm0, $0x3F800000, v1  }
0xf5: {  	(xrf0) =	vmax.scan.msk.f32 $0xffff, v5;
	_ =	sdelay $0x5  }
0xf6: {  	v5, _, _ =	vpop (xrf0)  }
0xf7: {  	(v2sf) =	vpush v5, $0xF;
	_ =	sdelay $0xe  }
0xf8: {  	s21 =	spop (v2sf)  }
0xf9: {  	p0 =	sgt.f32 s21, $0.0e+00  }
.Ltmp16:
0xfa: {  	_ = 	snop;
	(pc) =	sbr.rel @p0 .LBB2_13-.Ltmp16, $1  }
0xfb: {  	_ =	sdelay $0x3  }
.LBB2_14:
0xfc: {  	_ =	sdelay $0x3  }
0xfd: {  	v3 =	vld.idx.msk [tilespmem:v3+s12+$0x0], $0xffff  }
0xfe: {  	v4 =	vld.idx.msk [tilespmem:v2+s13+$0x0], $0xffff;
	_ =	sdelay $0x4  }
0xff: {  	v5 =	vmax.bf16 v3, v4  }
0x100: {  	vm0 =	vne.s32 v4, v5  }
0x101: {  	v4 =	vsel vm0, $0x3F800000, v1  }
0x102: {  	(xrf0) =	vmax.scan.msk.f32 $0xffff, v4;
	_ =	sdelay $0x5  }
0x103: {  	v4, _, _ =	vpop (xrf0)  }
0x104: {  	(v2sf) =	vpush v4, $0xF;
	_ =	sdelay $0xe  }
0x105: {  	s21 =	spop (v2sf)  }
0x106: {  	p0 =	sgt.f32 s21, $0.0e+00  }
.Ltmp17:
0x107: {  	_ = 	snop;
	(pc) =	sbr.rel @!p0 .LBB2_16-.Ltmp17, $1  }
0x108: {  	_ =	sdelay $0x3  }
.LBB2_15:
0x109: {  	v4 =	vld.idx.msk [tilespmem:v2+s13+$0x0], $0xffff;
	_ =	sdelay $0x4  }
0x10a: {  	v4 =	vmax.bf16 v3, v4  }
0x10b: {  	[tilespmem:v2+s13+$0x0] =	vst.idx.msk vm0, v4  }
0x10c: {  	v4 =	vld.idx.msk [tilespmem:v2+s13+$0x0], $0xffff;
	_ =	sdelay $0x4  }
0x10d: {  	v5 =	vmax.bf16 v3, v4  }
0x10e: {  	vm0 =	vne.s32 v4, v5  }
0x10f: {  	v4 =	vsel vm0, $0x3F800000, v1  }
0x110: {  	(xrf0) =	vmax.scan.msk.f32 $0xffff, v4;
	_ =	sdelay $0x5  }
0x111: {  	v4, _, _ =	vpop (xrf0)  }
0x112: {  	(v2sf) =	vpush v4, $0xF;
	_ =	sdelay $0xe  }
0x113: {  	s21 =	spop (v2sf)  }
0x114: {  	p0 =	sgt.f32 s21, $0.0e+00  }
.Ltmp18:
0x115: {  	_ = 	snop;
	(pc) =	sbr.rel @p0 .LBB2_15-.Ltmp18, $1  }
0x116: {  	_ =	sdelay $0x3  }
.LBB2_16:
0x117: {  	s20 =	sor.u32 $0x30, s20  }
0x118: {  	v3 =	vld [tilespmem:s20+$0x9E00]  }
0x119: {  	v2 =	vld [tilespmem:s20+$0x11E00];
	_ =	sdelay $0x6  }
0x11a: {  	v4 =	vld.idx.msk [tilespmem:v3+s2+$0x0], $0xffff  }
0x11b: {  	v5 =	vld.idx.msk [tilespmem:v2+s11+$0x0], $0xffff;
	_ =	sdelay $0x4  }
0x11c: {  	v6 =	vmax.bf16 v4, v5  }
0x11d: {  	vm0 =	vne.s32 v5, v6  }
0x11e: {  	v5 =	vsel vm0, $0x3F800000, v1  }
0x11f: {  	(xrf0) =	vmax.scan.msk.f32 $0xffff, v5;
	_ =	sdelay $0x5  }
0x120: {  	v5, _, _ =	vpop (xrf0)  }
0x121: {  	(v2sf) =	vpush v5, $0xF;
	_ =	sdelay $0xe  }
0x122: {  	s31 =	spop (v2sf)  }
0x123: {  	p0 =	sgt.f32 s31, $0.0e+00  }
.Ltmp19:
0x124: {  	_ = 	snop;
	(pc) =	sbr.rel @!p0 .LBB2_18-.Ltmp19, $1  }
0x125: {  	_ =	sdelay $0x3  }
.LBB2_17:
0x126: {  	v5 =	vld.idx.msk [tilespmem:v2+s11+$0x0], $0xffff;
	_ =	sdelay $0x4  }
0x127: {  	v5 =	vmax.bf16 v4, v5  }
0x128: {  	[tilespmem:v2+s11+$0x0] =	vst.idx.msk vm0, v5  }
0x129: {  	v5 =	vld.idx.msk [tilespmem:v2+s11+$0x0], $0xffff;
	_ =	sdelay $0x4  }
0x12a: {  	v6 =	vmax.bf16 v4, v5  }
0x12b: {  	vm0 =	vne.s32 v5, v6  }
0x12c: {  	v5 =	vsel vm0, $0x3F800000, v1  }
0x12d: {  	(xrf0) =	vmax.scan.msk.f32 $0xffff, v5;
	_ =	sdelay $0x5  }
0x12e: {  	v5, _, _ =	vpop (xrf0)  }
0x12f: {  	(v2sf) =	vpush v5, $0xF;
	_ =	sdelay $0xe  }
0x130: {  	s20 =	spop (v2sf)  }
0x131: {  	p0 =	sgt.f32 s20, $0.0e+00  }
.Ltmp20:
0x132: {  	_ = 	snop;
	(pc) =	sbr.rel @p0 .LBB2_17-.Ltmp20, $1  }
0x133: {  	_ =	sdelay $0x3  }
.LBB2_18:
0x134: {  	_ =	sdelay $0x3  }
0x135: {  	v3 =	vld.idx.msk [tilespmem:v3+s12+$0x0], $0xffff  }
0x136: {  	v4 =	vld.idx.msk [tilespmem:v2+s13+$0x0], $0xffff;
	_ =	sdelay $0x4  }
0x137: {  	v5 =	vmax.bf16 v3, v4  }
0x138: {  	vm0 =	vne.s32 v4, v5  }
0x139: {  	v4 =	vsel vm0, $0x3F800000, v1  }
0x13a: {  	(xrf0) =	vmax.scan.msk.f32 $0xffff, v4;
	_ =	sdelay $0x5  }
0x13b: {  	v4, _, _ =	vpop (xrf0)  }
0x13c: {  	(v2sf) =	vpush v4, $0xF;
	_ =	sdelay $0xe  }
0x13d: {  	s20 =	spop (v2sf)  }
0x13e: {  	p0 =	sgt.f32 s20, $0.0e+00  }
.Ltmp21:
0x13f: {  	_ = 	snop;
	(pc) =	sbr.rel @!p0 .LBB2_20-.Ltmp21, $1  }
0x140: {  	_ =	sdelay $0x3  }
.LBB2_19:
0x141: {  	v4 =	vld.idx.msk [tilespmem:v2+s13+$0x0], $0xffff;
	_ =	sdelay $0x4  }
0x142: {  	v4 =	vmax.bf16 v3, v4  }
0x143: {  	[tilespmem:v2+s13+$0x0] =	vst.idx.msk vm0, v4  }
0x144: {  	v4 =	vld.idx.msk [tilespmem:v2+s13+$0x0], $0xffff;
	_ =	sdelay $0x4  }
0x145: {  	v5 =	vmax.bf16 v3, v4  }
0x146: {  	vm0 =	vne.s32 v4, v5  }
0x147: {  	v4 =	vsel vm0, $0x3F800000, v1  }
0x148: {  	(xrf0) =	vmax.scan.msk.f32 $0xffff, v4;
	_ =	sdelay $0x5  }
0x149: {  	v4, _, _ =	vpop (xrf0)  }
0x14a: {  	(v2sf) =	vpush v4, $0xF;
	_ =	sdelay $0xe  }
0x14b: {  	s20 =	spop (v2sf)  }
0x14c: {  	p0 =	sgt.f32 s20, $0.0e+00  }
.Ltmp22:
0x14d: {  	_ = 	snop;
	(pc) =	sbr.rel @p0 .LBB2_19-.Ltmp22, $1  }
0x14e: {  	_ =	sdelay $0x3  }
.Ltmp23:
0x14f: {  	_ = 	snop;
	(pc) =	sbr.rel .LBB2_20-.Ltmp23, $1  }
0x150: {  	_ =	sdelay $0x3  }
.LBB2_23:
0x151: {  	_ =	sfence.sel $0x180000  }
0x152: {  	[bflag:$0x0] =	sbarrier.arrive $0xFFFF  }
0x153: {  	p0 =	sne.s32 s1, $0x0;
	_ =	strace $0x9000004A  }
0x154: {  	s0 =	sadd.s32 @!p0 $0x100000, s0;
	[bflag:$0x2] =	sbarrier.arrive $0xFFFF  }
0x155: {  	[sflag:s0] =	ssyncadd.tile.s32 @!p0 $0x1;
	_ =	shalt  }
.Lfunc_end2:
_tile_overlayer_lowered:
.L_overlay_start_2:
0x156: {  	(tag) =	ssettag $0x2  }
0x157: {  	s0 =	rddreg [dreg:$0x0];
	s2 =	stileid.u32  }
0x158: {  	s1 =	rddreg [dreg:$0x1];
	p0 =	sne.s32 s2, $0x0  }
0x159: {  	s3 =	rddreg [dreg:$0x2];
	[bflag:$0x3] =	sbarrier.arrive $0xFFFF;
	s2 =	simm.s32 @!p0 $0x1C01  }
0x15a: {  	[timem:s3], [sflag:s2] =	dma.local @!p0 [hbm:s0], s1  }
0x15b: {  	s0 =	simm.s32 @!p0 $0x1  }
0x15c: {  	_ =	swait.ge @!p0 [sflag:s0], s1  }
0x15d: {  	s1 =	ssub.s32 @!p0 $0x0, s1;
	[sflag:s0] =	ssyncset.done @!p0 $0x0  }
0x15e: {  	[sflag:s0] =	ssyncadd.s32 @!p0 s1  }
0x15f: {  	[bflag:$0x3] =	sbarrier.arrive $0xFFFF  }
0x160: {  	_ =	shalt  }

// kernel: kernel.15.cloned.1.call-start
scs
__scs_entry_jumppad:
0x0: {  	(pc) =	sbr.rel $0x88, $3  }
0x1: {  	(tag) =	ssettag $0x0;
	lr =	simm.s32 $0x1  }
0x2: {  	[smem:$0x3F91] =	sst lr;
	_ =	strace $0xD0000000  }
0x3: {  	_ = 	snop  }
0x4: {  	_ = 	snop  }
0x5: {  	_ = 	snop  }
0x6: {  	_ = 	snop  }
0x7: {  	_ = 	snop  }
__scs_overlays_trampoline_lowered:
0x8: {  	[smem:$0x3FA0] =	sst s0  }
0x9: {  	[smem:$0x3FA1] =	sst s1  }
0xa: {  	[smem:$0x3FA2] =	sst s2  }
0xb: {  	[smem:$0x3FA3] =	sst s3  }
0xc: {  	[smem:$0x3FA4] =	sst s4  }
0xd: {  	[smem:$0x3FA5] =	sst s5  }
0xe: {  	[smem:$0x3FA6] =	sst s6  }
0xf: {  	[smem:$0x3FA7] =	sst s7  }
0x10: {  	[smem:$0x3FA8] =	sst s8  }
0x11: {  	[smem:$0x3FA9] =	sst s9;
	s0 =	simm.s32 @!p0 $0x0  }
0x12: {  	s1 =	sld [smem:$0x3F8F];
	s0 =	simm.s32 @p0 $0x1  }
0x13: {  	[smem:$0x3FAA] =	sst s0;
	s0 =	simm.s32 @!p1 $0x0  }
0x14: {  	s2 =	sld [smem:$0x3F8E];
	s0 =	simm.s32 @p1 $0x1  }
0x15: {  	[smem:$0x3FAB] =	sst s0;
	s0 =	simm.s32 @!p2 $0x0  }
0x16: {  	s3 =	sld [smem:$0x3FDB];
	s0 =	simm.s32 @p2 $0x1  }
0x17: {  	s4 =	simm.s32 $0x1BF5;
	[smem:$0x3FAD] =	sst s0  }
0x18: {  	s0 =	sld [smem:$0x3F90];
	_ =	swait.ge [sflag:s4], $0x0  }
0x19: {  	s7 =	sld [smem:$0x3F91]  }
0x1a: {  	s8 =	sadd.s32 $0xFFFFE003, lr  }
0x1b: {  	s9 =	sadd.s32 $0xFFFFFEF7, lr;
	s5 =	simm.s32 $0xFFFFFFFF;
	p2 =	slt.u32 s8, $0xFFFFF086  }
0x1c: {  	p1 =	slt.u32 s9, $0xF7A;
	s5 =	simm.s32 @!p2 $0x0  }
0x1d: {  	s5 =	simm.s32 @p1 $0x1;
	p0 =	seq.s32 s7, s2  }
0x1e: {  	s7 =	smul.u32 @!p0 $0xF7A, s2;
	p2 =	seq.s32 @!p0 s5, $0x0  }
0x1f: {  	s9 =	smul.u32 $0xF7A, s1;
	s8 =	simm.s32 @!p0 $0x1BF5;
	p2 =	por !p2, p0  }
0x20: {  	[sflag:s8] =	ssyncset.s32 @!p0 $0xFFFFF086;
	s6 =	sadd.s32 @!p0 s3, s7;
	s7 =	simm.s32 @!p0 $0x108  }
0x21: {  	s3 =	sadd.s32 s3, s9;
	s6 =	sadd.s32 @!p0 $0x88, s6;
	s7 =	simm.s32 @p2 $0x1082  }
0x22: {  	[simem:s7], [sflag:s8] =	dma.local @!p0 [hbm:s6], $0xF7A  }
0x23: {  	s9 =	sor.u32 $0xD0000000, s2;
	s6 =	simm.s32 $0x108;
	_ =	swait.ge @!p0 [sflag:s8], $0x0  }
0x24: {  	s3 =	sadd.s32 $0x88, s3;
	s6 =	simm.s32 @!p1 $0x1082;
	[sflag:s4] =	ssyncset.s32 $0xFFFFF086  }
0x25: {  	[simem:s6], [sflag:s4] =	dma.local [hbm:s3], $0xF7A  }
0x26: {  	[smem:$0x3F91] =	sst s1;
	(tag) =	ssettag s2;
	_ =	strace s9  }
0x27: {  	s1 =	sld [smem:$0x3FA1]  }
0x28: {  	s2 =	sld [smem:$0x3FA2]  }
0x29: {  	s4 =	sld [smem:$0x3FA4]  }
0x2a: {  	p0 =	seq.s32 s5, $0x0;
	s5 =	sld [smem:$0x3FA5]  }
0x2b: {  	s6 =	sld [smem:$0x3FA6]  }
0x2c: {  	s7 =	sld [smem:$0x3FA7]  }
0x2d: {  	s3 =	simm.s32 $0x108;
	s8 =	sld [smem:$0x3FA8]  }
0x2e: {  	s3 =	simm.s32 @!p0 $0x1082;
	s9 =	sld [smem:$0x3FA9]  }
0x2f: {  	lr =	sadd.s32 s0, s3;
	s0 =	sld [smem:$0x3FA0]  }
0x30: {  	s3 =	sld [smem:$0x3FA3]  }
0x31: {  	[smem:$0x3FAC] =	sst s10  }
0x32: {  	s10 =	sld [smem:$0x3FAA];
	_ =	sdelay $0x3  }
0x33: {  	p0 =	seq.s32 s10, $0x1;
	s10 =	sld [smem:$0x3FAC];
	_ =	sdelay $0x3  }
0x34: {  	[smem:$0x3FAC] =	sst s10  }
0x35: {  	s10 =	sld [smem:$0x3FAB];
	_ =	sdelay $0x3  }
0x36: {  	p1 =	seq.s32 s10, $0x1;
	s10 =	sld [smem:$0x3FAC];
	_ =	sdelay $0x3  }
0x37: {  	[smem:$0x3FAC] =	sst s10  }
0x38: {  	s10 =	sld [smem:$0x3FAD]  }
0x39: {  	_ = 	snop;
	(pc) =	sbr.ind lr, $3  }
0x3a: {  	_ = 	snop  }
0x3b: {  	_ = 	snop  }
0x3c: {  	p2 =	seq.s32 s10, $0x1;
	s10 =	sld [smem:$0x3FAC]  }
0x3d: {  	_ =	shalt  }
0x3e: {  	_ =	shalt  }
0x3f: {  	_ =	shalt  }
0x40: {  	_ =	shalt  }
0x41: {  	_ =	shalt  }
0x42: {  	_ =	shalt  }
0x43: {  	_ =	shalt  }
0x44: {  	_ =	shalt  }
0x45: {  	_ =	shalt  }
0x46: {  	_ =	shalt  }
0x47: {  	_ =	shalt  }
0x48: {  	_ =	shalt  }
0x49: {  	_ =	shalt  }
0x4a: {  	_ =	shalt  }
0x4b: {  	_ =	shalt  }
0x4c: {  	_ =	shalt  }
0x4d: {  	_ =	shalt  }
0x4e: {  	_ =	shalt  }
0x4f: {  	_ =	shalt  }
0x50: {  	_ =	shalt  }
0x51: {  	_ =	shalt  }
0x52: {  	_ =	shalt  }
0x53: {  	_ =	shalt  }
0x54: {  	_ =	shalt  }
0x55: {  	_ =	shalt  }
0x56: {  	_ =	shalt  }
0x57: {  	_ =	shalt  }
0x58: {  	_ =	shalt  }
0x59: {  	_ =	shalt  }
0x5a: {  	_ =	shalt  }
0x5b: {  	_ =	shalt  }
0x5c: {  	_ =	shalt  }
0x5d: {  	_ =	shalt  }
0x5e: {  	_ =	shalt  }
0x5f: {  	_ =	shalt  }
0x60: {  	_ =	shalt  }
0x61: {  	_ =	shalt  }
0x62: {  	_ =	shalt  }
0x63: {  	_ =	shalt  }
0x64: {  	_ =	shalt  }
0x65: {  	_ =	shalt  }
0x66: {  	_ =	shalt  }
0x67: {  	_ =	shalt  }
0x68: {  	_ =	shalt  }
0x69: {  	_ =	shalt  }
0x6a: {  	_ =	shalt  }
0x6b: {  	_ =	shalt  }
0x6c: {  	_ =	shalt  }
0x6d: {  	_ =	shalt  }
0x6e: {  	_ =	shalt  }
0x6f: {  	_ =	shalt  }
0x70: {  	_ =	shalt  }
0x71: {  	_ =	shalt  }
0x72: {  	_ =	shalt  }
0x73: {  	_ =	shalt  }
0x74: {  	_ =	shalt  }
0x75: {  	_ =	shalt  }
0x76: {  	_ =	shalt  }
0x77: {  	_ =	shalt  }
0x78: {  	_ =	shalt  }
0x79: {  	_ =	shalt  }
0x7a: {  	_ =	shalt  }
0x7b: {  	_ =	shalt  }
0x7c: {  	_ =	shalt  }
0x7d: {  	_ =	shalt  }
0x7e: {  	_ =	shalt  }
0x7f: {  	_ =	shalt  }
0x80: {  	_ =	shalt  }
0x81: {  	_ =	shalt  }
0x82: {  	_ =	shalt  }
0x83: {  	_ =	shalt  }
0x84: {  	_ =	shalt  }
0x85: {  	_ =	shalt  }
0x86: {  	_ =	shalt  }
0x87: {  	_ =	shalt  }
.Lfunc_end0:
.L_simem_size_0:
called_computation.2_lowered:
.L_overlay_start_0:
0x88: {  	s2 =	sld [smem:$0x3FD9]  }
0x89: {  	s3 =	sld [smem:$0x3FFE];
	_ =	sdelay $0x1  }
0x8a: {  	s1 =	srdreg.scid  }
0x8b: {  	s0 =	sand.u32 $0x1, s1  }
0x8c: {  	s14 =	sshll.u32 s0, $0xA;
	s2 =	sadd.s32 s3, s2  }
0x8d: {  	s2 =	sadd.s32 s2, s14  }
0x8e: {  	[smem:$0x3FB8] =	sst s2  }
0x8f: {  	_ = 	snop  }
0x90: {  	s2 =	sld [smem:$0x3FD0];
	_ =	sdelay $0x2  }
0x91: {  	s15 =	simm.s32 $0xA;
	s4 =	simm.s32 $0x10  }
0x92: {  	[smem:s4], [sflag:s15] =	dma.local [hbm:s2], $0x1  }
0x93: {  	_ =	swait.eq [sflag:s15], $0x1  }
0x94: {  	[sflag:s15] =	ssyncset.done $0x0  }
0x95: {  	[sflag:s15] =	ssyncadd.s32 $0xFFFFFFFF  }
0x96: {  	s16 =	sld [smem:$0x10];
	(tm) =	ssettm $0x1  }
0x97: {  	s17 =	sld [smem:$0x3FFB];
	_ =	sdelay $0x3  }
0x98: {  	_ =	strace s17  }
0x99: {  	s3 =	sld [smem:$0x3FFC];
	_ =	sdelay $0x3  }
0x9a: {  	_ =	strace s3  }
0x9b: {  	s3 =	sld [smem:$0x3FFD];
	_ =	sdelay $0x3  }
0x9c: {  	_ =	strace s3  }
0x9d: {  	_ =	strace $0x8FFFFFFF  }
0x9e: {  	s18 =	sld [smem:$0x3FDB];
	_ =	sdelay $0x1  }
0x9f: {  	s19 =	simm.s32 $_scs_section_size  }
0xa0: {  	s5 =	simm.s32 $_size__tile_overlayer_lowered;
	s6 =	simm.s32 $_tile_overlayer_lowered  }
0xa1: {  	s22 =	simm.s32 $0x1BFF;
	s21 =	sshll.u32 s6, $0x1;
	s3 =	sadd.s32 s19, s18  }
0xa2: {  	s7 =	simm.s32 $0x0;
	s20 =	sshll.u32 s5, $0x1;
	s5 =	sadd.s32 s21, s3  }
0xa3: {  	[timem:s7], [sflag:s22] =	dma.local [hbm:s5], s20  }
0xa4: {  	_ =	swait.ge [sflag:s22], s20  }
0xa5: {  	s4 =	ssub.s32 $0x0, s20;
	[sflag:s22] =	ssyncset.done $0x0  }
0xa6: {  	[sflag:s22] =	ssyncadd.s32 s4;
	_ =	sdelay $0x1  }
0xa7: {  	s23 =	simm.s32 $0x1B8B  }
0xa8: {  	_ =	swait.ge [sflag:s23], $0x1  }
0xa9: {  	[sflag:s23] =	ssyncset.done $0x0  }
0xaa: {  	s25 =	simm.s32 $0x1B8E;
	s24 =	sld [smem:$0x3FFE];
	[sflag:s23] =	ssyncadd.s32 $0xFFFFFFFF  }
0xab: {  	s26 =	simm.s32 $execute0_lowered;
	[smem:$0x3FD2] =	sst s25  }
0xac: {  	s5 =	sshll.u32 s26, $0x1;
	_ =	strace $0x8000004C;
	[dreg:$0x1] =	wrdreg $0xFFFFFFFF  }
0xad: {  	s28 =	simm.s32 $_size_execute0_lowered;
	s3 =	sadd.s32 s3, s5;
	[dreg:$0x0] =	wrdreg $0x0  }
0xae: {  	s5 =	sshll.u32 s28, $0x1;
	[dreg:$0x2] =	wrdreg s3  }
0xaf: {  	[dreg:$0x3] =	wrdreg s5  }
0xb0: {  	[dreg:$0x4] =	wrdreg $0xC0  }
0xb1: {  	_ =	task [dreg:s7], $0x5FFFF  }
0xb2: {  	[dreg:$0x1] =	wrdreg $0xFFFFFFFF  }
0xb3: {  	[dreg:$0x0] =	wrdreg $0x60  }
0xb4: {  	[dreg:$0x2] =	wrdreg s16  }
0xb5: {  	[dreg:$0x3] =	wrdreg s24  }
0xb6: {  	[dreg:$0x4] =	wrdreg $0x9  }
0xb7: {  	_ =	task.clear_ibuf [dreg:s7], $0x5FFFF;
	_ =	strace $0x9000004C  }
0xb8: {  	s29 =	simm.s32 $0x9;
	_ =	strace $0x8000004E  }
0xb9: {  	_ =	swait.ge [sflag:s29], $0x1  }
0xba: {  	[sflag:s29] =	ssyncadd.s32 $0xFFFFFFFF  }
0xbb: {  	_ =	strace $0x9000004E  }
0xbc: {  	_ =	sfence  }
0xbd: {  	s30 =	sld [smem:$0x0];
	_ =	sdelay $0x2  }
0xbe: {  	s31 =	sshll.u32 s1, $0xD;
	s1 =	sshrl.u32 s1, $0x2  }
0xbf: {  	s3 =	sand.u32 $0x4000, s31;
	s1 =	sadd.s32 s1, s30  }
0xc0: {  	s0 =	sor.u32 s3, s0;
	s1 =	sshll.u32 s1, $0x11  }
0xc1: {  	s0 =	sor.u32 s1, s0  }
0xc2: {  	s0 =	sadd.s32 $0x8F2B, s0  }
0xc3: {  	[sflag:s0] =	ssyncadd.remote.s32 $0x1  }
0xc4: {  	_ =	sfence.sel $0xFFFF  }
0xc5: {  	[dreg:$0x0] =	wrdreg $0xFFFFFFFF;
	(pc) =	sbr.abs _section_cstart, $3  }
0xc6: {  	[dreg:$0x1] =	wrdreg $0xFFFFFFFF  }
0xc7: {  	_ =	task.clear_ibuf [dreg:s7], $0x2FFFF;
	_ =	strace $0x9FFFFFFF  }
0xc8: {  	(tm) =	ssettm $0x7FFFFFFF  }
0xc9: {  	_ =	shalt  }
tec
execute0_lowered:
.L_overlay_start_1:
0x0: {  	(tag) =	ssettag $0x1  }
0x1: {  	s6 =	rddreg [dreg:$0x0]  }
0x2: {  	s5 =	rddreg [dreg:$0x1]  }
0x3: {  	s0 =	rddreg [dreg:$0x2];
	s3 =	srdreg.scid  }
0x4: {  	s1 =	stileid.u32;
	s2 =	simm.s32 $0x0;
	s12 =	simm.s32 $0x2780  }
0x5: {  	s13 =	simm.s32 $0x7680;
	s14 =	simm.s32 $0x9E00;
	s15 =	simm.s32 $0x11E00  }
0x6: {  	s16 =	simm.s32 $0x19E00;
	s7 =	sand.u32 $0x1, s3;
	s30 =	sshll.u32 s1, $0x1  }
0x7: {  	s17 =	simm.s32 $0x0;
	[smem:$0x7FF] =	sst s2;
	s3 =	sor.u32 s7, s30  }
0x8: {  	s4 =	sadd.s32 $0x35200, s5;
	s9 =	sadd.s32 $0x66A00, s5;
	s8 =	smul.u32 $0x4E20, s3  }
.Ltmp0:
0x9: {  	_ =	strace $0x8000004D;
	s7 =	ssub.s32 $0x2, s7;
	(pc) =	sbr.rel .LBB2_1-.Ltmp0, $4  }
0xa: {  	s3 =	sadd.s32 $0x2B200, s5;
	s31 =	sshrl.u32 s7, $0x1;
	s8 =	sshrl.u32 s8, $0x3  }
0xb: {  	s10 =	ssub.s32 s7, s31;
	s5 =	sadd.s32 s6, s8;
	s11 =	sadd.s32 $0x4E2, s8  }
0xc: {  	s7 =	sadd.s32 s9, s8;
	s6 =	sadd.s32 s6, s11;
	s8 =	sadd.s32 s9, s11  }
0xd: {  	v0 =	vlaneseq.u32;
	v1 =	vimm.f32 $0.0e+00;
	s9 =	smax.u32 s10, $0x1;
	s10 =	simm.s32 $0x1;
	s11 =	simm.s32 $0x4F00  }
.LBB2_22:
0xe: {  	[hbm4b:s7+s2] =	stream.linear.scatter [tilespmem:s11], [sflag:$0x1], $0x2710, $0x38;
	[tilespmem:$0x1C580] =	vst v63  }
0xf: {  	s17 =	sadd.s32 $0x1, s17;
	_ =	swait.ge [sflag:s10], $0x2710  }
0x10: {  	p0 =	sne.s32 s17, s9;
	[sflag:s10] =	ssyncset.done $0x0  }
.Ltmp1:
0x11: {  	[sflag:s10] =	ssyncadd.s32 $0xFFFFD8F0;
	(pc) =	sbr.rel @!p0 .LBB2_23-.Ltmp1, $4  }
0x12: {  	[hbm4b:s8+s2] =	stream.linear.scatter [tilespmem:s13], [sflag:$0x1], $0x2710, $0x38;
	[tilespmem:$0x1C580] =	vst v63  }
0x13: {  	_ =	swait.ge [sflag:s10], $0x2710  }
0x14: {  	[sflag:s10] =	ssyncset.done $0x0  }
0x15: {  	[sflag:s10] =	ssyncadd.s32 $0xFFFFD8F0  }
.LBB2_1:
0x16: {  	[tilespmem:s2], [sflag:$0x1] =	stream.linear.gather [hbm4b:s5+s2], $0x2710, $0x38;
	[tilespmem:$0x1C580] =	vst v63  }
0x17: {  	_ =	swait.ge [sflag:s10], $0x2710  }
0x18: {  	[sflag:s10] =	ssyncset.done $0x0  }
0x19: {  	[sflag:s10] =	ssyncadd.s32 $0xFFFFD8F0  }
0x1a: {  	[tilespmem:s11], [sflag:$0x1] =	stream.linear.gather [hbm4b:s5+s2], $0x2710, $0x38;
	[tilespmem:$0x1C580] =	vst v63  }
0x1b: {  	_ =	swait.ge [sflag:s10], $0x2710  }
0x1c: {  	[sflag:s10] =	ssyncset.done $0x0  }
0x1d: {  	[sflag:s10] =	ssyncadd.s32 $0xFFFFD8F0  }
0x1e: {  	[tilespmem:s12], [sflag:$0x1] =	stream.linear.gather [hbm4b:s6+s2], $0x2710, $0x38;
	[tilespmem:$0x1C580] =	vst v63  }
0x1f: {  	_ =	swait.ge [sflag:s10], $0x2710  }
0x20: {  	[sflag:s10] =	ssyncset.done $0x0  }
.Ltmp2:
0x21: {  	[sflag:s10] =	ssyncadd.s32 $0xFFFFD8F0;
	(pc) =	sbr.rel .LBB2_2-.Ltmp2, $4  }
0x22: {  	[tilespmem:s13], [sflag:$0x1] =	stream.linear.gather [hbm4b:s6+s2], $0x2710, $0x38;
	[tilespmem:$0x1C580] =	vst v63  }
0x23: {  	_ =	swait.ge [sflag:s10], $0x2710  }
0x24: {  	[sflag:s10] =	ssyncset.done $0x0  }
0x25: {  	s18 =	simm.s32 $0x0;
	[sflag:s10] =	ssyncadd.s32 $0xFFFFD8F0  }
.LBB2_21:
0x26: {  	s18 =	sadd.s32 $0x1, s18  }
0x27: {  	p0 =	sne.s32 s18, $0xA  }
.Ltmp3:
0x28: {  	_ = 	snop;
	(pc) =	sbr.rel @!p0 .LBB2_22-.Ltmp3, $1  }
0x29: {  	_ =	sdelay $0x3  }
.LBB2_2:
0x2a: {  	s20 =	sshll.u32 s18, $0xC  }
0x2b: {  	s19 =	simm.s32 $0x0;
	s21 =	sadd.s32 s3, s20  }
0x2c: {  	[tilespmem:s14], [sflag:$0x1] =	stream.linear.gather [hbm4b:s21+s19], $0x8000, $0x38;
	[tilespmem:$0x1C580] =	vst v63  }
0x2d: {  	_ =	swait.ge [sflag:s10], $0x8000  }
0x2e: {  	[sflag:s10] =	ssyncset.done $0x0  }
.Ltmp4:
0x2f: {  	s20 =	sadd.s32 s4, s20;
	[sflag:s10] =	ssyncadd.s32 $0xFFFF8000;
	(pc) =	sbr.rel .LBB2_3-.Ltmp4, $4  }
0x30: {  	[tilespmem:s15], [sflag:$0x1] =	stream.linear.gather [hbm4b:s20+s19], $0x8000, $0x38;
	[tilespmem:$0x1C580] =	vst v63  }
0x31: {  	_ =	swait.ge [sflag:s10], $0x8000  }
0x32: {  	[sflag:s10] =	ssyncset.done $0x0  }
0x33: {  	[sflag:s10] =	ssyncadd.s32 $0xFFFF8000  }
.LBB2_20:
0x34: {  	s19 =	sadd.s32 $0x1, s19  }
0x35: {  	p0 =	sne.s32 s19, $0x200  }
.Ltmp5:
0x36: {  	_ = 	snop;
	(pc) =	sbr.rel @!p0 .LBB2_21-.Ltmp5, $1  }
0x37: {  	_ =	sdelay $0x3  }
.LBB2_3:
0x38: {  	s20 =	sshll.u32 s19, $0x6  }
0x39: {  	v2 =	vld [tilespmem:s20+$0x11E00]  }
0x3a: {  	v3 =	vld [tilespmem:s20+$0x9E00];
	_ =	sdelay $0x6  }
0x3b: {  	[tilespmem:v2+s16+$0x0] =	vst.idx.msk $0xffff, v0  }
0x3c: {  	v4 =	vld.idx.msk [tilespmem:v3+s2+$0x0], $0xffff  }
0x3d: {  	v5 =	vld.idx.msk [tilespmem:v2+s11+$0x0], $0xffff;
	_ =	sdelay $0x4  }
0x3e: {  	v4 =	vmax.bf16 v4, v5  }
0x3f: {  	v6 =	vld.idx.msk [tilespmem:v2+s16+$0x0], $0xffff;
	[tilespmem:v2+s11+$0x0] =	vst.idx.msk $0xffff, v4  }
0x40: {  	v3 =	vld.idx.msk [tilespmem:v3+s12+$0x0], $0xffff  }
0x41: {  	v4 =	vld.idx.msk [tilespmem:v2+s13+$0x0], $0xffff;
	_ =	sdelay $0x4  }
0x42: {  	v3 =	vmax.bf16 v3, v4  }
0x43: {  	[tilespmem:v2+s13+$0x0] =	vst.idx.msk $0xffff, v3  }
0x44: {  	v2 =	vld [tilespmem:s20+$0x11E10]  }
0x45: {  	v3 =	vld [tilespmem:s20+$0x9E10];
	_ =	sdelay $0x6  }
0x46: {  	[tilespmem:v2+s16+$0x0] =	vst.idx.msk $0xffff, v0  }
0x47: {  	v55 =	vld.idx.msk [tilespmem:v3+s2+$0x0], $0xffff  }
0x48: {  	v56 =	vld.idx.msk [tilespmem:v2+s11+$0x0], $0xffff;
	_ =	sdelay $0x4  }
0x49: {  	v4 =	vmax.bf16 v55, v56  }
0x4a: {  	v7 =	vld.idx.msk [tilespmem:v2+s16+$0x0], $0xffff;
	[tilespmem:v2+s11+$0x0] =	vst.idx.msk $0xffff, v4  }
0x4b: {  	v3 =	vld.idx.msk [tilespmem:v3+s12+$0x0], $0xffff  }
0x4c: {  	v4 =	vld.idx.msk [tilespmem:v2+s13+$0x0], $0xffff;
	_ =	sdelay $0x4  }
0x4d: {  	v3 =	vmax.bf16 v3, v4  }
0x4e: {  	[tilespmem:v2+s13+$0x0] =	vst.idx.msk $0xffff, v3  }
0x4f: {  	v2 =	vld [tilespmem:s20+$0x11E20]  }
0x50: {  	v3 =	vld [tilespmem:s20+$0x9E20];
	_ =	sdelay $0x6  }
0x51: {  	[tilespmem:v2+s16+$0x0] =	vst.idx.msk $0xffff, v0  }
0x52: {  	v57 =	vld.idx.msk [tilespmem:v3+s2+$0x0], $0xffff  }
0x53: {  	v58 =	vld.idx.msk [tilespmem:v2+s11+$0x0], $0xffff;
	_ =	sdelay $0x4  }
0x54: {  	v4 =	vmax.bf16 v57, v58  }
0x55: {  	v59 =	vld.idx.msk [tilespmem:v2+s16+$0x0], $0xffff;
	[tilespmem:v2+s11+$0x0] =	vst.idx.msk $0xffff, v4  }
0x56: {  	v3 =	vld.idx.msk [tilespmem:v3+s12+$0x0], $0xffff  }
0x57: {  	v4 =	vld.idx.msk [tilespmem:v2+s13+$0x0], $0xffff;
	_ =	sdelay $0x4  }
0x58: {  	v3 =	vmax.bf16 v3, v4  }
0x59: {  	[tilespmem:v2+s13+$0x0] =	vst.idx.msk $0xffff, v3  }
0x5a: {  	v2 =	vld [tilespmem:s20+$0x11E30];
	_ =	sdelay $0x7  }
0x5b: {  	v3 =	vld [tilespmem:s20+$0x9E30];
	[tilespmem:v2+s16+$0x0] =	vst.idx.msk $0xffff, v0  }
0x5c: {  	v60 =	vld.idx.msk [tilespmem:v2+s16+$0x0], $0xffff;
	_ =	sdelay $0x2  }
0x5d: {  	vm0 =	vne.s32 v6, v0;
	vm1 =	vne.s32 v7, v0  }
0x5e: {  	vm0 =	vmor vm0, vm1;
	vm14 =	vne.s32 v59, v0  }
0x5f: {  	vm0 =	vmor vm0, vm14;
	vm15 =	vne.s32 v60, v0  }
0x60: {  	vm0 =	vmor vm0, vm15  }
0x61: {  	v61 =	vsel vm0, $0x3F800000, v1  }
0x62: {  	(xrf0) =	vmax.scan.msk.f32 $0xffff, v61;
	_ =	sdelay $0x5  }
0x63: {  	v4, _, _ =	vpop (xrf0)  }
0x64: {  	(v2sf) =	vpush v4, $0xF;
	_ =	sdelay $0x5  }
0x65: {  	v62 =	vld.idx.msk [tilespmem:v3+s2+$0x0], $0xffff  }
0x66: {  	v63 =	vld.idx.msk [tilespmem:v2+s11+$0x0], $0xffff;
	_ =	sdelay $0x4  }
0x67: {  	v4 =	vmax.bf16 v62, v63  }
0x68: {  	[tilespmem:v2+s11+$0x0] =	vst.idx.msk $0xffff, v4  }
0x69: {  	v3 =	vld.idx.msk [tilespmem:v3+s12+$0x0], $0xffff  }
0x6a: {  	v4 =	vld.idx.msk [tilespmem:v2+s13+$0x0], $0xffff;
	s21 =	spop (v2sf)  }
0x6b: {  	p0 =	sgt.f32 s21, $0.0e+00  }
.Ltmp6:
0x6c: {  	_ = 	snop;
	(pc) =	sbr.rel @!p0 .LBB2_20-.Ltmp6, $3  }
0x6d: {  	_ =	sdelay $0x1  }
0x6e: {  	v3 =	vmax.bf16 v3, v4  }
0x6f: {  	[tilespmem:v2+s13+$0x0] =	vst.idx.msk $0xffff, v3  }
0x70: {  	v3 =	vld [tilespmem:s20+$0x9E00]  }
0x71: {  	v2 =	vld [tilespmem:s20+$0x11E00];
	_ =	sdelay $0x6  }
0x72: {  	v4 =	vld.idx.msk [tilespmem:v3+s2+$0x0], $0xffff  }
0x73: {  	v5 =	vld.idx.msk [tilespmem:v2+s11+$0x0], $0xffff;
	_ =	sdelay $0x4  }
0x74: {  	v6 =	vmax.bf16 v4, v5  }
0x75: {  	vm0 =	vne.s32 v5, v6  }
0x76: {  	v5 =	vsel vm0, $0x3F800000, v1  }
0x77: {  	(xrf0) =	vmax.scan.msk.f32 $0xffff, v5;
	_ =	sdelay $0x5  }
0x78: {  	v5, _, _ =	vpop (xrf0)  }
0x79: {  	(v2sf) =	vpush v5, $0xF;
	_ =	sdelay $0xe  }
0x7a: {  	s21 =	spop (v2sf)  }
0x7b: {  	p0 =	sgt.f32 s21, $0.0e+00  }
.Ltmp7:
0x7c: {  	_ = 	snop;
	(pc) =	sbr.rel @!p0 .LBB2_6-.Ltmp7, $1  }
0x7d: {  	_ =	sdelay $0x3  }
.LBB2_5:
0x7e: {  	v5 =	vld.idx.msk [tilespmem:v2+s11+$0x0], $0xffff;
	_ =	sdelay $0x4  }
0x7f: {  	v5 =	vmax.bf16 v4, v5  }
0x80: {  	[tilespmem:v2+s11+$0x0] =	vst.idx.msk vm0, v5  }
0x81: {  	v5 =	vld.idx.msk [tilespmem:v2+s11+$0x0], $0xffff;
	_ =	sdelay $0x4  }
0x82: {  	v6 =	vmax.bf16 v4, v5  }
0x83: {  	vm0 =	vne.s32 v5, v6  }
0x84: {  	v5 =	vsel vm0, $0x3F800000, v1  }
0x85: {  	(xrf0) =	vmax.scan.msk.f32 $0xffff, v5;
	_ =	sdelay $0x5  }
0x86: {  	v5, _, _ =	vpop (xrf0)  }
0x87: {  	(v2sf) =	vpush v5, $0xF;
	_ =	sdelay $0xe  }
0x88: {  	s21 =	spop (v2sf)  }
0x89: {  	p0 =	sgt.f32 s21, $0.0e+00  }
.Ltmp8:
0x8a: {  	_ = 	snop;
	(pc) =	sbr.rel @p0 .LBB2_5-.Ltmp8, $1  }
0x8b: {  	_ =	sdelay $0x3  }
.LBB2_6:
0x8c: {  	_ =	sdelay $0x3  }
0x8d: {  	v3 =	vld.idx.msk [tilespmem:v3+s12+$0x0], $0xffff  }
0x8e: {  	v4 =	vld.idx.msk [tilespmem:v2+s13+$0x0], $0xffff;
	_ =	sdelay $0x4  }
0x8f: {  	v5 =	vmax.bf16 v3, v4  }
0x90: {  	vm0 =	vne.s32 v4, v5  }
0x91: {  	v4 =	vsel vm0, $0x3F800000, v1  }
0x92: {  	(xrf0) =	vmax.scan.msk.f32 $0xffff, v4;
	_ =	sdelay $0x5  }
0x93: {  	v4, _, _ =	vpop (xrf0)  }
0x94: {  	(v2sf) =	vpush v4, $0xF;
	_ =	sdelay $0xe  }
0x95: {  	s21 =	spop (v2sf)  }
0x96: {  	p0 =	sgt.f32 s21, $0.0e+00  }
.Ltmp9:
0x97: {  	_ = 	snop;
	(pc) =	sbr.rel @!p0 .LBB2_8-.Ltmp9, $1  }
0x98: {  	_ =	sdelay $0x3  }
.LBB2_7:
0x99: {  	v4 =	vld.idx.msk [tilespmem:v2+s13+$0x0], $0xffff;
	_ =	sdelay $0x4  }
0x9a: {  	v4 =	vmax.bf16 v3, v4  }
0x9b: {  	[tilespmem:v2+s13+$0x0] =	vst.idx.msk vm0, v4  }
0x9c: {  	v4 =	vld.idx.msk [tilespmem:v2+s13+$0x0], $0xffff;
	_ =	sdelay $0x4  }
0x9d: {  	v5 =	vmax.bf16 v3, v4  }
0x9e: {  	vm0 =	vne.s32 v4, v5  }
0x9f: {  	v4 =	vsel vm0, $0x3F800000, v1  }
0xa0: {  	(xrf0) =	vmax.scan.msk.f32 $0xffff, v4;
	_ =	sdelay $0x5  }
0xa1: {  	v4, _, _ =	vpop (xrf0)  }
0xa2: {  	(v2sf) =	vpush v4, $0xF;
	_ =	sdelay $0xe  }
0xa3: {  	s21 =	spop (v2sf)  }
0xa4: {  	p0 =	sgt.f32 s21, $0.0e+00  }
.Ltmp10:
0xa5: {  	_ = 	snop;
	(pc) =	sbr.rel @p0 .LBB2_7-.Ltmp10, $1  }
0xa6: {  	_ =	sdelay $0x3  }
.LBB2_8:
0xa7: {  	s21 =	sor.u32 $0x10, s20  }
0xa8: {  	v3 =	vld [tilespmem:s21+$0x9E00]  }
0xa9: {  	v2 =	vld [tilespmem:s21+$0x11E00];
	_ =	sdelay $0x6  }
0xaa: {  	v4 =	vld.idx.msk [tilespmem:v3+s2+$0x0], $0xffff  }
0xab: {  	v5 =	vld.idx.msk [tilespmem:v2+s11+$0x0], $0xffff;
	_ =	sdelay $0x4  }
0xac: {  	v6 =	vmax.bf16 v4, v5  }
0xad: {  	vm0 =	vne.s32 v5, v6  }
0xae: {  	v5 =	vsel vm0, $0x3F800000, v1  }
0xaf: {  	(xrf0) =	vmax.scan.msk.f32 $0xffff, v5;
	_ =	sdelay $0x5  }
0xb0: {  	v5, _, _ =	vpop (xrf0)  }
0xb1: {  	(v2sf) =	vpush v5, $0xF;
	_ =	sdelay $0xe  }
0xb2: {  	s31 =	spop (v2sf)  }
0xb3: {  	p0 =	sgt.f32 s31, $0.0e+00  }
.Ltmp11:
0xb4: {  	_ = 	snop;
	(pc) =	sbr.rel @!p0 .LBB2_10-.Ltmp11, $1  }
0xb5: {  	_ =	sdelay $0x3  }
.LBB2_9:
0xb6: {  	v5 =	vld.idx.msk [tilespmem:v2+s11+$0x0], $0xffff;
	_ =	sdelay $0x4  }
0xb7: {  	v5 =	vmax.bf16 v4, v5  }
0xb8: {  	[tilespmem:v2+s11+$0x0] =	vst.idx.msk vm0, v5  }
0xb9: {  	v5 =	vld.idx.msk [tilespmem:v2+s11+$0x0], $0xffff;
	_ =	sdelay $0x4  }
0xba: {  	v6 =	vmax.bf16 v4, v5  }
0xbb: {  	vm0 =	vne.s32 v5, v6  }
0xbc: {  	v5 =	vsel vm0, $0x3F800000, v1  }
0xbd: {  	(xrf0) =	vmax.scan.msk.f32 $0xffff, v5;
	_ =	sdelay $0x5  }
0xbe: {  	v5, _, _ =	vpop (xrf0)  }
0xbf: {  	(v2sf) =	vpush v5, $0xF;
	_ =	sdelay $0xe  }
0xc0: {  	s21 =	spop (v2sf)  }
0xc1: {  	p0 =	sgt.f32 s21, $0.0e+00  }
.Ltmp12:
0xc2: {  	_ = 	snop;
	(pc) =	sbr.rel @p0 .LBB2_9-.Ltmp12, $1  }
0xc3: {  	_ =	sdelay $0x3  }
.LBB2_10:
0xc4: {  	_ =	sdelay $0x3  }
0xc5: {  	v3 =	vld.idx.msk [tilespmem:v3+s12+$0x0], $0xffff  }
0xc6: {  	v4 =	vld.idx.msk [tilespmem:v2+s13+$0x0], $0xffff;
	_ =	sdelay $0x4  }
0xc7: {  	v5 =	vmax.bf16 v3, v4  }
0xc8: {  	vm0 =	vne.s32 v4, v5  }
0xc9: {  	v4 =	vsel vm0, $0x3F800000, v1  }
0xca: {  	(xrf0) =	vmax.scan.msk.f32 $0xffff, v4;
	_ =	sdelay $0x5  }
0xcb: {  	v4, _, _ =	vpop (xrf0)  }
0xcc: {  	(v2sf) =	vpush v4, $0xF;
	_ =	sdelay $0xe  }
0xcd: {  	s21 =	spop (v2sf)  }
0xce: {  	p0 =	sgt.f32 s21, $0.0e+00  }
.Ltmp13:
0xcf: {  	_ = 	snop;
	(pc) =	sbr.rel @!p0 .LBB2_12-.Ltmp13, $1  }
0xd0: {  	_ =	sdelay $0x3  }
.LBB2_11:
0xd1: {  	v4 =	vld.idx.msk [tilespmem:v2+s13+$0x0], $0xffff;
	_ =	sdelay $0x4  }
0xd2: {  	v4 =	vmax.bf16 v3, v4  }
0xd3: {  	[tilespmem:v2+s13+$0x0] =	vst.idx.msk vm0, v4  }
0xd4: {  	v4 =	vld.idx.msk [tilespmem:v2+s13+$0x0], $0xffff;
	_ =	sdelay $0x4  }
0xd5: {  	v5 =	vmax.bf16 v3, v4  }
0xd6: {  	vm0 =	vne.s32 v4, v5  }
0xd7: {  	v4 =	vsel vm0, $0x3F800000, v1  }
0xd8: {  	(xrf0) =	vmax.scan.msk.f32 $0xffff, v4;
	_ =	sdelay $0x5  }
0xd9: {  	v4, _, _ =	vpop (xrf0)  }
0xda: {  	(v2sf) =	vpush v4, $0xF;
	_ =	sdelay $0xe  }
0xdb: {  	s21 =	spop (v2sf)  }
0xdc: {  	p0 =	sgt.f32 s21, $0.0e+00  }
.Ltmp14:
0xdd: {  	_ = 	snop;
	(pc) =	sbr.rel @p0 .LBB2_11-.Ltmp14, $1  }
0xde: {  	_ =	sdelay $0x3  }
.LBB2_12:
0xdf: {  	s21 =	sor.u32 $0x20, s20  }
0xe0: {  	v3 =	vld [tilespmem:s21+$0x9E00]  }
0xe1: {  	v2 =	vld [tilespmem:s21+$0x11E00];
	_ =	sdelay $0x6  }
0xe2: {  	v4 =	vld.idx.msk [tilespmem:v3+s2+$0x0], $0xffff  }
0xe3: {  	v5 =	vld.idx.msk [tilespmem:v2+s11+$0x0], $0xffff;
	_ =	sdelay $0x4  }
0xe4: {  	v6 =	vmax.bf16 v4, v5  }
0xe5: {  	vm0 =	vne.s32 v5, v6  }
0xe6: {  	v5 =	vsel vm0, $0x3F800000, v1  }
0xe7: {  	(xrf0) =	vmax.scan.msk.f32 $0xffff, v5;
	_ =	sdelay $0x5  }
0xe8: {  	v5, _, _ =	vpop (xrf0)  }
0xe9: {  	(v2sf) =	vpush v5, $0xF;
	_ =	sdelay $0xe  }
0xea: {  	s31 =	spop (v2sf)  }
0xeb: {  	p0 =	sgt.f32 s31, $0.0e+00  }
.Ltmp15:
0xec: {  	_ = 	snop;
	(pc) =	sbr.rel @!p0 .LBB2_14-.Ltmp15, $1  }
0xed: {  	_ =	sdelay $0x3  }
.LBB2_13:
0xee: {  	v5 =	vld.idx.msk [tilespmem:v2+s11+$0x0], $0xffff;
	_ =	sdelay $0x4  }
0xef: {  	v5 =	vmax.bf16 v4, v5  }
0xf0: {  	[tilespmem:v2+s11+$0x0] =	vst.idx.msk vm0, v5  }
0xf1: {  	v5 =	vld.idx.msk [tilespmem:v2+s11+$0x0], $0xffff;
	_ =	sdelay $0x4  }
0xf2: {  	v6 =	vmax.bf16 v4, v5  }
0xf3: {  	vm0 =	vne.s32 v5, v6  }
0xf4: {  	v5 =	vsel vm0, $0x3F800000, v1  }
0xf5: {  	(xrf0) =	vmax.scan.msk.f32 $0xffff, v5;
	_ =	sdelay $0x5  }
0xf6: {  	v5, _, _ =	vpop (xrf0)  }
0xf7: {  	(v2sf) =	vpush v5, $0xF;
	_ =	sdelay $0xe  }
0xf8: {  	s21 =	spop (v2sf)  }
0xf9: {  	p0 =	sgt.f32 s21, $0.0e+00  }
.Ltmp16:
0xfa: {  	_ = 	snop;
	(pc) =	sbr.rel @p0 .LBB2_13-.Ltmp16, $1  }
0xfb: {  	_ =	sdelay $0x3  }
.LBB2_14:
0xfc: {  	_ =	sdelay $0x3  }
0xfd: {  	v3 =	vld.idx.msk [tilespmem:v3+s12+$0x0], $0xffff  }
0xfe: {  	v4 =	vld.idx.msk [tilespmem:v2+s13+$0x0], $0xffff;
	_ =	sdelay $0x4  }
0xff: {  	v5 =	vmax.bf16 v3, v4  }
0x100: {  	vm0 =	vne.s32 v4, v5  }
0x101: {  	v4 =	vsel vm0, $0x3F800000, v1  }
0x102: {  	(xrf0) =	vmax.scan.msk.f32 $0xffff, v4;
	_ =	sdelay $0x5  }
0x103: {  	v4, _, _ =	vpop (xrf0)  }
0x104: {  	(v2sf) =	vpush v4, $0xF;
	_ =	sdelay $0xe  }
0x105: {  	s21 =	spop (v2sf)  }
0x106: {  	p0 =	sgt.f32 s21, $0.0e+00  }
.Ltmp17:
0x107: {  	_ = 	snop;
	(pc) =	sbr.rel @!p0 .LBB2_16-.Ltmp17, $1  }
0x108: {  	_ =	sdelay $0x3  }
.LBB2_15:
0x109: {  	v4 =	vld.idx.msk [tilespmem:v2+s13+$0x0], $0xffff;
	_ =	sdelay $0x4  }
0x10a: {  	v4 =	vmax.bf16 v3, v4  }
0x10b: {  	[tilespmem:v2+s13+$0x0] =	vst.idx.msk vm0, v4  }
0x10c: {  	v4 =	vld.idx.msk [tilespmem:v2+s13+$0x0], $0xffff;
	_ =	sdelay $0x4  }
0x10d: {  	v5 =	vmax.bf16 v3, v4  }
0x10e: {  	vm0 =	vne.s32 v4, v5  }
0x10f: {  	v4 =	vsel vm0, $0x3F800000, v1  }
0x110: {  	(xrf0) =	vmax.scan.msk.f32 $0xffff, v4;
	_ =	sdelay $0x5  }
0x111: {  	v4, _, _ =	vpop (xrf0)  }
0x112: {  	(v2sf) =	vpush v4, $0xF;
	_ =	sdelay $0xe  }
0x113: {  	s21 =	spop (v2sf)  }
0x114: {  	p0 =	sgt.f32 s21, $0.0e+00  }
.Ltmp18:
0x115: {  	_ = 	snop;
	(pc) =	sbr.rel @p0 .LBB2_15-.Ltmp18, $1  }
0x116: {  	_ =	sdelay $0x3  }
.LBB2_16:
0x117: {  	s20 =	sor.u32 $0x30, s20  }
0x118: {  	v3 =	vld [tilespmem:s20+$0x9E00]  }
0x119: {  	v2 =	vld [tilespmem:s20+$0x11E00];
	_ =	sdelay $0x6  }
0x11a: {  	v4 =	vld.idx.msk [tilespmem:v3+s2+$0x0], $0xffff  }
0x11b: {  	v5 =	vld.idx.msk [tilespmem:v2+s11+$0x0], $0xffff;
	_ =	sdelay $0x4  }
0x11c: {  	v6 =	vmax.bf16 v4, v5  }
0x11d: {  	vm0 =	vne.s32 v5, v6  }
0x11e: {  	v5 =	vsel vm0, $0x3F800000, v1  }
0x11f: {  	(xrf0) =	vmax.scan.msk.f32 $0xffff, v5;
	_ =	sdelay $0x5  }
0x120: {  	v5, _, _ =	vpop (xrf0)  }
0x121: {  	(v2sf) =	vpush v5, $0xF;
	_ =	sdelay $0xe  }
0x122: {  	s31 =	spop (v2sf)  }
0x123: {  	p0 =	sgt.f32 s31, $0.0e+00  }
.Ltmp19:
0x124: {  	_ = 	snop;
	(pc) =	sbr.rel @!p0 .LBB2_18-.Ltmp19, $1  }
0x125: {  	_ =	sdelay $0x3  }
.LBB2_17:
0x126: {  	v5 =	vld.idx.msk [tilespmem:v2+s11+$0x0], $0xffff;
	_ =	sdelay $0x4  }
0x127: {  	v5 =	vmax.bf16 v4, v5  }
0x128: {  	[tilespmem:v2+s11+$0x0] =	vst.idx.msk vm0, v5  }
0x129: {  	v5 =	vld.idx.msk [tilespmem:v2+s11+$0x0], $0xffff;
	_ =	sdelay $0x4  }
0x12a: {  	v6 =	vmax.bf16 v4, v5  }
0x12b: {  	vm0 =	vne.s32 v5, v6  }
0x12c: {  	v5 =	vsel vm0, $0x3F800000, v1  }
0x12d: {  	(xrf0) =	vmax.scan.msk.f32 $0xffff, v5;
	_ =	sdelay $0x5  }
0x12e: {  	v5, _, _ =	vpop (xrf0)  }
0x12f: {  	(v2sf) =	vpush v5, $0xF;
	_ =	sdelay $0xe  }
0x130: {  	s20 =	spop (v2sf)  }
0x131: {  	p0 =	sgt.f32 s20, $0.0e+00  }
.Ltmp20:
0x132: {  	_ = 	snop;
	(pc) =	sbr.rel @p0 .LBB2_17-.Ltmp20, $1  }
0x133: {  	_ =	sdelay $0x3  }
.LBB2_18:
0x134: {  	_ =	sdelay $0x3  }
0x135: {  	v3 =	vld.idx.msk [tilespmem:v3+s12+$0x0], $0xffff  }
0x136: {  	v4 =	vld.idx.msk [tilespmem:v2+s13+$0x0], $0xffff;
	_ =	sdelay $0x4  }
0x137: {  	v5 =	vmax.bf16 v3, v4  }
0x138: {  	vm0 =	vne.s32 v4, v5  }
0x139: {  	v4 =	vsel vm0, $0x3F800000, v1  }
0x13a: {  	(xrf0) =	vmax.scan.msk.f32 $0xffff, v4;
	_ =	sdelay $0x5  }
0x13b: {  	v4, _, _ =	vpop (xrf0)  }
0x13c: {  	(v2sf) =	vpush v4, $0xF;
	_ =	sdelay $0xe  }
0x13d: {  	s20 =	spop (v2sf)  }
0x13e: {  	p0 =	sgt.f32 s20, $0.0e+00  }
.Ltmp21:
0x13f: {  	_ = 	snop;
	(pc) =	sbr.rel @!p0 .LBB2_20-.Ltmp21, $1  }
0x140: {  	_ =	sdelay $0x3  }
.LBB2_19:
0x141: {  	v4 =	vld.idx.msk [tilespmem:v2+s13+$0x0], $0xffff;
	_ =	sdelay $0x4  }
0x142: {  	v4 =	vmax.bf16 v3, v4  }
0x143: {  	[tilespmem:v2+s13+$0x0] =	vst.idx.msk vm0, v4  }
0x144: {  	v4 =	vld.idx.msk [tilespmem:v2+s13+$0x0], $0xffff;
	_ =	sdelay $0x4  }
0x145: {  	v5 =	vmax.bf16 v3, v4  }
0x146: {  	vm0 =	vne.s32 v4, v5  }
0x147: {  	v4 =	vsel vm0, $0x3F800000, v1  }
0x148: {  	(xrf0) =	vmax.scan.msk.f32 $0xffff, v4;
	_ =	sdelay $0x5  }
0x149: {  	v4, _, _ =	vpop (xrf0)  }
0x14a: {  	(v2sf) =	vpush v4, $0xF;
	_ =	sdelay $0xe  }
0x14b: {  	s20 =	spop (v2sf)  }
0x14c: {  	p0 =	sgt.f32 s20, $0.0e+00  }
.Ltmp22:
0x14d: {  	_ = 	snop;
	(pc) =	sbr.rel @p0 .LBB2_19-.Ltmp22, $1  }
0x14e: {  	_ =	sdelay $0x3  }
.Ltmp23:
0x14f: {  	_ = 	snop;
	(pc) =	sbr.rel .LBB2_20-.Ltmp23, $1  }
0x150: {  	_ =	sdelay $0x3  }
.LBB2_23:
0x151: {  	_ =	sfence.sel $0x180000  }
0x152: {  	[bflag:$0x0] =	sbarrier.arrive $0xFFFF  }
0x153: {  	p0 =	sne.s32 s1, $0x0;
	_ =	strace $0x9000004D  }
0x154: {  	s0 =	sadd.s32 @!p0 $0x100000, s0;
	[bflag:$0x2] =	sbarrier.arrive $0xFFFF  }
0x155: {  	[sflag:s0] =	ssyncadd.tile.s32 @!p0 $0x1;
	_ =	shalt  }
.Lfunc_end2:
_tile_overlayer_lowered:
.L_overlay_start_2:
0x156: {  	(tag) =	ssettag $0x2  }
0x157: {  	s0 =	rddreg [dreg:$0x0];
	s2 =	stileid.u32  }
0x158: {  	s1 =	rddreg [dreg:$0x1];
	p0 =	sne.s32 s2, $0x0  }
0x159: {  	s3 =	rddreg [dreg:$0x2];
	[bflag:$0x3] =	sbarrier.arrive $0xFFFF;
	s2 =	simm.s32 @!p0 $0x1C01  }
0x15a: {  	[timem:s3], [sflag:s2] =	dma.local @!p0 [hbm:s0], s1  }
0x15b: {  	s0 =	simm.s32 @!p0 $0x1  }
0x15c: {  	_ =	swait.ge @!p0 [sflag:s0], s1  }
0x15d: {  	s1 =	ssub.s32 @!p0 $0x0, s1;
	[sflag:s0] =	ssyncset.done @!p0 $0x0  }
0x15e: {  	[sflag:s0] =	ssyncadd.s32 @!p0 s1  }
0x15f: {  	[bflag:$0x3] =	sbarrier.arrive $0xFFFF  }
0x160: {  	_ =	shalt  }

// kernel: kernel.9.cloned.1.call-start
scs
__scs_entry_jumppad:
0x0: {  	(pc) =	sbr.rel $0x88, $3  }
0x1: {  	(tag) =	ssettag $0x0;
	lr =	simm.s32 $0x1  }
0x2: {  	[smem:$0x3F91] =	sst lr;
	_ =	strace $0xD0000000  }
0x3: {  	_ = 	snop  }
0x4: {  	_ = 	snop  }
0x5: {  	_ = 	snop  }
0x6: {  	_ = 	snop  }
0x7: {  	_ = 	snop  }
__scs_overlays_trampoline_lowered:
0x8: {  	[smem:$0x3FA0] =	sst s0  }
0x9: {  	[smem:$0x3FA1] =	sst s1  }
0xa: {  	[smem:$0x3FA2] =	sst s2  }
0xb: {  	[smem:$0x3FA3] =	sst s3  }
0xc: {  	[smem:$0x3FA4] =	sst s4  }
0xd: {  	[smem:$0x3FA5] =	sst s5  }
0xe: {  	[smem:$0x3FA6] =	sst s6  }
0xf: {  	[smem:$0x3FA7] =	sst s7  }
0x10: {  	[smem:$0x3FA8] =	sst s8  }
0x11: {  	[smem:$0x3FA9] =	sst s9;
	s0 =	simm.s32 @!p0 $0x0  }
0x12: {  	s1 =	sld [smem:$0x3F8F];
	s0 =	simm.s32 @p0 $0x1  }
0x13: {  	[smem:$0x3FAA] =	sst s0;
	s0 =	simm.s32 @!p1 $0x0  }
0x14: {  	s2 =	sld [smem:$0x3F8E];
	s0 =	simm.s32 @p1 $0x1  }
0x15: {  	[smem:$0x3FAB] =	sst s0;
	s0 =	simm.s32 @!p2 $0x0  }
0x16: {  	s3 =	sld [smem:$0x3FDB];
	s0 =	simm.s32 @p2 $0x1  }
0x17: {  	s4 =	simm.s32 $0x1BF5;
	[smem:$0x3FAD] =	sst s0  }
0x18: {  	s0 =	sld [smem:$0x3F90];
	_ =	swait.ge [sflag:s4], $0x0  }
0x19: {  	s7 =	sld [smem:$0x3F91]  }
0x1a: {  	s8 =	sadd.s32 $0xFFFFE003, lr  }
0x1b: {  	s9 =	sadd.s32 $0xFFFFFEF7, lr;
	s5 =	simm.s32 $0xFFFFFFFF;
	p2 =	slt.u32 s8, $0xFFFFF086  }
0x1c: {  	p1 =	slt.u32 s9, $0xF7A;
	s5 =	simm.s32 @!p2 $0x0  }
0x1d: {  	s5 =	simm.s32 @p1 $0x1;
	p0 =	seq.s32 s7, s2  }
0x1e: {  	s7 =	smul.u32 @!p0 $0xF7A, s2;
	p2 =	seq.s32 @!p0 s5, $0x0  }
0x1f: {  	s9 =	smul.u32 $0xF7A, s1;
	s8 =	simm.s32 @!p0 $0x1BF5;
	p2 =	por !p2, p0  }
0x20: {  	[sflag:s8] =	ssyncset.s32 @!p0 $0xFFFFF086;
	s6 =	sadd.s32 @!p0 s3, s7;
	s7 =	simm.s32 @!p0 $0x108  }
0x21: {  	s3 =	sadd.s32 s3, s9;
	s6 =	sadd.s32 @!p0 $0x88, s6;
	s7 =	simm.s32 @p2 $0x1082  }
0x22: {  	[simem:s7], [sflag:s8] =	dma.local @!p0 [hbm:s6], $0xF7A  }
0x23: {  	s9 =	sor.u32 $0xD0000000, s2;
	s6 =	simm.s32 $0x108;
	_ =	swait.ge @!p0 [sflag:s8], $0x0  }
0x24: {  	s3 =	sadd.s32 $0x88, s3;
	s6 =	simm.s32 @!p1 $0x1082;
	[sflag:s4] =	ssyncset.s32 $0xFFFFF086  }
0x25: {  	[simem:s6], [sflag:s4] =	dma.local [hbm:s3], $0xF7A  }
0x26: {  	[smem:$0x3F91] =	sst s1;
	(tag) =	ssettag s2;
	_ =	strace s9  }
0x27: {  	s1 =	sld [smem:$0x3FA1]  }
0x28: {  	s2 =	sld [smem:$0x3FA2]  }
0x29: {  	s4 =	sld [smem:$0x3FA4]  }
0x2a: {  	p0 =	seq.s32 s5, $0x0;
	s5 =	sld [smem:$0x3FA5]  }
0x2b: {  	s6 =	sld [smem:$0x3FA6]  }
0x2c: {  	s7 =	sld [smem:$0x3FA7]  }
0x2d: {  	s3 =	simm.s32 $0x108;
	s8 =	sld [smem:$0x3FA8]  }
0x2e: {  	s3 =	simm.s32 @!p0 $0x1082;
	s9 =	sld [smem:$0x3FA9]  }
0x2f: {  	lr =	sadd.s32 s0, s3;
	s0 =	sld [smem:$0x3FA0]  }
0x30: {  	s3 =	sld [smem:$0x3FA3]  }
0x31: {  	[smem:$0x3FAC] =	sst s10  }
0x32: {  	s10 =	sld [smem:$0x3FAA];
	_ =	sdelay $0x3  }
0x33: {  	p0 =	seq.s32 s10, $0x1;
	s10 =	sld [smem:$0x3FAC];
	_ =	sdelay $0x3  }
0x34: {  	[smem:$0x3FAC] =	sst s10  }
0x35: {  	s10 =	sld [smem:$0x3FAB];
	_ =	sdelay $0x3  }
0x36: {  	p1 =	seq.s32 s10, $0x1;
	s10 =	sld [smem:$0x3FAC];
	_ =	sdelay $0x3  }
0x37: {  	[smem:$0x3FAC] =	sst s10  }
0x38: {  	s10 =	sld [smem:$0x3FAD]  }
0x39: {  	_ = 	snop;
	(pc) =	sbr.ind lr, $3  }
0x3a: {  	_ = 	snop  }
0x3b: {  	_ = 	snop  }
0x3c: {  	p2 =	seq.s32 s10, $0x1;
	s10 =	sld [smem:$0x3FAC]  }
0x3d: {  	_ =	shalt  }
0x3e: {  	_ =	shalt  }
0x3f: {  	_ =	shalt  }
0x40: {  	_ =	shalt  }
0x41: {  	_ =	shalt  }
0x42: {  	_ =	shalt  }
0x43: {  	_ =	shalt  }
0x44: {  	_ =	shalt  }
0x45: {  	_ =	shalt  }
0x46: {  	_ =	shalt  }
0x47: {  	_ =	shalt  }
0x48: {  	_ =	shalt  }
0x49: {  	_ =	shalt  }
0x4a: {  	_ =	shalt  }
0x4b: {  	_ =	shalt  }
0x4c: {  	_ =	shalt  }
0x4d: {  	_ =	shalt  }
0x4e: {  	_ =	shalt  }
0x4f: {  	_ =	shalt  }
0x50: {  	_ =	shalt  }
0x51: {  	_ =	shalt  }
0x52: {  	_ =	shalt  }
0x53: {  	_ =	shalt  }
0x54: {  	_ =	shalt  }
0x55: {  	_ =	shalt  }
0x56: {  	_ =	shalt  }
0x57: {  	_ =	shalt  }
0x58: {  	_ =	shalt  }
0x59: {  	_ =	shalt  }
0x5a: {  	_ =	shalt  }
0x5b: {  	_ =	shalt  }
0x5c: {  	_ =	shalt  }
0x5d: {  	_ =	shalt  }
0x5e: {  	_ =	shalt  }
0x5f: {  	_ =	shalt  }
0x60: {  	_ =	shalt  }
0x61: {  	_ =	shalt  }
0x62: {  	_ =	shalt  }
0x63: {  	_ =	shalt  }
0x64: {  	_ =	shalt  }
0x65: {  	_ =	shalt  }
0x66: {  	_ =	shalt  }
0x67: {  	_ =	shalt  }
0x68: {  	_ =	shalt  }
0x69: {  	_ =	shalt  }
0x6a: {  	_ =	shalt  }
0x6b: {  	_ =	shalt  }
0x6c: {  	_ =	shalt  }
0x6d: {  	_ =	shalt  }
0x6e: {  	_ =	shalt  }
0x6f: {  	_ =	shalt  }
0x70: {  	_ =	shalt  }
0x71: {  	_ =	shalt  }
0x72: {  	_ =	shalt  }
0x73: {  	_ =	shalt  }
0x74: {  	_ =	shalt  }
0x75: {  	_ =	shalt  }
0x76: {  	_ =	shalt  }
0x77: {  	_ =	shalt  }
0x78: {  	_ =	shalt  }
0x79: {  	_ =	shalt  }
0x7a: {  	_ =	shalt  }
0x7b: {  	_ =	shalt  }
0x7c: {  	_ =	shalt  }
0x7d: {  	_ =	shalt  }
0x7e: {  	_ =	shalt  }
0x7f: {  	_ =	shalt  }
0x80: {  	_ =	shalt  }
0x81: {  	_ =	shalt  }
0x82: {  	_ =	shalt  }
0x83: {  	_ =	shalt  }
0x84: {  	_ =	shalt  }
0x85: {  	_ =	shalt  }
0x86: {  	_ =	shalt  }
0x87: {  	_ =	shalt  }
.Lfunc_end0:
.L_simem_size_0:
called_computation_lowered:
.L_overlay_start_0:
0x88: {  	s2 =	sld [smem:$0x3FD9]  }
0x89: {  	s3 =	sld [smem:$0x3FFE];
	_ =	sdelay $0x1  }
0x8a: {  	s1 =	srdreg.scid  }
0x8b: {  	s0 =	sand.u32 $0x1, s1  }
0x8c: {  	s14 =	sshll.u32 s0, $0xA;
	s2 =	sadd.s32 s3, s2  }
0x8d: {  	s2 =	sadd.s32 s2, s14  }
0x8e: {  	[smem:$0x3FB8] =	sst s2  }
0x8f: {  	_ = 	snop  }
0x90: {  	s2 =	sld [smem:$0x3FD0];
	_ =	sdelay $0x2  }
0x91: {  	s15 =	simm.s32 $0xA;
	s4 =	simm.s32 $0x10  }
0x92: {  	[smem:s4], [sflag:s15] =	dma.local [hbm:s2], $0x1  }
0x93: {  	_ =	swait.eq [sflag:s15], $0x1  }
0x94: {  	[sflag:s15] =	ssyncset.done $0x0  }
0x95: {  	[sflag:s15] =	ssyncadd.s32 $0xFFFFFFFF  }
0x96: {  	s16 =	sld [smem:$0x10];
	(tm) =	ssettm $0x1  }
0x97: {  	s17 =	sld [smem:$0x3FFB];
	_ =	sdelay $0x3  }
0x98: {  	_ =	strace s17  }
0x99: {  	s3 =	sld [smem:$0x3FFC];
	_ =	sdelay $0x3  }
0x9a: {  	_ =	strace s3  }
0x9b: {  	s3 =	sld [smem:$0x3FFD];
	_ =	sdelay $0x3  }
0x9c: {  	_ =	strace s3  }
0x9d: {  	_ =	strace $0x8FFFFFFF  }
0x9e: {  	s18 =	sld [smem:$0x3FDB];
	_ =	sdelay $0x1  }
0x9f: {  	s19 =	simm.s32 $_scs_section_size  }
0xa0: {  	s5 =	simm.s32 $_size__tile_overlayer_lowered;
	s6 =	simm.s32 $_tile_overlayer_lowered  }
0xa1: {  	s22 =	simm.s32 $0x1BFF;
	s21 =	sshll.u32 s6, $0x1;
	s3 =	sadd.s32 s19, s18  }
0xa2: {  	s7 =	simm.s32 $0x0;
	s20 =	sshll.u32 s5, $0x1;
	s5 =	sadd.s32 s21, s3  }
0xa3: {  	[timem:s7], [sflag:s22] =	dma.local [hbm:s5], s20  }
0xa4: {  	_ =	swait.ge [sflag:s22], s20  }
0xa5: {  	s4 =	ssub.s32 $0x0, s20;
	[sflag:s22] =	ssyncset.done $0x0  }
0xa6: {  	[sflag:s22] =	ssyncadd.s32 s4;
	_ =	sdelay $0x1  }
0xa7: {  	s23 =	simm.s32 $0x1B8B  }
0xa8: {  	_ =	swait.ge [sflag:s23], $0x1  }
0xa9: {  	[sflag:s23] =	ssyncset.done $0x0  }
0xaa: {  	s25 =	simm.s32 $0x1B8E;
	s24 =	sld [smem:$0x3FFE];
	[sflag:s23] =	ssyncadd.s32 $0xFFFFFFFF  }
0xab: {  	s26 =	simm.s32 $execute0_lowered;
	[smem:$0x3FD2] =	sst s25  }
0xac: {  	s5 =	sshll.u32 s26, $0x1;
	_ =	strace $0x80000046;
	[dreg:$0x1] =	wrdreg $0xFFFFFFFF  }
0xad: {  	s28 =	simm.s32 $_size_execute0_lowered;
	s3 =	sadd.s32 s3, s5;
	[dreg:$0x0] =	wrdreg $0x0  }
0xae: {  	s5 =	sshll.u32 s28, $0x1;
	[dreg:$0x2] =	wrdreg s3  }
0xaf: {  	[dreg:$0x3] =	wrdreg s5  }
0xb0: {  	[dreg:$0x4] =	wrdreg $0xC0  }
0xb1: {  	_ =	task [dreg:s7], $0x5FFFF  }
0xb2: {  	[dreg:$0x1] =	wrdreg $0xFFFFFFFF  }
0xb3: {  	[dreg:$0x0] =	wrdreg $0x60  }
0xb4: {  	[dreg:$0x2] =	wrdreg s16  }
0xb5: {  	[dreg:$0x3] =	wrdreg s24  }
0xb6: {  	[dreg:$0x4] =	wrdreg $0x9  }
0xb7: {  	_ =	task.clear_ibuf [dreg:s7], $0x5FFFF;
	_ =	strace $0x90000046  }
0xb8: {  	s29 =	simm.s32 $0x9;
	_ =	strace $0x80000048  }
0xb9: {  	_ =	swait.ge [sflag:s29], $0x1  }
0xba: {  	[sflag:s29] =	ssyncadd.s32 $0xFFFFFFFF  }
0xbb: {  	_ =	strace $0x90000048  }
0xbc: {  	_ =	sfence  }
0xbd: {  	s30 =	sld [smem:$0x0];
	_ =	sdelay $0x2  }
0xbe: {  	s31 =	sshll.u32 s1, $0xD;
	s1 =	sshrl.u32 s1, $0x2  }
0xbf: {  	s3 =	sand.u32 $0x4000, s31;
	s1 =	sadd.s32 s1, s30  }
0xc0: {  	s0 =	sor.u32 s3, s0;
	s1 =	sshll.u32 s1, $0x11  }
0xc1: {  	s0 =	sor.u32 s1, s0  }
0xc2: {  	s0 =	sadd.s32 $0x8F2B, s0  }
0xc3: {  	[sflag:s0] =	ssyncadd.remote.s32 $0x1  }
0xc4: {  	_ =	sfence.sel $0xFFFF  }
0xc5: {  	[dreg:$0x0] =	wrdreg $0xFFFFFFFF;
	(pc) =	sbr.abs _section_cstart, $3  }
0xc6: {  	[dreg:$0x1] =	wrdreg $0xFFFFFFFF  }
0xc7: {  	_ =	task.clear_ibuf [dreg:s7], $0x2FFFF;
	_ =	strace $0x9FFFFFFF  }
0xc8: {  	(tm) =	ssettm $0x7FFFFFFF  }
0xc9: {  	_ =	shalt  }
tec
execute0_lowered:
.L_overlay_start_1:
0x0: {  	(tag) =	ssettag $0x1  }
0x1: {  	s6 =	rddreg [dreg:$0x0]  }
0x2: {  	s5 =	rddreg [dreg:$0x1]  }
0x3: {  	s0 =	rddreg [dreg:$0x2];
	s3 =	srdreg.scid  }
0x4: {  	s1 =	stileid.u32;
	s2 =	simm.s32 $0x0;
	s12 =	simm.s32 $0x2780  }
0x5: {  	s13 =	simm.s32 $0x7680;
	s14 =	simm.s32 $0x9E00;
	s15 =	simm.s32 $0x11E00  }
0x6: {  	s16 =	simm.s32 $0x19E00;
	s7 =	sand.u32 $0x1, s3;
	s30 =	sshll.u32 s1, $0x1  }
0x7: {  	s17 =	simm.s32 $0x0;
	[smem:$0x7FF] =	sst s2;
	s3 =	sor.u32 s7, s30  }
0x8: {  	s4 =	sadd.s32 $0x35200, s5;
	s9 =	sadd.s32 $0x3F200, s5;
	s8 =	smul.u32 $0x4E20, s3  }
.Ltmp0:
0x9: {  	_ =	strace $0x80000047;
	s7 =	ssub.s32 $0x2, s7;
	(pc) =	sbr.rel .LBB2_1-.Ltmp0, $4  }
0xa: {  	s3 =	sadd.s32 $0x2B200, s5;
	s31 =	sshrl.u32 s7, $0x1;
	s8 =	sshrl.u32 s8, $0x3  }
0xb: {  	s10 =	ssub.s32 s7, s31;
	s5 =	sadd.s32 s6, s8;
	s11 =	sadd.s32 $0x4E2, s8  }
0xc: {  	s7 =	sadd.s32 s9, s8;
	s6 =	sadd.s32 s6, s11;
	s8 =	sadd.s32 s9, s11  }
0xd: {  	v0 =	vlaneseq.u32;
	v1 =	vimm.f32 $0.0e+00;
	s9 =	smax.u32 s10, $0x1;
	s10 =	simm.s32 $0x1;
	s11 =	simm.s32 $0x4F00  }
.LBB2_22:
0xe: {  	[hbm4b:s7+s2] =	stream.linear.scatter [tilespmem:s11], [sflag:$0x1], $0x2710, $0x38;
	[tilespmem:$0x1C580] =	vst v63  }
0xf: {  	s17 =	sadd.s32 $0x1, s17;
	_ =	swait.ge [sflag:s10], $0x2710  }
0x10: {  	p0 =	sne.s32 s17, s9;
	[sflag:s10] =	ssyncset.done $0x0  }
.Ltmp1:
0x11: {  	[sflag:s10] =	ssyncadd.s32 $0xFFFFD8F0;
	(pc) =	sbr.rel @!p0 .LBB2_23-.Ltmp1, $4  }
0x12: {  	[hbm4b:s8+s2] =	stream.linear.scatter [tilespmem:s13], [sflag:$0x1], $0x2710, $0x38;
	[tilespmem:$0x1C580] =	vst v63  }
0x13: {  	_ =	swait.ge [sflag:s10], $0x2710  }
0x14: {  	[sflag:s10] =	ssyncset.done $0x0  }
0x15: {  	[sflag:s10] =	ssyncadd.s32 $0xFFFFD8F0  }
.LBB2_1:
0x16: {  	[tilespmem:s2], [sflag:$0x1] =	stream.linear.gather [hbm4b:s5+s2], $0x2710, $0x38;
	[tilespmem:$0x1C580] =	vst v63  }
0x17: {  	_ =	swait.ge [sflag:s10], $0x2710  }
0x18: {  	[sflag:s10] =	ssyncset.done $0x0  }
0x19: {  	[sflag:s10] =	ssyncadd.s32 $0xFFFFD8F0  }
0x1a: {  	[tilespmem:s11], [sflag:$0x1] =	stream.linear.gather [hbm4b:s5+s2], $0x2710, $0x38;
	[tilespmem:$0x1C580] =	vst v63  }
0x1b: {  	_ =	swait.ge [sflag:s10], $0x2710  }
0x1c: {  	[sflag:s10] =	ssyncset.done $0x0  }
0x1d: {  	[sflag:s10] =	ssyncadd.s32 $0xFFFFD8F0  }
0x1e: {  	[tilespmem:s12], [sflag:$0x1] =	stream.linear.gather [hbm4b:s6+s2], $0x2710, $0x38;
	[tilespmem:$0x1C580] =	vst v63  }
0x1f: {  	_ =	swait.ge [sflag:s10], $0x2710  }
0x20: {  	[sflag:s10] =	ssyncset.done $0x0  }
.Ltmp2:
0x21: {  	[sflag:s10] =	ssyncadd.s32 $0xFFFFD8F0;
	(pc) =	sbr.rel .LBB2_2-.Ltmp2, $4  }
0x22: {  	[tilespmem:s13], [sflag:$0x1] =	stream.linear.gather [hbm4b:s6+s2], $0x2710, $0x38;
	[tilespmem:$0x1C580] =	vst v63  }
0x23: {  	_ =	swait.ge [sflag:s10], $0x2710  }
0x24: {  	[sflag:s10] =	ssyncset.done $0x0  }
0x25: {  	s18 =	simm.s32 $0x0;
	[sflag:s10] =	ssyncadd.s32 $0xFFFFD8F0  }
.LBB2_21:
0x26: {  	s18 =	sadd.s32 $0x1, s18  }
0x27: {  	p0 =	sne.s32 s18, $0xA  }
.Ltmp3:
0x28: {  	_ = 	snop;
	(pc) =	sbr.rel @!p0 .LBB2_22-.Ltmp3, $1  }
0x29: {  	_ =	sdelay $0x3  }
.LBB2_2:
0x2a: {  	s20 =	sshll.u32 s18, $0xC  }
0x2b: {  	s19 =	simm.s32 $0x0;
	s21 =	sadd.s32 s3, s20  }
0x2c: {  	[tilespmem:s14], [sflag:$0x1] =	stream.linear.gather [hbm4b:s21+s19], $0x8000, $0x38;
	[tilespmem:$0x1C580] =	vst v63  }
0x2d: {  	_ =	swait.ge [sflag:s10], $0x8000  }
0x2e: {  	[sflag:s10] =	ssyncset.done $0x0  }
.Ltmp4:
0x2f: {  	s20 =	sadd.s32 s4, s20;
	[sflag:s10] =	ssyncadd.s32 $0xFFFF8000;
	(pc) =	sbr.rel .LBB2_3-.Ltmp4, $4  }
0x30: {  	[tilespmem:s15], [sflag:$0x1] =	stream.linear.gather [hbm4b:s20+s19], $0x8000, $0x38;
	[tilespmem:$0x1C580] =	vst v63  }
0x31: {  	_ =	swait.ge [sflag:s10], $0x8000  }
0x32: {  	[sflag:s10] =	ssyncset.done $0x0  }
0x33: {  	[sflag:s10] =	ssyncadd.s32 $0xFFFF8000  }
.LBB2_20:
0x34: {  	s19 =	sadd.s32 $0x1, s19  }
0x35: {  	p0 =	sne.s32 s19, $0x200  }
.Ltmp5:
0x36: {  	_ = 	snop;
	(pc) =	sbr.rel @!p0 .LBB2_21-.Ltmp5, $1  }
0x37: {  	_ =	sdelay $0x3  }
.LBB2_3:
0x38: {  	s20 =	sshll.u32 s19, $0x6  }
0x39: {  	v2 =	vld [tilespmem:s20+$0x11E00]  }
0x3a: {  	v3 =	vld [tilespmem:s20+$0x9E00];
	_ =	sdelay $0x6  }
0x3b: {  	[tilespmem:v2+s16+$0x0] =	vst.idx.msk $0xffff, v0  }
0x3c: {  	v4 =	vld.idx.msk [tilespmem:v3+s2+$0x0], $0xffff  }
0x3d: {  	v5 =	vld.idx.msk [tilespmem:v2+s11+$0x0], $0xffff;
	_ =	sdelay $0x4  }
0x3e: {  	v4 =	vmax.bf16 v4, v5  }
0x3f: {  	v6 =	vld.idx.msk [tilespmem:v2+s16+$0x0], $0xffff;
	[tilespmem:v2+s11+$0x0] =	vst.idx.msk $0xffff, v4  }
0x40: {  	v3 =	vld.idx.msk [tilespmem:v3+s12+$0x0], $0xffff  }
0x41: {  	v4 =	vld.idx.msk [tilespmem:v2+s13+$0x0], $0xffff;
	_ =	sdelay $0x4  }
0x42: {  	v3 =	vmax.bf16 v3, v4  }
0x43: {  	[tilespmem:v2+s13+$0x0] =	vst.idx.msk $0xffff, v3  }
0x44: {  	v2 =	vld [tilespmem:s20+$0x11E10]  }
0x45: {  	v3 =	vld [tilespmem:s20+$0x9E10];
	_ =	sdelay $0x6  }
0x46: {  	[tilespmem:v2+s16+$0x0] =	vst.idx.msk $0xffff, v0  }
0x47: {  	v55 =	vld.idx.msk [tilespmem:v3+s2+$0x0], $0xffff  }
0x48: {  	v56 =	vld.idx.msk [tilespmem:v2+s11+$0x0], $0xffff;
	_ =	sdelay $0x4  }
0x49: {  	v4 =	vmax.bf16 v55, v56  }
0x4a: {  	v7 =	vld.idx.msk [tilespmem:v2+s16+$0x0], $0xffff;
	[tilespmem:v2+s11+$0x0] =	vst.idx.msk $0xffff, v4  }
0x4b: {  	v3 =	vld.idx.msk [tilespmem:v3+s12+$0x0], $0xffff  }
0x4c: {  	v4 =	vld.idx.msk [tilespmem:v2+s13+$0x0], $0xffff;
	_ =	sdelay $0x4  }
0x4d: {  	v3 =	vmax.bf16 v3, v4  }
0x4e: {  	[tilespmem:v2+s13+$0x0] =	vst.idx.msk $0xffff, v3  }
0x4f: {  	v2 =	vld [tilespmem:s20+$0x11E20]  }
0x50: {  	v3 =	vld [tilespmem:s20+$0x9E20];
	_ =	sdelay $0x6  }
0x51: {  	[tilespmem:v2+s16+$0x0] =	vst.idx.msk $0xffff, v0  }
0x52: {  	v57 =	vld.idx.msk [tilespmem:v3+s2+$0x0], $0xffff  }
0x53: {  	v58 =	vld.idx.msk [tilespmem:v2+s11+$0x0], $0xffff;
	_ =	sdelay $0x4  }
0x54: {  	v4 =	vmax.bf16 v57, v58  }
0x55: {  	v59 =	vld.idx.msk [tilespmem:v2+s16+$0x0], $0xffff;
	[tilespmem:v2+s11+$0x0] =	vst.idx.msk $0xffff, v4  }
0x56: {  	v3 =	vld.idx.msk [tilespmem:v3+s12+$0x0], $0xffff  }
0x57: {  	v4 =	vld.idx.msk [tilespmem:v2+s13+$0x0], $0xffff;
	_ =	sdelay $0x4  }
0x58: {  	v3 =	vmax.bf16 v3, v4  }
0x59: {  	[tilespmem:v2+s13+$0x0] =	vst.idx.msk $0xffff, v3  }
0x5a: {  	v2 =	vld [tilespmem:s20+$0x11E30];
	_ =	sdelay $0x7  }
0x5b: {  	v3 =	vld [tilespmem:s20+$0x9E30];
	[tilespmem:v2+s16+$0x0] =	vst.idx.msk $0xffff, v0  }
0x5c: {  	v60 =	vld.idx.msk [tilespmem:v2+s16+$0x0], $0xffff;
	_ =	sdelay $0x2  }
0x5d: {  	vm0 =	vne.s32 v6, v0;
	vm1 =	vne.s32 v7, v0  }
0x5e: {  	vm0 =	vmor vm0, vm1;
	vm14 =	vne.s32 v59, v0  }
0x5f: {  	vm0 =	vmor vm0, vm14;
	vm15 =	vne.s32 v60, v0  }
0x60: {  	vm0 =	vmor vm0, vm15  }
0x61: {  	v61 =	vsel vm0, $0x3F800000, v1  }
0x62: {  	(xrf0) =	vmax.scan.msk.f32 $0xffff, v61;
	_ =	sdelay $0x5  }
0x63: {  	v4, _, _ =	vpop (xrf0)  }
0x64: {  	(v2sf) =	vpush v4, $0xF;
	_ =	sdelay $0x5  }
0x65: {  	v62 =	vld.idx.msk [tilespmem:v3+s2+$0x0], $0xffff  }
0x66: {  	v63 =	vld.idx.msk [tilespmem:v2+s11+$0x0], $0xffff;
	_ =	sdelay $0x4  }
0x67: {  	v4 =	vmax.bf16 v62, v63  }
0x68: {  	[tilespmem:v2+s11+$0x0] =	vst.idx.msk $0xffff, v4  }
0x69: {  	v3 =	vld.idx.msk [tilespmem:v3+s12+$0x0], $0xffff  }
0x6a: {  	v4 =	vld.idx.msk [tilespmem:v2+s13+$0x0], $0xffff;
	s21 =	spop (v2sf)  }
0x6b: {  	p0 =	sgt.f32 s21, $0.0e+00  }
.Ltmp6:
0x6c: {  	_ = 	snop;
	(pc) =	sbr.rel @!p0 .LBB2_20-.Ltmp6, $3  }
0x6d: {  	_ =	sdelay $0x1  }
0x6e: {  	v3 =	vmax.bf16 v3, v4  }
0x6f: {  	[tilespmem:v2+s13+$0x0] =	vst.idx.msk $0xffff, v3  }
0x70: {  	v3 =	vld [tilespmem:s20+$0x9E00]  }
0x71: {  	v2 =	vld [tilespmem:s20+$0x11E00];
	_ =	sdelay $0x6  }
0x72: {  	v4 =	vld.idx.msk [tilespmem:v3+s2+$0x0], $0xffff  }
0x73: {  	v5 =	vld.idx.msk [tilespmem:v2+s11+$0x0], $0xffff;
	_ =	sdelay $0x4  }
0x74: {  	v6 =	vmax.bf16 v4, v5  }
0x75: {  	vm0 =	vne.s32 v5, v6  }
0x76: {  	v5 =	vsel vm0, $0x3F800000, v1  }
0x77: {  	(xrf0) =	vmax.scan.msk.f32 $0xffff, v5;
	_ =	sdelay $0x5  }
0x78: {  	v5, _, _ =	vpop (xrf0)  }
0x79: {  	(v2sf) =	vpush v5, $0xF;
	_ =	sdelay $0xe  }
0x7a: {  	s21 =	spop (v2sf)  }
0x7b: {  	p0 =	sgt.f32 s21, $0.0e+00  }
.Ltmp7:
0x7c: {  	_ = 	snop;
	(pc) =	sbr.rel @!p0 .LBB2_6-.Ltmp7, $1  }
0x7d: {  	_ =	sdelay $0x3  }
.LBB2_5:
0x7e: {  	v5 =	vld.idx.msk [tilespmem:v2+s11+$0x0], $0xffff;
	_ =	sdelay $0x4  }
0x7f: {  	v5 =	vmax.bf16 v4, v5  }
0x80: {  	[tilespmem:v2+s11+$0x0] =	vst.idx.msk vm0, v5  }
0x81: {  	v5 =	vld.idx.msk [tilespmem:v2+s11+$0x0], $0xffff;
	_ =	sdelay $0x4  }
0x82: {  	v6 =	vmax.bf16 v4, v5  }
0x83: {  	vm0 =	vne.s32 v5, v6  }
0x84: {  	v5 =	vsel vm0, $0x3F800000, v1  }
0x85: {  	(xrf0) =	vmax.scan.msk.f32 $0xffff, v5;
	_ =	sdelay $0x5  }
0x86: {  	v5, _, _ =	vpop (xrf0)  }
0x87: {  	(v2sf) =	vpush v5, $0xF;
	_ =	sdelay $0xe  }
0x88: {  	s21 =	spop (v2sf)  }
0x89: {  	p0 =	sgt.f32 s21, $0.0e+00  }
.Ltmp8:
0x8a: {  	_ = 	snop;
	(pc) =	sbr.rel @p0 .LBB2_5-.Ltmp8, $1  }
0x8b: {  	_ =	sdelay $0x3  }
.LBB2_6:
0x8c: {  	_ =	sdelay $0x3  }
0x8d: {  	v3 =	vld.idx.msk [tilespmem:v3+s12+$0x0], $0xffff  }
0x8e: {  	v4 =	vld.idx.msk [tilespmem:v2+s13+$0x0], $0xffff;
	_ =	sdelay $0x4  }
0x8f: {  	v5 =	vmax.bf16 v3, v4  }
0x90: {  	vm0 =	vne.s32 v4, v5  }
0x91: {  	v4 =	vsel vm0, $0x3F800000, v1  }
0x92: {  	(xrf0) =	vmax.scan.msk.f32 $0xffff, v4;
	_ =	sdelay $0x5  }
0x93: {  	v4, _, _ =	vpop (xrf0)  }
0x94: {  	(v2sf) =	vpush v4, $0xF;
	_ =	sdelay $0xe  }
0x95: {  	s21 =	spop (v2sf)  }
0x96: {  	p0 =	sgt.f32 s21, $0.0e+00  }
.Ltmp9:
0x97: {  	_ = 	snop;
	(pc) =	sbr.rel @!p0 .LBB2_8-.Ltmp9, $1  }
0x98: {  	_ =	sdelay $0x3  }
.LBB2_7:
0x99: {  	v4 =	vld.idx.msk [tilespmem:v2+s13+$0x0], $0xffff;
	_ =	sdelay $0x4  }
0x9a: {  	v4 =	vmax.bf16 v3, v4  }
0x9b: {  	[tilespmem:v2+s13+$0x0] =	vst.idx.msk vm0, v4  }
0x9c: {  	v4 =	vld.idx.msk [tilespmem:v2+s13+$0x0], $0xffff;
	_ =	sdelay $0x4  }
0x9d: {  	v5 =	vmax.bf16 v3, v4  }
0x9e: {  	vm0 =	vne.s32 v4, v5  }
0x9f: {  	v4 =	vsel vm0, $0x3F800000, v1  }
0xa0: {  	(xrf0) =	vmax.scan.msk.f32 $0xffff, v4;
	_ =	sdelay $0x5  }
0xa1: {  	v4, _, _ =	vpop (xrf0)  }
0xa2: {  	(v2sf) =	vpush v4, $0xF;
	_ =	sdelay $0xe  }
0xa3: {  	s21 =	spop (v2sf)  }
0xa4: {  	p0 =	sgt.f32 s21, $0.0e+00  }
.Ltmp10:
0xa5: {  	_ = 	snop;
	(pc) =	sbr.rel @p0 .LBB2_7-.Ltmp10, $1  }
0xa6: {  	_ =	sdelay $0x3  }
.LBB2_8:
0xa7: {  	s21 =	sor.u32 $0x10, s20  }
0xa8: {  	v3 =	vld [tilespmem:s21+$0x9E00]  }
0xa9: {  	v2 =	vld [tilespmem:s21+$0x11E00];
	_ =	sdelay $0x6  }
0xaa: {  	v4 =	vld.idx.msk [tilespmem:v3+s2+$0x0], $0xffff  }
0xab: {  	v5 =	vld.idx.msk [tilespmem:v2+s11+$0x0], $0xffff;
	_ =	sdelay $0x4  }
0xac: {  	v6 =	vmax.bf16 v4, v5  }
0xad: {  	vm0 =	vne.s32 v5, v6  }
0xae: {  	v5 =	vsel vm0, $0x3F800000, v1  }
0xaf: {  	(xrf0) =	vmax.scan.msk.f32 $0xffff, v5;
	_ =	sdelay $0x5  }
0xb0: {  	v5, _, _ =	vpop (xrf0)  }
0xb1: {  	(v2sf) =	vpush v5, $0xF;
	_ =	sdelay $0xe  }
0xb2: {  	s31 =	spop (v2sf)  }
0xb3: {  	p0 =	sgt.f32 s31, $0.0e+00  }
.Ltmp11:
0xb4: {  	_ = 	snop;
	(pc) =	sbr.rel @!p0 .LBB2_10-.Ltmp11, $1  }
0xb5: {  	_ =	sdelay $0x3  }
.LBB2_9:
0xb6: {  	v5 =	vld.idx.msk [tilespmem:v2+s11+$0x0], $0xffff;
	_ =	sdelay $0x4  }
0xb7: {  	v5 =	vmax.bf16 v4, v5  }
0xb8: {  	[tilespmem:v2+s11+$0x0] =	vst.idx.msk vm0, v5  }
0xb9: {  	v5 =	vld.idx.msk [tilespmem:v2+s11+$0x0], $0xffff;
	_ =	sdelay $0x4  }
0xba: {  	v6 =	vmax.bf16 v4, v5  }
0xbb: {  	vm0 =	vne.s32 v5, v6  }
0xbc: {  	v5 =	vsel vm0, $0x3F800000, v1  }
0xbd: {  	(xrf0) =	vmax.scan.msk.f32 $0xffff, v5;
	_ =	sdelay $0x5  }
0xbe: {  	v5, _, _ =	vpop (xrf0)  }
0xbf: {  	(v2sf) =	vpush v5, $0xF;
	_ =	sdelay $0xe  }
0xc0: {  	s21 =	spop (v2sf)  }
0xc1: {  	p0 =	sgt.f32 s21, $0.0e+00  }
.Ltmp12:
0xc2: {  	_ = 	snop;
	(pc) =	sbr.rel @p0 .LBB2_9-.Ltmp12, $1  }
0xc3: {  	_ =	sdelay $0x3  }
.LBB2_10:
0xc4: {  	_ =	sdelay $0x3  }
0xc5: {  	v3 =	vld.idx.msk [tilespmem:v3+s12+$0x0], $0xffff  }
0xc6: {  	v4 =	vld.idx.msk [tilespmem:v2+s13+$0x0], $0xffff;
	_ =	sdelay $0x4  }
0xc7: {  	v5 =	vmax.bf16 v3, v4  }
0xc8: {  	vm0 =	vne.s32 v4, v5  }
0xc9: {  	v4 =	vsel vm0, $0x3F800000, v1  }
0xca: {  	(xrf0) =	vmax.scan.msk.f32 $0xffff, v4;
	_ =	sdelay $0x5  }
0xcb: {  	v4, _, _ =	vpop (xrf0)  }
0xcc: {  	(v2sf) =	vpush v4, $0xF;
	_ =	sdelay $0xe  }
0xcd: {  	s21 =	spop (v2sf)  }
0xce: {  	p0 =	sgt.f32 s21, $0.0e+00  }
.Ltmp13:
0xcf: {  	_ = 	snop;
	(pc) =	sbr.rel @!p0 .LBB2_12-.Ltmp13, $1  }
0xd0: {  	_ =	sdelay $0x3  }
.LBB2_11:
0xd1: {  	v4 =	vld.idx.msk [tilespmem:v2+s13+$0x0], $0xffff;
	_ =	sdelay $0x4  }
0xd2: {  	v4 =	vmax.bf16 v3, v4  }
0xd3: {  	[tilespmem:v2+s13+$0x0] =	vst.idx.msk vm0, v4  }
0xd4: {  	v4 =	vld.idx.msk [tilespmem:v2+s13+$0x0], $0xffff;
	_ =	sdelay $0x4  }
0xd5: {  	v5 =	vmax.bf16 v3, v4  }
0xd6: {  	vm0 =	vne.s32 v4, v5  }
0xd7: {  	v4 =	vsel vm0, $0x3F800000, v1  }
0xd8: {  	(xrf0) =	vmax.scan.msk.f32 $0xffff, v4;
	_ =	sdelay $0x5  }
0xd9: {  	v4, _, _ =	vpop (xrf0)  }
0xda: {  	(v2sf) =	vpush v4, $0xF;
	_ =	sdelay $0xe  }
0xdb: {  	s21 =	spop (v2sf)  }
0xdc: {  	p0 =	sgt.f32 s21, $0.0e+00  }
.Ltmp14:
0xdd: {  	_ = 	snop;
	(pc) =	sbr.rel @p0 .LBB2_11-.Ltmp14, $1  }
0xde: {  	_ =	sdelay $0x3  }
.LBB2_12:
0xdf: {  	s21 =	sor.u32 $0x20, s20  }
0xe0: {  	v3 =	vld [tilespmem:s21+$0x9E00]  }
0xe1: {  	v2 =	vld [tilespmem:s21+$0x11E00];
	_ =	sdelay $0x6  }
0xe2: {  	v4 =	vld.idx.msk [tilespmem:v3+s2+$0x0], $0xffff  }
0xe3: {  	v5 =	vld.idx.msk [tilespmem:v2+s11+$0x0], $0xffff;
	_ =	sdelay $0x4  }
0xe4: {  	v6 =	vmax.bf16 v4, v5  }
0xe5: {  	vm0 =	vne.s32 v5, v6  }
0xe6: {  	v5 =	vsel vm0, $0x3F800000, v1  }
0xe7: {  	(xrf0) =	vmax.scan.msk.f32 $0xffff, v5;
	_ =	sdelay $0x5  }
0xe8: {  	v5, _, _ =	vpop (xrf0)  }
0xe9: {  	(v2sf) =	vpush v5, $0xF;
	_ =	sdelay $0xe  }
0xea: {  	s31 =	spop (v2sf)  }
0xeb: {  	p0 =	sgt.f32 s31, $0.0e+00  }
.Ltmp15:
0xec: {  	_ = 	snop;
	(pc) =	sbr.rel @!p0 .LBB2_14-.Ltmp15, $1  }
0xed: {  	_ =	sdelay $0x3  }
.LBB2_13:
0xee: {  	v5 =	vld.idx.msk [tilespmem:v2+s11+$0x0], $0xffff;
	_ =	sdelay $0x4  }
0xef: {  	v5 =	vmax.bf16 v4, v5  }
0xf0: {  	[tilespmem:v2+s11+$0x0] =	vst.idx.msk vm0, v5  }
0xf1: {  	v5 =	vld.idx.msk [tilespmem:v2+s11+$0x0], $0xffff;
	_ =	sdelay $0x4  }
0xf2: {  	v6 =	vmax.bf16 v4, v5  }
0xf3: {  	vm0 =	vne.s32 v5, v6  }
0xf4: {  	v5 =	vsel vm0, $0x3F800000, v1  }
0xf5: {  	(xrf0) =	vmax.scan.msk.f32 $0xffff, v5;
	_ =	sdelay $0x5  }
0xf6: {  	v5, _, _ =	vpop (xrf0)  }
0xf7: {  	(v2sf) =	vpush v5, $0xF;
	_ =	sdelay $0xe  }
0xf8: {  	s21 =	spop (v2sf)  }
0xf9: {  	p0 =	sgt.f32 s21, $0.0e+00  }
.Ltmp16:
0xfa: {  	_ = 	snop;
	(pc) =	sbr.rel @p0 .LBB2_13-.Ltmp16, $1  }
0xfb: {  	_ =	sdelay $0x3  }
.LBB2_14:
0xfc: {  	_ =	sdelay $0x3  }
0xfd: {  	v3 =	vld.idx.msk [tilespmem:v3+s12+$0x0], $0xffff  }
0xfe: {  	v4 =	vld.idx.msk [tilespmem:v2+s13+$0x0], $0xffff;
	_ =	sdelay $0x4  }
0xff: {  	v5 =	vmax.bf16 v3, v4  }
0x100: {  	vm0 =	vne.s32 v4, v5  }
0x101: {  	v4 =	vsel vm0, $0x3F800000, v1  }
0x102: {  	(xrf0) =	vmax.scan.msk.f32 $0xffff, v4;
	_ =	sdelay $0x5  }
0x103: {  	v4, _, _ =	vpop (xrf0)  }
0x104: {  	(v2sf) =	vpush v4, $0xF;
	_ =	sdelay $0xe  }
0x105: {  	s21 =	spop (v2sf)  }
0x106: {  	p0 =	sgt.f32 s21, $0.0e+00  }
.Ltmp17:
0x107: {  	_ = 	snop;
	(pc) =	sbr.rel @!p0 .LBB2_16-.Ltmp17, $1  }
0x108: {  	_ =	sdelay $0x3  }
.LBB2_15:
0x109: {  	v4 =	vld.idx.msk [tilespmem:v2+s13+$0x0], $0xffff;
	_ =	sdelay $0x4  }
0x10a: {  	v4 =	vmax.bf16 v3, v4  }
0x10b: {  	[tilespmem:v2+s13+$0x0] =	vst.idx.msk vm0, v4  }
0x10c: {  	v4 =	vld.idx.msk [tilespmem:v2+s13+$0x0], $0xffff;
	_ =	sdelay $0x4  }
0x10d: {  	v5 =	vmax.bf16 v3, v4  }
0x10e: {  	vm0 =	vne.s32 v4, v5  }
0x10f: {  	v4 =	vsel vm0, $0x3F800000, v1  }
0x110: {  	(xrf0) =	vmax.scan.msk.f32 $0xffff, v4;
	_ =	sdelay $0x5  }
0x111: {  	v4, _, _ =	vpop (xrf0)  }
0x112: {  	(v2sf) =	vpush v4, $0xF;
	_ =	sdelay $0xe  }
0x113: {  	s21 =	spop (v2sf)  }
0x114: {  	p0 =	sgt.f32 s21, $0.0e+00  }
.Ltmp18:
0x115: {  	_ = 	snop;
	(pc) =	sbr.rel @p0 .LBB2_15-.Ltmp18, $1  }
0x116: {  	_ =	sdelay $0x3  }
.LBB2_16:
0x117: {  	s20 =	sor.u32 $0x30, s20  }
0x118: {  	v3 =	vld [tilespmem:s20+$0x9E00]  }
0x119: {  	v2 =	vld [tilespmem:s20+$0x11E00];
	_ =	sdelay $0x6  }
0x11a: {  	v4 =	vld.idx.msk [tilespmem:v3+s2+$0x0], $0xffff  }
0x11b: {  	v5 =	vld.idx.msk [tilespmem:v2+s11+$0x0], $0xffff;
	_ =	sdelay $0x4  }
0x11c: {  	v6 =	vmax.bf16 v4, v5  }
0x11d: {  	vm0 =	vne.s32 v5, v6  }
0x11e: {  	v5 =	vsel vm0, $0x3F800000, v1  }
0x11f: {  	(xrf0) =	vmax.scan.msk.f32 $0xffff, v5;
	_ =	sdelay $0x5  }
0x120: {  	v5, _, _ =	vpop (xrf0)  }
0x121: {  	(v2sf) =	vpush v5, $0xF;
	_ =	sdelay $0xe  }
0x122: {  	s31 =	spop (v2sf)  }
0x123: {  	p0 =	sgt.f32 s31, $0.0e+00  }
.Ltmp19:
0x124: {  	_ = 	snop;
	(pc) =	sbr.rel @!p0 .LBB2_18-.Ltmp19, $1  }
0x125: {  	_ =	sdelay $0x3  }
.LBB2_17:
0x126: {  	v5 =	vld.idx.msk [tilespmem:v2+s11+$0x0], $0xffff;
	_ =	sdelay $0x4  }
0x127: {  	v5 =	vmax.bf16 v4, v5  }
0x128: {  	[tilespmem:v2+s11+$0x0] =	vst.idx.msk vm0, v5  }
0x129: {  	v5 =	vld.idx.msk [tilespmem:v2+s11+$0x0], $0xffff;
	_ =	sdelay $0x4  }
0x12a: {  	v6 =	vmax.bf16 v4, v5  }
0x12b: {  	vm0 =	vne.s32 v5, v6  }
0x12c: {  	v5 =	vsel vm0, $0x3F800000, v1  }
0x12d: {  	(xrf0) =	vmax.scan.msk.f32 $0xffff, v5;
	_ =	sdelay $0x5  }
0x12e: {  	v5, _, _ =	vpop (xrf0)  }
0x12f: {  	(v2sf) =	vpush v5, $0xF;
	_ =	sdelay $0xe  }
0x130: {  	s20 =	spop (v2sf)  }
0x131: {  	p0 =	sgt.f32 s20, $0.0e+00  }
.Ltmp20:
0x132: {  	_ = 	snop;
	(pc) =	sbr.rel @p0 .LBB2_17-.Ltmp20, $1  }
0x133: {  	_ =	sdelay $0x3  }
.LBB2_18:
0x134: {  	_ =	sdelay $0x3  }
0x135: {  	v3 =	vld.idx.msk [tilespmem:v3+s12+$0x0], $0xffff  }
0x136: {  	v4 =	vld.idx.msk [tilespmem:v2+s13+$0x0], $0xffff;
	_ =	sdelay $0x4  }
0x137: {  	v5 =	vmax.bf16 v3, v4  }
0x138: {  	vm0 =	vne.s32 v4, v5  }
0x139: {  	v4 =	vsel vm0, $0x3F800000, v1  }
0x13a: {  	(xrf0) =	vmax.scan.msk.f32 $0xffff, v4;
	_ =	sdelay $0x5  }
0x13b: {  	v4, _, _ =	vpop (xrf0)  }
0x13c: {  	(v2sf) =	vpush v4, $0xF;
	_ =	sdelay $0xe  }
0x13d: {  	s20 =	spop (v2sf)  }
0x13e: {  	p0 =	sgt.f32 s20, $0.0e+00  }
.Ltmp21:
0x13f: {  	_ = 	snop;
	(pc) =	sbr.rel @!p0 .LBB2_20-.Ltmp21, $1  }
0x140: {  	_ =	sdelay $0x3  }
.LBB2_19:
0x141: {  	v4 =	vld.idx.msk [tilespmem:v2+s13+$0x0], $0xffff;
	_ =	sdelay $0x4  }
0x142: {  	v4 =	vmax.bf16 v3, v4  }
0x143: {  	[tilespmem:v2+s13+$0x0] =	vst.idx.msk vm0, v4  }
0x144: {  	v4 =	vld.idx.msk [tilespmem:v2+s13+$0x0], $0xffff;
	_ =	sdelay $0x4  }
0x145: {  	v5 =	vmax.bf16 v3, v4  }
0x146: {  	vm0 =	vne.s32 v4, v5  }
0x147: {  	v4 =	vsel vm0, $0x3F800000, v1  }
0x148: {  	(xrf0) =	vmax.scan.msk.f32 $0xffff, v4;
	_ =	sdelay $0x5  }
0x149: {  	v4, _, _ =	vpop (xrf0)  }
0x14a: {  	(v2sf) =	vpush v4, $0xF;
	_ =	sdelay $0xe  }
0x14b: {  	s20 =	spop (v2sf)  }
0x14c: {  	p0 =	sgt.f32 s20, $0.0e+00  }
.Ltmp22:
0x14d: {  	_ = 	snop;
	(pc) =	sbr.rel @p0 .LBB2_19-.Ltmp22, $1  }
0x14e: {  	_ =	sdelay $0x3  }
.Ltmp23:
0x14f: {  	_ = 	snop;
	(pc) =	sbr.rel .LBB2_20-.Ltmp23, $1  }
0x150: {  	_ =	sdelay $0x3  }
.LBB2_23:
0x151: {  	_ =	sfence.sel $0x180000  }
0x152: {  	[bflag:$0x0] =	sbarrier.arrive $0xFFFF  }
0x153: {  	p0 =	sne.s32 s1, $0x0;
	_ =	strace $0x90000047  }
0x154: {  	s0 =	sadd.s32 @!p0 $0x100000, s0;
	[bflag:$0x2] =	sbarrier.arrive $0xFFFF  }
0x155: {  	[sflag:s0] =	ssyncadd.tile.s32 @!p0 $0x1;
	_ =	shalt  }
.Lfunc_end2:
_tile_overlayer_lowered:
.L_overlay_start_2:
0x156: {  	(tag) =	ssettag $0x2  }
0x157: {  	s0 =	rddreg [dreg:$0x0];
	s2 =	stileid.u32  }
0x158: {  	s1 =	rddreg [dreg:$0x1];
	p0 =	sne.s32 s2, $0x0  }
0x159: {  	s3 =	rddreg [dreg:$0x2];
	[bflag:$0x3] =	sbarrier.arrive $0xFFFF;
	s2 =	simm.s32 @!p0 $0x1C01  }
0x15a: {  	[timem:s3], [sflag:s2] =	dma.local @!p0 [hbm:s0], s1  }
0x15b: {  	s0 =	simm.s32 @!p0 $0x1  }
0x15c: {  	_ =	swait.ge @!p0 [sflag:s0], s1  }
0x15d: {  	s1 =	ssub.s32 @!p0 $0x0, s1;
	[sflag:s0] =	ssyncset.done @!p0 $0x0  }
0x15e: {  	[sflag:s0] =	ssyncadd.s32 @!p0 s1  }
0x15f: {  	[bflag:$0x3] =	sbarrier.arrive $0xFFFF  }
0x160: {  	_ =	shalt  }

</sc_bundles>
